<compile_context>
chip_gen: v7x
topology: tpu7x:2x2x1
jax: 0.10.2.dev20260603
libtpu: 0.0.44.dev20260713+nightly
codegen_flags: <defaults>
</compile_context>

<pallas_src>
import functools

import jax
import jax.numpy as jnp
from jax import lax
from jax.experimental import pallas as pl
from jax.experimental.pallas import tpu as pltpu
from jax.experimental.pallas import tpu_sc as plsc

_LANES = 16
_NCORES = 2
_NSUB = 16
_CHUNK = 128


def _mesh():
    return plsc.VectorSubcoreMesh(core_axis_name="c", subcore_axis_name="s")


def _embed_body(x_ref, w1_ref, b1_ref, w2_ref, b2_ref, w3_ref, b3_ref, o_ref):
    P = x_ref.shape[1]
    acc = None
    for p in range(P):
        a = jnp.dot(x_ref[:, p, :], w1_ref[...],
                    preferred_element_type=jnp.float32)
        a = jnp.maximum(a + b1_ref[...], 0.0)
        acc = a if acc is None else acc + a
    h2 = jnp.dot(acc, w2_ref[...], preferred_element_type=jnp.float32)
    h2 = h2 + P * b2_ref[...]
    h3 = jnp.dot(h2, w3_ref[...], preferred_element_type=jnp.float32)
    h3 = h3 + b3_ref[...]
    o_ref[...] = jnp.maximum(h3, 0.0)


def _embed(x, W1, b1, W2, b2, W3, b3, bn=256):
    N, P, Cin = x.shape
    H = W1.shape[1]
    C2 = W2.shape[1]
    C3 = W3.shape[1]
    return pl.pallas_call(
        _embed_body,
        grid=(pl.cdiv(N, bn),),
        in_specs=[
            pl.BlockSpec((bn, P, Cin), lambda i: (i, 0, 0)),
            pl.BlockSpec((Cin, H), lambda i: (0, 0)),
            pl.BlockSpec((1, H), lambda i: (0, 0)),
            pl.BlockSpec((H, C2), lambda i: (0, 0)),
            pl.BlockSpec((1, C2), lambda i: (0, 0)),
            pl.BlockSpec((C2, C3), lambda i: (0, 0)),
            pl.BlockSpec((1, C3), lambda i: (0, 0)),
        ],
        out_specs=pl.BlockSpec((bn, C3), lambda i: (i, 0)),
        out_shape=jax.ShapeDtypeStruct((N, C3), jnp.float32),
    )(x, W1, b1.reshape(1, H), W2, b2.reshape(1, C2), W3, b3.reshape(1, C3))


_DEGW = 128


def _sc_deg(dst2d, N_pad):
    total_rows = dst2d.shape[0]
    n_chunks = total_rows // (_NCORES * _NSUB)
    rw = N_pad // _NSUB

    @functools.partial(
        pl.kernel,
        mesh=_mesh(),
        out_type=jax.ShapeDtypeStruct((_NCORES, N_pad, _DEGW), jnp.float32),
        scratch_types=[
            pltpu.VMEM((n_chunks, _CHUNK), jnp.int32),
            pltpu.VMEM((_CHUNK, _DEGW), jnp.float32),
            pltpu.VMEM_SHARED((N_pad, _DEGW), jnp.float32),
            pltpu.SemaphoreType.DMA,
        ],
    )
    def deg_kernel(dst_hbm, zeros_hbm, ones_hbm, out_hbm,
                   dsts, ones_v, accd, ssem):
        c = lax.axis_index("c")
        s = lax.axis_index("s")
        pltpu.sync_copy(zeros_hbm.at[pl.ds(s * rw, rw)],
                        accd.at[pl.ds(s * rw, rw)])
        pltpu.sync_copy(ones_hbm, ones_v)
        rbase = c * (_NSUB * n_chunks) + s * n_chunks
        pltpu.sync_copy(dst_hbm.at[pl.ds(rbase, n_chunks)], dsts)
        plsc.subcore_barrier()

        def chunk(j, carry):
            pltpu.async_copy(ones_v, accd.at[dsts.at[j]], ssem, add=True)

            @pl.when(j > 0)
            def _():
                pltpu.make_async_copy(ones_v, accd.at[dsts.at[0]], ssem).wait()
            return carry

        lax.fori_loop(0, n_chunks, chunk, 0)
        pltpu.make_async_copy(ones_v, accd.at[dsts.at[0]], ssem).wait()
        plsc.subcore_barrier()
        pltpu.sync_copy(accd.at[pl.ds(s * rw, rw)],
                        out_hbm.at[c, pl.ds(s * rw, rw)])

    zeros = jnp.zeros((N_pad, _DEGW), jnp.float32)
    ones = jnp.ones((_CHUNK, _DEGW), jnp.float32)
    return deg_kernel(dst2d, zeros, ones)


def _sc_conv(z_flat, src2d, dst2d, N_pad, Dh):
    total_rows = src2d.shape[0]
    rows_pt = total_rows // _NSUB
    n_half = 2
    half = rows_pt // n_half
    assert half % 2 == 0
    rw = N_pad // _NSUB

    @functools.partial(
        pl.kernel,
        mesh=_mesh(),
        out_type=jax.ShapeDtypeStruct((_NCORES, N_pad, Dh), jnp.float32),
        scratch_types=[
            pltpu.VMEM((half, _CHUNK), jnp.int32),
            pltpu.VMEM((half, _CHUNK), jnp.int32),
            pltpu.VMEM((_CHUNK, Dh), jnp.float32),
            pltpu.VMEM((_CHUNK, Dh), jnp.float32),
            pltpu.VMEM_SHARED((N_pad, Dh), jnp.float32),
            pltpu.SemaphoreType.DMA,
            pltpu.SemaphoreType.DMA,
            pltpu.SemaphoreType.DMA,
            pltpu.SemaphoreType.DMA,
        ],
    )
    def conv_kernel(z_hbm, src_hbm, dst_hbm, out_hbm,
                    srcs, dsts, rows0, rows1, acc, gsem0, gsem1, ssem0, ssem1):
        c = lax.axis_index("c")
        s = lax.axis_index("s")
        pltpu.sync_copy(z_hbm.at[pl.ds(c * N_pad + s * rw, rw)],
                        acc.at[pl.ds(s * rw, rw)])
        plsc.subcore_barrier()
        cN = c * N_pad

        def fix(j, carry):
            for i in range(_CHUNK // _LANES):
                sl = pl.ds(i * _LANES, _LANES)
                srcs[j, sl] = srcs[j, sl] + cN
            return carry

        def wait_g(rows, gsem):
            pltpu.make_async_copy(z_hbm.at[srcs.at[0]], rows, gsem).wait()

        def wait_s(rows, ssem):
            pltpu.make_async_copy(rows, acc.at[dsts.at[0]], ssem).wait()

        def pair(k, carry):
            j0 = 2 * k
            @pl.when(k > 0)
            def _():
                wait_s(rows1, ssem1)
            pltpu.async_copy(z_hbm.at[srcs.at[j0 + 1]], rows1, gsem1)
            wait_g(rows0, gsem0)
            pltpu.async_copy(rows0, acc.at[dsts.at[j0]], ssem0, add=True)
            wait_s(rows0, ssem0)

            @pl.when(k + 1 < half // 2)
            def _():
                pltpu.async_copy(z_hbm.at[srcs.at[j0 + 2]], rows0, gsem0)

            wait_g(rows1, gsem1)
            pltpu.async_copy(rows1, acc.at[dsts.at[j0 + 1]], ssem1, add=True)
            return carry

        for hh in range(n_half):
            rbase = s * rows_pt + hh * half
            pltpu.sync_copy(src_hbm.at[pl.ds(rbase, half)], srcs)
            pltpu.sync_copy(dst_hbm.at[pl.ds(rbase, half)], dsts)
            lax.fori_loop(0, half, fix, 0)
            pltpu.async_copy(z_hbm.at[srcs.at[0]], rows0, gsem0)
            lax.fori_loop(0, half // 2, pair, 0)
            wait_s(rows1, ssem1)

        plsc.subcore_barrier()
        pltpu.sync_copy(acc.at[pl.ds(s * rw, rw)],
                        out_hbm.at[c, pl.ds(s * rw, rw)])

    return conv_kernel(z_flat, src2d, dst2d)


def _dinv_of(deg_ref):
    deg = deg_ref[0, :, 0:1] + deg_ref[1, :, 0:1] + 1.0
    return lax.rsqrt(deg)


def _z1_body(h_ref, deg_ref, wc_ref, o_ref):
    Dh = o_ref.shape[2]
    dinv = _dinv_of(deg_ref)
    z = jnp.dot(h_ref[...], wc_ref[...],
                preferred_element_type=jnp.float32) * dinv
    o_ref[0] = z[:, :Dh]
    o_ref[1] = z[:, Dh:]


def _z1(h, degpair, Wc, N_pad, bn=2000):
    N, C = h.shape
    Dh = C // 2
    return pl.pallas_call(
        _z1_body,
        grid=(pl.cdiv(N, bn),),
        in_specs=[
            pl.BlockSpec((bn, C), lambda i: (i, 0)),
            pl.BlockSpec((2, bn, _DEGW), lambda i: (0, i, 0)),
            pl.BlockSpec((C, C), lambda i: (0, 0)),
        ],
        out_specs=pl.BlockSpec((2, bn, Dh), lambda i: (0, i, 0)),
        out_shape=jax.ShapeDtypeStruct((2, N_pad, Dh), jnp.float32),
    )(h, degpair, Wc)


def _z2_body(a1_ref, deg_ref, bc1_ref, wc2_ref, o_ref):
    Dh = o_ref.shape[2]
    dinv = _dinv_of(deg_ref)
    y0 = jnp.maximum(a1_ref[0] * dinv + bc1_ref[:, :Dh], 0.0)
    y1 = jnp.maximum(a1_ref[1] * dinv + bc1_ref[:, Dh:], 0.0)
    z = (jnp.dot(y0, wc2_ref[:Dh, :], preferred_element_type=jnp.float32)
         + jnp.dot(y1, wc2_ref[Dh:, :], preferred_element_type=jnp.float32))
    z = z * dinv
    o_ref[0] = z[:, :Dh]
    o_ref[1] = z[:, Dh:]


def _z2(a1, degpair, bc1, Wc2, N, bn=2000):
    _, N_pad, Dh = a1.shape
    C = 2 * Dh
    return pl.pallas_call(
        _z2_body,
        grid=(pl.cdiv(N, bn),),
        in_specs=[
            pl.BlockSpec((2, bn, Dh), lambda i: (0, i, 0)),
            pl.BlockSpec((2, bn, _DEGW), lambda i: (0, i, 0)),
            pl.BlockSpec((1, C), lambda i: (0, 0)),
            pl.BlockSpec((C, C), lambda i: (0, 0)),
        ],
        out_specs=pl.BlockSpec((2, bn, Dh), lambda i: (0, i, 0)),
        out_shape=jax.ShapeDtypeStruct((2, N_pad, Dh), jnp.float32),
    )(a1, degpair, bc1.reshape(1, C), Wc2)


def _final_body(a2_ref, deg_ref, bc2_ref, h_ref, o_ref):
    Dh = a2_ref.shape[2]
    dinv = _dinv_of(deg_ref)
    o20 = a2_ref[0] * dinv + bc2_ref[:, :Dh]
    o21 = a2_ref[1] * dinv + bc2_ref[:, Dh:]
    h0 = h_ref[:, :Dh]
    h1 = h_ref[:, Dh:]
    o_ref[:, :Dh] = jnp.maximum(h0 + o20, 0.0) + h0
    o_ref[:, Dh:] = jnp.maximum(h1 + o21, 0.0) + h1


def _final(a2, degpair, bc2, h, bn=2000):
    N, C = h.shape
    Dh = C // 2
    return pl.pallas_call(
        _final_body,
        grid=(pl.cdiv(N, bn),),
        in_specs=[
            pl.BlockSpec((2, bn, Dh), lambda i: (0, i, 0)),
            pl.BlockSpec((2, bn, _DEGW), lambda i: (0, i, 0)),
            pl.BlockSpec((1, C), lambda i: (0, 0)),
            pl.BlockSpec((bn, C), lambda i: (i, 0)),
        ],
        out_specs=pl.BlockSpec((bn, C), lambda i: (i, 0)),
        out_shape=jax.ShapeDtypeStruct((N, C), jnp.float32),
    )(a2, degpair, bc2.reshape(1, C), h)


def kernel(x, edge_index, W1, b1, W2, b2, W3, b3, Wc1, bc1, Wc2, bc2):
    N, P, Cin = x.shape
    C = W2.shape[1]
    Dh = C // 2
    E = edge_index.shape[1]

    align = _NCORES * _NSUB * _CHUNK
    E_pad = ((E + align - 1) // align) * align
    pad = E_pad - E
    nalign = _NSUB * 8
    N_pad = ((N + 1 + nalign - 1) // nalign) * nalign
    src2d = jnp.concatenate(
        [edge_index[0], jnp.zeros((pad,), edge_index.dtype)]
    ).reshape(E_pad // _CHUNK, _CHUNK)
    dst2d = jnp.concatenate(
        [edge_index[1], jnp.full((pad,), N, edge_index.dtype)]
    ).reshape(E_pad // _CHUNK, _CHUNK)

    h = _embed(x, W1, b1, W2, b2, W3, b3)
    degpair = _sc_deg(dst2d, N_pad)
    z1 = _z1(h, degpair, Wc1, N_pad)
    a1 = _sc_conv(z1.reshape(2 * N_pad, Dh), src2d, dst2d, N_pad, Dh)
    z2 = _z2(a1, degpair, bc1, Wc2, N)
    a2 = _sc_conv(z2.reshape(2 * N_pad, Dh), src2d, dst2d, N_pad, Dh)
    return _final(a2, degpair, bc2, h)

# --- scband reference (transcript-rebuilt; emitter-appended) ---
"""Pipeline reference for scband-gcn-24318104830551 (READ-ONLY COPY).

The authoritative reference and input builder live on the scoring server;
editing this copy changes nothing except your own understanding.
"""

import jax, jax.numpy as jnp
import numpy as np


def _gcn_conv(x, edge_index, W, b):
    # torch_geometric GCNConv: add self-loops, symmetric normalization, x @ W, scatter-add, + bias
    N = x.shape[0]
    src = edge_index[0]
    dst = edge_index[1]
    loop = jnp.arange(N, dtype=src.dtype)
    src = jnp.concatenate([src, loop])
    dst = jnp.concatenate([dst, loop])
    deg = jnp.zeros((N,), x.dtype).at[dst].add(jnp.ones_like(dst, x.dtype))
    dinv = jax.lax.rsqrt(jnp.maximum(deg, 1.0))
    norm = dinv[src] * dinv[dst]
    xw = x @ W
    msg = jnp.take(xw, src, axis=0) * norm[:, None]
    out = jnp.zeros((N, W.shape[1]), x.dtype).at[dst].add(msg)
    return out + b


def setup_inputs(seed: int = 0) -> dict:
    key = jax.random.key(seed)
    ks = jax.random.split(key, 12)
    N, P, Cin, H, Cout, E = 10000, 8, 512, 512, 256, 160000
    x = jax.random.normal(ks[0], (N, P, Cin), dtype=jnp.float32)
    edge_index = jax.random.randint(ks[1], (2, E), 0, N, dtype=jnp.int32)
    W1 = jax.random.normal(ks[2], (Cin, H), dtype=jnp.float32) * 0.02
    b1 = jnp.zeros((H,), jnp.float32)
    W2 = jax.random.normal(ks[3], (H, Cout), dtype=jnp.float32) * 0.02
    b2 = jnp.zeros((Cout,), jnp.float32)
    W3 = jax.random.normal(ks[4], (Cout, Cout), dtype=jnp.float32) * 0.02
    b3 = jnp.zeros((Cout,), jnp.float32)
    Wc1 = jax.random.normal(ks[5], (Cout, Cout), dtype=jnp.float32) * 0.05
    bc1 = jnp.zeros((Cout,), jnp.float32)
    Wc2 = jax.random.normal(ks[6], (Cout, Cout), dtype=jnp.float32) * 0.05
    bc2 = jnp.zeros((Cout,), jnp.float32)
    return {"x": x, "edge_index": edge_index, "W1": W1, "b1": b1, "W2": W2,
            "b2": b2, "W3": W3, "b3": b3, "Wc1": Wc1, "bc1": bc1,
            "Wc2": Wc2, "bc2": bc2}


def reference(x, edge_index, W1, b1, W2, b2, W3, b3, Wc1, bc1, Wc2, bc2):
    # Embedder
    h = jax.nn.relu(x @ W1 + b1)
    h = h @ W2 + b2
    h = h.sum(axis=-2)
    h = h @ W3 + b3
    # GCN forward
    h = jax.nn.relu(h)
    inp = h
    y = jax.nn.relu(_gcn_conv(h, edge_index, Wc1, bc1))
    y = _gcn_conv(y, edge_index, Wc2, bc2)
    h = jax.nn.relu(h + y)
    return h + inp

if __name__ == "__main__":
    import jax
    _d = setup_inputs()
    print(jax.jit(kernel)(*tuple(_d.values())))

</pallas_src>

<mosaic_0001>
#map = affine_map<(d0, d1) -> (0, 0)>
#map1 = affine_map<(d0, d1) -> (0, 0, 0)>
module attributes {stable_mosaic.version = 14 : i64} {
  func.func @conv_kernel(%arg0: i32, %arg1: i32, %arg2: memref<20224x128xf32, #tpu.memory_space<hbm>>, %arg3: memref<1280x128xi32, #tpu.memory_space<hbm>>, %arg4: memref<1280x128xi32, #tpu.memory_space<hbm>>, %arg5: memref<2x10112x128xf32, #tpu.memory_space<hbm>>, %arg6: memref<40x128xi32, #tpu.memory_space<vmem>>, %arg7: memref<40x128xi32, #tpu.memory_space<vmem>>, %arg8: memref<128x128xf32, #tpu.memory_space<vmem>>, %arg9: memref<128x128xf32, #tpu.memory_space<vmem>>, %arg10: memref<10112x128xf32, #tpu.memory_space<vmem_shared>>, %arg11: memref<!tpu.dma_semaphore, #tpu.memory_space<semaphore_mem>>, %arg12: memref<!tpu.dma_semaphore, #tpu.memory_space<semaphore_mem>>, %arg13: memref<!tpu.dma_semaphore, #tpu.memory_space<semaphore_mem>>, %arg14: memref<!tpu.dma_semaphore, #tpu.memory_space<semaphore_mem>>) attributes {dimension_semantics = [#tpu.dimension_semantics<core_parallel>, #tpu.dimension_semantics<subcore_parallel>], iteration_bounds = array<i64: 2, 16>, scalar_prefetch = 0 : i64, scratch_operands = 9 : i64, tpu.core_type = #tpu.core_type<sc_vector_subcore>, window_params = [{transform_indices = #map}, {transform_indices = #map}, {transform_indices = #map}, {transform_indices = #map1}]} {
    %mul3A = arith.constant 10112 : i32
    %mul3A_0 = arith.muli %arg0, %mul3A : i32
    %mul3A_1 = arith.constant 632 : i32
    %mul3A_2 = arith.muli %arg1, %mul3A_1 : i32
    %add3A = arith.addi %mul3A_0, %mul3A_2 : i32
    %mul3A_3 = arith.constant 632 : i32
    %mul3A_4 = arith.muli %arg1, %mul3A_3 : i32
    "tpu.region"() ({
      %run_scoped3A = tpu.sem_alloc : memref<!tpu.dma_semaphore, #tpu.memory_space<semaphore_mem>>
      %dma_start3A_69 = arith.constant 0 : i32
      %dma_start3A_70 = tpu.memref_slice %arg10[%mul3A_4, %dma_start3A_69] : memref<10112x128xf32, #tpu.memory_space<vmem_shared>> -> memref<632x128xf32, #tpu.memory_space<vmem_shared>>
      %dma_start3A_71 = arith.constant 0 : i32
      %dma_start3A_72 = tpu.memref_slice %arg2[%add3A, %dma_start3A_71] : memref<20224x128xf32, #tpu.memory_space<hbm>> -> memref<632x128xf32, #tpu.memory_space<hbm>>
      tpu.enqueue_dma source(%dma_start3A_72 : memref<632x128xf32, #tpu.memory_space<hbm>>) target(%dma_start3A_70 : memref<632x128xf32, #tpu.memory_space<vmem_shared>>) target_semaphore(%run_scoped3A : memref<!tpu.dma_semaphore, #tpu.memory_space<semaphore_mem>>)
      %dma_wait3A_73 = arith.constant 0 : i32
      %dma_wait3A_74 = tpu.memref_slice %arg10[%mul3A_4, %dma_wait3A_73] : memref<10112x128xf32, #tpu.memory_space<vmem_shared>> -> memref<632x128xf32, #tpu.memory_space<vmem_shared>>
      %dma_wait3A_75 = arith.constant 0 : i32
      %dma_wait3A_76 = tpu.memref_slice %arg2[%add3A, %dma_wait3A_75] : memref<20224x128xf32, #tpu.memory_space<hbm>> -> memref<632x128xf32, #tpu.memory_space<hbm>>
      tpu.wait_dma2 semaphore(%run_scoped3A : memref<!tpu.dma_semaphore, #tpu.memory_space<semaphore_mem>>) src(%dma_wait3A_76 : memref<632x128xf32, #tpu.memory_space<hbm>>) dst(%dma_wait3A_74 : memref<632x128xf32, #tpu.memory_space<vmem_shared>>)
      tpu.yield
    }) : () -> ()
    %barrier3A = arith.constant 0 : index
    tpu.barrier barrier_id(%barrier3A)
    %mul3A_5 = arith.constant 10112 : i32
    %mul3A_6 = arith.muli %arg0, %mul3A_5 : i32
    %mul3A_7 = arith.constant 80 : i32
    %mul3A_8 = arith.muli %arg1, %mul3A_7 : i32
    %add3A_9 = arith.constant 0 : i32
    %add3A_10 = arith.addi %mul3A_8, %add3A_9 : i32
    "tpu.region"() ({
      %run_scoped3A = tpu.sem_alloc : memref<!tpu.dma_semaphore, #tpu.memory_space<semaphore_mem>>
      %dma_start3A_69 = arith.constant 0 : i32
      %dma_start3A_70 = tpu.memref_slice %arg3[%add3A_10, %dma_start3A_69] : memref<1280x128xi32, #tpu.memory_space<hbm>> -> memref<40x128xi32, #tpu.memory_space<hbm>>
      %dma_start3A_71 = arith.constant 0 : i32
      %dma_start3A_72 = tpu.memref_slice %arg3[%add3A_10, %dma_start3A_71] : memref<1280x128xi32, #tpu.memory_space<hbm>> -> memref<40x128xi32, #tpu.memory_space<hbm>>
      tpu.enqueue_dma source(%dma_start3A_72 : memref<40x128xi32, #tpu.memory_space<hbm>>) target(%arg6 : memref<40x128xi32, #tpu.memory_space<vmem>>) target_semaphore(%run_scoped3A : memref<!tpu.dma_semaphore, #tpu.memory_space<semaphore_mem>>)
      %dma_wait3A_73 = arith.constant 0 : i32
      %dma_wait3A_74 = tpu.memref_slice %arg3[%add3A_10, %dma_wait3A_73] : memref<1280x128xi32, #tpu.memory_space<hbm>> -> memref<40x128xi32, #tpu.memory_space<hbm>>
      %dma_wait3A_75 = arith.constant 0 : i32
      %dma_wait3A_76 = tpu.memref_slice %arg3[%add3A_10, %dma_wait3A_75] : memref<1280x128xi32, #tpu.memory_space<hbm>> -> memref<40x128xi32, #tpu.memory_space<hbm>>
      tpu.wait_dma2 semaphore(%run_scoped3A : memref<!tpu.dma_semaphore, #tpu.memory_space<semaphore_mem>>) src(%dma_wait3A_76 : memref<40x128xi32, #tpu.memory_space<hbm>>) dst(%arg6 : memref<40x128xi32, #tpu.memory_space<vmem>>)
      tpu.yield
    }) : () -> ()
    "tpu.region"() ({
      %run_scoped3A = tpu.sem_alloc : memref<!tpu.dma_semaphore, #tpu.memory_space<semaphore_mem>>
      %dma_start3A_69 = arith.constant 0 : i32
      %dma_start3A_70 = tpu.memref_slice %arg4[%add3A_10, %dma_start3A_69] : memref<1280x128xi32, #tpu.memory_space<hbm>> -> memref<40x128xi32, #tpu.memory_space<hbm>>
      %dma_start3A_71 = arith.constant 0 : i32
      %dma_start3A_72 = tpu.memref_slice %arg4[%add3A_10, %dma_start3A_71] : memref<1280x128xi32, #tpu.memory_space<hbm>> -> memref<40x128xi32, #tpu.memory_space<hbm>>
      tpu.enqueue_dma source(%dma_start3A_72 : memref<40x128xi32, #tpu.memory_space<hbm>>) target(%arg7 : memref<40x128xi32, #tpu.memory_space<vmem>>) target_semaphore(%run_scoped3A : memref<!tpu.dma_semaphore, #tpu.memory_space<semaphore_mem>>)
      %dma_wait3A_73 = arith.constant 0 : i32
      %dma_wait3A_74 = tpu.memref_slice %arg4[%add3A_10, %dma_wait3A_73] : memref<1280x128xi32, #tpu.memory_space<hbm>> -> memref<40x128xi32, #tpu.memory_space<hbm>>
      %dma_wait3A_75 = arith.constant 0 : i32
      %dma_wait3A_76 = tpu.memref_slice %arg4[%add3A_10, %dma_wait3A_75] : memref<1280x128xi32, #tpu.memory_space<hbm>> -> memref<40x128xi32, #tpu.memory_space<hbm>>
      tpu.wait_dma2 semaphore(%run_scoped3A : memref<!tpu.dma_semaphore, #tpu.memory_space<semaphore_mem>>) src(%dma_wait3A_76 : memref<40x128xi32, #tpu.memory_space<hbm>>) dst(%arg7 : memref<40x128xi32, #tpu.memory_space<vmem>>)
      tpu.yield
    }) : () -> ()
    %scan3A = arith.constant 0 : i32
    %scan3A_11 = arith.constant 0 : i32
    %scan3A_12 = arith.constant 40 : i32
    %scan3A_13 = arith.addi %scan3A_11, %scan3A_12 : i32
    %scan3A_14 = arith.constant 1 : i32
    scf.for %scan3A_69 = %scan3A_11 to %scan3A_13 step %scan3A_14  : i32 {
      %get3A = arith.index_cast %scan3A_69 : i32 to index
      %get3A_70 = arith.constant 0 : index
      %get3A_71 = tpu.vector_load %arg6[%get3A, %get3A_70] {strides = array<i32>} : memref<40x128xi32, #tpu.memory_space<vmem>>, vector<1x16xi32>,
      %get3A_72 = vector.shape_cast %get3A_71 : vector<1x16xi32> to vector<16xi32>
      %add3A_73 = vector.broadcast %mul3A_6 : i32 to vector<16xi32>
      %add3A_74 = arith.addi %get3A_72, %add3A_73 : vector<16xi32>
      %swap3A = arith.index_cast %scan3A_69 : i32 to index
      %swap3A_75 = arith.constant 0 : index
      %swap3A_76 = tpu.vector_load %arg6[%swap3A, %swap3A_75] {strides = array<i32>} : memref<40x128xi32, #tpu.memory_space<vmem>>, vector<1x16xi32>,
      %swap3A_77 = vector.shape_cast %swap3A_76 : vector<1x16xi32> to vector<16xi32>
      %swap3A_78 = vector.shape_cast %add3A_74 : vector<16xi32> to vector<1x16xi32>
      tpu.vector_store %arg6[%swap3A, %swap3A_75], %swap3A_78 {strides = array<i32>} : memref<40x128xi32, #tpu.memory_space<vmem>>, vector<1x16xi32>,
      %get3A_79 = arith.index_cast %scan3A_69 : i32 to index
      %get3A_80 = arith.constant 16 : index
      %get3A_81 = tpu.vector_load %arg6[%get3A_79, %get3A_80] {strides = array<i32>} : memref<40x128xi32, #tpu.memory_space<vmem>>, vector<1x16xi32>,
      %get3A_82 = vector.shape_cast %get3A_81 : vector<1x16xi32> to vector<16xi32>
      %add3A_83 = vector.broadcast %mul3A_6 : i32 to vector<16xi32>
      %add3A_84 = arith.addi %get3A_82, %add3A_83 : vector<16xi32>
      %swap3A_85 = arith.index_cast %scan3A_69 : i32 to index
      %swap3A_86 = arith.constant 16 : index
      %swap3A_87 = tpu.vector_load %arg6[%swap3A_85, %swap3A_86] {strides = array<i32>} : memref<40x128xi32, #tpu.memory_space<vmem>>, vector<1x16xi32>,
      %swap3A_88 = vector.shape_cast %swap3A_87 : vector<1x16xi32> to vector<16xi32>
      %swap3A_89 = vector.shape_cast %add3A_84 : vector<16xi32> to vector<1x16xi32>
      tpu.vector_store %arg6[%swap3A_85, %swap3A_86], %swap3A_89 {strides = array<i32>} : memref<40x128xi32, #tpu.memory_space<vmem>>, vector<1x16xi32>,
      %get3A_90 = arith.index_cast %scan3A_69 : i32 to index
      %get3A_91 = arith.constant 32 : index
      %get3A_92 = tpu.vector_load %arg6[%get3A_90, %get3A_91] {strides = array<i32>} : memref<40x128xi32, #tpu.memory_space<vmem>>, vector<1x16xi32>,
      %get3A_93 = vector.shape_cast %get3A_92 : vector<1x16xi32> to vector<16xi32>
      %add3A_94 = vector.broadcast %mul3A_6 : i32 to vector<16xi32>
      %add3A_95 = arith.addi %get3A_93, %add3A_94 : vector<16xi32>
      %swap3A_96 = arith.index_cast %scan3A_69 : i32 to index
      %swap3A_97 = arith.constant 32 : index
      %swap3A_98 = tpu.vector_load %arg6[%swap3A_96, %swap3A_97] {strides = array<i32>} : memref<40x128xi32, #tpu.memory_space<vmem>>, vector<1x16xi32>,
      %swap3A_99 = vector.shape_cast %swap3A_98 : vector<1x16xi32> to vector<16xi32>
      %swap3A_100 = vector.shape_cast %add3A_95 : vector<16xi32> to vector<1x16xi32>
      tpu.vector_store %arg6[%swap3A_96, %swap3A_97], %swap3A_100 {strides = array<i32>} : memref<40x128xi32, #tpu.memory_space<vmem>>, vector<1x16xi32>,
      %get3A_101 = arith.index_cast %scan3A_69 : i32 to index
      %get3A_102 = arith.constant 48 : index
      %get3A_103 = tpu.vector_load %arg6[%get3A_101, %get3A_102] {strides = array<i32>} : memref<40x128xi32, #tpu.memory_space<vmem>>, vector<1x16xi32>,
      %get3A_104 = vector.shape_cast %get3A_103 : vector<1x16xi32> to vector<16xi32>
      %add3A_105 = vector.broadcast %mul3A_6 : i32 to vector<16xi32>
      %add3A_106 = arith.addi %get3A_104, %add3A_105 : vector<16xi32>
      %swap3A_107 = arith.index_cast %scan3A_69 : i32 to index
      %swap3A_108 = arith.constant 48 : index
      %swap3A_109 = tpu.vector_load %arg6[%swap3A_107, %swap3A_108] {strides = array<i32>} : memref<40x128xi32, #tpu.memory_space<vmem>>, vector<1x16xi32>,
      %swap3A_110 = vector.shape_cast %swap3A_109 : vector<1x16xi32> to vector<16xi32>
      %swap3A_111 = vector.shape_cast %add3A_106 : vector<16xi32> to vector<1x16xi32>
      tpu.vector_store %arg6[%swap3A_107, %swap3A_108], %swap3A_111 {strides = array<i32>} : memref<40x128xi32, #tpu.memory_space<vmem>>, vector<1x16xi32>,
      %get3A_112 = arith.index_cast %scan3A_69 : i32 to index
      %get3A_113 = arith.constant 64 : index
      %get3A_114 = tpu.vector_load %arg6[%get3A_112, %get3A_113] {strides = array<i32>} : memref<40x128xi32, #tpu.memory_space<vmem>>, vector<1x16xi32>,
      %get3A_115 = vector.shape_cast %get3A_114 : vector<1x16xi32> to vector<16xi32>
      %add3A_116 = vector.broadcast %mul3A_6 : i32 to vector<16xi32>
      %add3A_117 = arith.addi %get3A_115, %add3A_116 : vector<16xi32>
      %swap3A_118 = arith.index_cast %scan3A_69 : i32 to index
      %swap3A_119 = arith.constant 64 : index
      %swap3A_120 = tpu.vector_load %arg6[%swap3A_118, %swap3A_119] {strides = array<i32>} : memref<40x128xi32, #tpu.memory_space<vmem>>, vector<1x16xi32>,
      %swap3A_121 = vector.shape_cast %swap3A_120 : vector<1x16xi32> to vector<16xi32>
      %swap3A_122 = vector.shape_cast %add3A_117 : vector<16xi32> to vector<1x16xi32>
      tpu.vector_store %arg6[%swap3A_118, %swap3A_119], %swap3A_122 {strides = array<i32>} : memref<40x128xi32, #tpu.memory_space<vmem>>, vector<1x16xi32>,
      %get3A_123 = arith.index_cast %scan3A_69 : i32 to index
      %get3A_124 = arith.constant 80 : index
      %get3A_125 = tpu.vector_load %arg6[%get3A_123, %get3A_124] {strides = array<i32>} : memref<40x128xi32, #tpu.memory_space<vmem>>, vector<1x16xi32>,
      %get3A_126 = vector.shape_cast %get3A_125 : vector<1x16xi32> to vector<16xi32>
      %add3A_127 = vector.broadcast %mul3A_6 : i32 to vector<16xi32>
      %add3A_128 = arith.addi %get3A_126, %add3A_127 : vector<16xi32>
      %swap3A_129 = arith.index_cast %scan3A_69 : i32 to index
      %swap3A_130 = arith.constant 80 : index
      %swap3A_131 = tpu.vector_load %arg6[%swap3A_129, %swap3A_130] {strides = array<i32>} : memref<40x128xi32, #tpu.memory_space<vmem>>, vector<1x16xi32>,
      %swap3A_132 = vector.shape_cast %swap3A_131 : vector<1x16xi32> to vector<16xi32>
      %swap3A_133 = vector.shape_cast %add3A_128 : vector<16xi32> to vector<1x16xi32>
      tpu.vector_store %arg6[%swap3A_129, %swap3A_130], %swap3A_133 {strides = array<i32>} : memref<40x128xi32, #tpu.memory_space<vmem>>, vector<1x16xi32>,
      %get3A_134 = arith.index_cast %scan3A_69 : i32 to index
      %get3A_135 = arith.constant 96 : index
      %get3A_136 = tpu.vector_load %arg6[%get3A_134, %get3A_135] {strides = array<i32>} : memref<40x128xi32, #tpu.memory_space<vmem>>, vector<1x16xi32>,
      %get3A_137 = vector.shape_cast %get3A_136 : vector<1x16xi32> to vector<16xi32>
      %add3A_138 = vector.broadcast %mul3A_6 : i32 to vector<16xi32>
      %add3A_139 = arith.addi %get3A_137, %add3A_138 : vector<16xi32>
      %swap3A_140 = arith.index_cast %scan3A_69 : i32 to index
      %swap3A_141 = arith.constant 96 : index
      %swap3A_142 = tpu.vector_load %arg6[%swap3A_140, %swap3A_141] {strides = array<i32>} : memref<40x128xi32, #tpu.memory_space<vmem>>, vector<1x16xi32>,
      %swap3A_143 = vector.shape_cast %swap3A_142 : vector<1x16xi32> to vector<16xi32>
      %swap3A_144 = vector.shape_cast %add3A_139 : vector<16xi32> to vector<1x16xi32>
      tpu.vector_store %arg6[%swap3A_140, %swap3A_141], %swap3A_144 {strides = array<i32>} : memref<40x128xi32, #tpu.memory_space<vmem>>, vector<1x16xi32>,
      %get3A_145 = arith.index_cast %scan3A_69 : i32 to index
      %get3A_146 = arith.constant 112 : index
      %get3A_147 = tpu.vector_load %arg6[%get3A_145, %get3A_146] {strides = array<i32>} : memref<40x128xi32, #tpu.memory_space<vmem>>, vector<1x16xi32>,
      %get3A_148 = vector.shape_cast %get3A_147 : vector<1x16xi32> to vector<16xi32>
      %add3A_149 = vector.broadcast %mul3A_6 : i32 to vector<16xi32>
      %add3A_150 = arith.addi %get3A_148, %add3A_149 : vector<16xi32>
      %swap3A_151 = arith.index_cast %scan3A_69 : i32 to index
      %swap3A_152 = arith.constant 112 : index
      %swap3A_153 = tpu.vector_load %arg6[%swap3A_151, %swap3A_152] {strides = array<i32>} : memref<40x128xi32, #tpu.memory_space<vmem>>, vector<1x16xi32>,
      %swap3A_154 = vector.shape_cast %swap3A_153 : vector<1x16xi32> to vector<16xi32>
      %swap3A_155 = vector.shape_cast %add3A_150 : vector<16xi32> to vector<1x16xi32>
      tpu.vector_store %arg6[%swap3A_151, %swap3A_152], %swap3A_155 {strides = array<i32>} : memref<40x128xi32, #tpu.memory_space<vmem>>, vector<1x16xi32>,
    }
    %scan3A_15 = arith.constant 40 : i32
    %dma_start3A = arith.constant 0 : i32
    %dma_start3A_16 = arith.constant 0 : i32
    %dma_start3A_17 = tpu.memref_slice %arg6[%dma_start3A, %dma_start3A_16] : memref<40x128xi32, #tpu.memory_space<vmem>> -> memref<1x128xi32, #tpu.memory_space<vmem>>
    %dma_start3A_18 = tpu.memref_squeeze %dma_start3A_17 : memref<1x128xi32, #tpu.memory_space<vmem>> -> memref<128xi32, #tpu.memory_space<vmem>>
    %dma_start3A_19 = arith.constant 0 : i32
    %dma_start3A_20 = arith.constant 0 : i32
    %dma_start3A_21 = tpu.memref_slice %arg2[%dma_start3A_19, %dma_start3A_20] : memref<20224x128xf32, #tpu.memory_space<hbm>> -> memref<20224x128xf32, #tpu.memory_space<hbm>>
    tpu.enqueue_indirect_dma source(%dma_start3A_21 : memref<20224x128xf32, #tpu.memory_space<hbm>>) target(%arg8 : memref<128x128xf32, #tpu.memory_space<vmem>>) offsets(%dma_start3A_18 : memref<128xi32, #tpu.memory_space<vmem>>) semaphore(%arg11 : memref<!tpu.dma_semaphore, #tpu.memory_space<semaphore_mem>>)
    %scan3A_22 = arith.constant 0 : i32
    %scan3A_23 = arith.constant 0 : i32
    %scan3A_24 = arith.constant 20 : i32
    %scan3A_25 = arith.addi %scan3A_23, %scan3A_24 : i32
    %scan3A_26 = arith.constant 1 : i32
    scf.for %scan3A_69 = %scan3A_23 to %scan3A_25 step %scan3A_26  : i32 {
      %mul3A_70 = arith.constant 2 : i32
      %mul3A_71 = arith.muli %mul3A_70, %scan3A_69 : i32
      %gt3A = arith.constant 0 : i32
      %gt3A_72 = arith.cmpi sgt, %scan3A_69, %gt3A : i32
      %convert_element_type3A = arith.extui %gt3A_72 : i1 to i32
      %cond3A = arith.constant 0 : i32
      %cond3A_73 = arith.cmpi ne, %convert_element_type3A, %cond3A : i32
      scf.if %cond3A_73 {
        %dma_wait3A_123 = arith.constant 0 : i32
        %dma_wait3A_124 = arith.constant 0 : i32
        %dma_wait3A_125 = tpu.memref_slice %arg7[%dma_wait3A_123, %dma_wait3A_124] : memref<40x128xi32, #tpu.memory_space<vmem>> -> memref<1x128xi32, #tpu.memory_space<vmem>>
        %dma_wait3A_126 = tpu.memref_squeeze %dma_wait3A_125 : memref<1x128xi32, #tpu.memory_space<vmem>> -> memref<128xi32, #tpu.memory_space<vmem>>
        %dma_wait3A_127 = arith.constant 0 : i32
        %dma_wait3A_128 = arith.constant 0 : i32
        %dma_wait3A_129 = tpu.memref_slice %arg10[%dma_wait3A_127, %dma_wait3A_128] : memref<10112x128xf32, #tpu.memory_space<vmem_shared>> -> memref<10112x128xf32, #tpu.memory_space<vmem_shared>>
        tpu.wait_indirect_dma semaphore(%arg14 : memref<!tpu.dma_semaphore, #tpu.memory_space<semaphore_mem>>) src(%arg9 : memref<128x128xf32, #tpu.memory_space<vmem>>) dst(%dma_wait3A_129 : memref<10112x128xf32, #tpu.memory_space<vmem_shared>>)
      } else {
      }
      %add3A_74 = arith.constant 1 : i32
      %add3A_75 = arith.addi %mul3A_71, %add3A_74 : i32
      %dma_start3A_76 = arith.constant 0 : i32
      %dma_start3A_77 = tpu.memref_slice %arg6[%add3A_75, %dma_start3A_76] : memref<40x128xi32, #tpu.memory_space<vmem>> -> memref<1x128xi32, #tpu.memory_space<vmem>>
      %dma_start3A_78 = tpu.memref_squeeze %dma_start3A_77 : memref<1x128xi32, #tpu.memory_space<vmem>> -> memref<128xi32, #tpu.memory_space<vmem>>
      %dma_start3A_79 = arith.constant 0 : i32
      %dma_start3A_80 = arith.constant 0 : i32
      %dma_start3A_81 = tpu.memref_slice %arg2[%dma_start3A_79, %dma_start3A_80] : memref<20224x128xf32, #tpu.memory_space<hbm>> -> memref<20224x128xf32, #tpu.memory_space<hbm>>
      tpu.enqueue_indirect_dma source(%dma_start3A_81 : memref<20224x128xf32, #tpu.memory_space<hbm>>) target(%arg9 : memref<128x128xf32, #tpu.memory_space<vmem>>) offsets(%dma_start3A_78 : memref<128xi32, #tpu.memory_space<vmem>>) semaphore(%arg12 : memref<!tpu.dma_semaphore, #tpu.memory_space<semaphore_mem>>)
      %dma_wait3A_82 = arith.constant 0 : i32
      %dma_wait3A_83 = arith.constant 0 : i32
      %dma_wait3A_84 = tpu.memref_slice %arg6[%dma_wait3A_82, %dma_wait3A_83] : memref<40x128xi32, #tpu.memory_space<vmem>> -> memref<1x128xi32, #tpu.memory_space<vmem>>
      %dma_wait3A_85 = tpu.memref_squeeze %dma_wait3A_84 : memref<1x128xi32, #tpu.memory_space<vmem>> -> memref<128xi32, #tpu.memory_space<vmem>>
      %dma_wait3A_86 = arith.constant 0 : i32
      %dma_wait3A_87 = arith.constant 0 : i32
      %dma_wait3A_88 = tpu.memref_slice %arg2[%dma_wait3A_86, %dma_wait3A_87] : memref<20224x128xf32, #tpu.memory_space<hbm>> -> memref<20224x128xf32, #tpu.memory_space<hbm>>
      tpu.wait_indirect_dma semaphore(%arg11 : memref<!tpu.dma_semaphore, #tpu.memory_space<semaphore_mem>>) src(%dma_wait3A_88 : memref<20224x128xf32, #tpu.memory_space<hbm>>) dst(%arg8 : memref<128x128xf32, #tpu.memory_space<vmem>>)
      %dma_start3A_89 = arith.constant 0 : i32
      %dma_start3A_90 = tpu.memref_slice %arg7[%mul3A_71, %dma_start3A_89] : memref<40x128xi32, #tpu.memory_space<vmem>> -> memref<1x128xi32, #tpu.memory_space<vmem>>
      %dma_start3A_91 = tpu.memref_squeeze %dma_start3A_90 : memref<1x128xi32, #tpu.memory_space<vmem>> -> memref<128xi32, #tpu.memory_space<vmem>>
      %dma_start3A_92 = arith.constant 0 : i32
      %dma_start3A_93 = arith.constant 0 : i32
      %dma_start3A_94 = tpu.memref_slice %arg10[%dma_start3A_92, %dma_start3A_93] : memref<10112x128xf32, #tpu.memory_space<vmem_shared>> -> memref<10112x128xf32, #tpu.memory_space<vmem_shared>>
      tpu.enqueue_indirect_dma source(%arg8 : memref<128x128xf32, #tpu.memory_space<vmem>>) target(%dma_start3A_94 : memref<10112x128xf32, #tpu.memory_space<vmem_shared>>) offsets(%dma_start3A_91 : memref<128xi32, #tpu.memory_space<vmem>>) semaphore(%arg13 : memref<!tpu.dma_semaphore, #tpu.memory_space<semaphore_mem>>) {add = true}
      %dma_wait3A_95 = arith.constant 0 : i32
      %dma_wait3A_96 = arith.constant 0 : i32
      %dma_wait3A_97 = tpu.memref_slice %arg7[%dma_wait3A_95, %dma_wait3A_96] : memref<40x128xi32, #tpu.memory_space<vmem>> -> memref<1x128xi32, #tpu.memory_space<vmem>>
      %dma_wait3A_98 = tpu.memref_squeeze %dma_wait3A_97 : memref<1x128xi32, #tpu.memory_space<vmem>> -> memref<128xi32, #tpu.memory_space<vmem>>
      %dma_wait3A_99 = arith.constant 0 : i32
      %dma_wait3A_100 = arith.constant 0 : i32
      %dma_wait3A_101 = tpu.memref_slice %arg10[%dma_wait3A_99, %dma_wait3A_100] : memref<10112x128xf32, #tpu.memory_space<vmem_shared>> -> memref<10112x128xf32, #tpu.memory_space<vmem_shared>>
      tpu.wait_indirect_dma semaphore(%arg13 : memref<!tpu.dma_semaphore, #tpu.memory_space<semaphore_mem>>) src(%arg8 : memref<128x128xf32, #tpu.memory_space<vmem>>) dst(%dma_wait3A_101 : memref<10112x128xf32, #tpu.memory_space<vmem_shared>>)
      %add3A_102 = arith.constant 1 : i32
      %add3A_103 = arith.addi %scan3A_69, %add3A_102 : i32
      %lt3A = arith.constant 20 : i32
      %lt3A_104 = arith.cmpi slt, %add3A_103, %lt3A : i32
      %convert_element_type3A_105 = arith.extui %lt3A_104 : i1 to i32
      %cond3A_106 = arith.constant 0 : i32
      %cond3A_107 = arith.cmpi ne, %convert_element_type3A_105, %cond3A_106 : i32
      scf.if %cond3A_107 {
        %add3A_123 = arith.constant 2 : i32
        %add3A_124 = arith.addi %mul3A_71, %add3A_123 : i32
        %dma_start3A_125 = arith.constant 0 : i32
        %dma_start3A_126 = tpu.memref_slice %arg6[%add3A_124, %dma_start3A_125] : memref<40x128xi32, #tpu.memory_space<vmem>> -> memref<1x128xi32, #tpu.memory_space<vmem>>
        %dma_start3A_127 = tpu.memref_squeeze %dma_start3A_126 : memref<1x128xi32, #tpu.memory_space<vmem>> -> memref<128xi32, #tpu.memory_space<vmem>>
        %dma_start3A_128 = arith.constant 0 : i32
        %dma_start3A_129 = arith.constant 0 : i32
        %dma_start3A_130 = tpu.memref_slice %arg2[%dma_start3A_128, %dma_start3A_129] : memref<20224x128xf32, #tpu.memory_space<hbm>> -> memref<20224x128xf32, #tpu.memory_space<hbm>>
        tpu.enqueue_indirect_dma source(%dma_start3A_130 : memref<20224x128xf32, #tpu.memory_space<hbm>>) target(%arg8 : memref<128x128xf32, #tpu.memory_space<vmem>>) offsets(%dma_start3A_127 : memref<128xi32, #tpu.memory_space<vmem>>) semaphore(%arg11 : memref<!tpu.dma_semaphore, #tpu.memory_space<semaphore_mem>>)
      } else {
      }
      %dma_wait3A_108 = arith.constant 0 : i32
      %dma_wait3A_109 = arith.constant 0 : i32
      %dma_wait3A_110 = tpu.memref_slice %arg6[%dma_wait3A_108, %dma_wait3A_109] : memref<40x128xi32, #tpu.memory_space<vmem>> -> memref<1x128xi32, #tpu.memory_space<vmem>>
      %dma_wait3A_111 = tpu.memref_squeeze %dma_wait3A_110 : memref<1x128xi32, #tpu.memory_space<vmem>> -> memref<128xi32, #tpu.memory_space<vmem>>
      %dma_wait3A_112 = arith.constant 0 : i32
      %dma_wait3A_113 = arith.constant 0 : i32
      %dma_wait3A_114 = tpu.memref_slice %arg2[%dma_wait3A_112, %dma_wait3A_113] : memref<20224x128xf32, #tpu.memory_space<hbm>> -> memref<20224x128xf32, #tpu.memory_space<hbm>>
      tpu.wait_indirect_dma semaphore(%arg12 : memref<!tpu.dma_semaphore, #tpu.memory_space<semaphore_mem>>) src(%dma_wait3A_114 : memref<20224x128xf32, #tpu.memory_space<hbm>>) dst(%arg9 : memref<128x128xf32, #tpu.memory_space<vmem>>)
      %add3A_115 = arith.constant 1 : i32
      %add3A_116 = arith.addi %mul3A_71, %add3A_115 : i32
      %dma_start3A_117 = arith.constant 0 : i32
      %dma_start3A_118 = tpu.memref_slice %arg7[%add3A_116, %dma_start3A_117] : memref<40x128xi32, #tpu.memory_space<vmem>> -> memref<1x128xi32, #tpu.memory_space<vmem>>
      %dma_start3A_119 = tpu.memref_squeeze %dma_start3A_118 : memref<1x128xi32, #tpu.memory_space<vmem>> -> memref<128xi32, #tpu.memory_space<vmem>>
      %dma_start3A_120 = arith.constant 0 : i32
      %dma_start3A_121 = arith.constant 0 : i32
      %dma_start3A_122 = tpu.memref_slice %arg10[%dma_start3A_120, %dma_start3A_121] : memref<10112x128xf32, #tpu.memory_space<vmem_shared>> -> memref<10112x128xf32, #tpu.memory_space<vmem_shared>>
      tpu.enqueue_indirect_dma source(%arg9 : memref<128x128xf32, #tpu.memory_space<vmem>>) target(%dma_start3A_122 : memref<10112x128xf32, #tpu.memory_space<vmem_shared>>) offsets(%dma_start3A_119 : memref<128xi32, #tpu.memory_space<vmem>>) semaphore(%arg14 : memref<!tpu.dma_semaphore, #tpu.memory_space<semaphore_mem>>) {add = true}
    }
    %scan3A_27 = arith.constant 20 : i32
    %dma_wait3A = arith.constant 0 : i32
    %dma_wait3A_28 = arith.constant 0 : i32
    %dma_wait3A_29 = tpu.memref_slice %arg7[%dma_wait3A, %dma_wait3A_28] : memref<40x128xi32, #tpu.memory_space<vmem>> -> memref<1x128xi32, #tpu.memory_space<vmem>>
    %dma_wait3A_30 = tpu.memref_squeeze %dma_wait3A_29 : memref<1x128xi32, #tpu.memory_space<vmem>> -> memref<128xi32, #tpu.memory_space<vmem>>
    %dma_wait3A_31 = arith.constant 0 : i32
    %dma_wait3A_32 = arith.constant 0 : i32
    %dma_wait3A_33 = tpu.memref_slice %arg10[%dma_wait3A_31, %dma_wait3A_32] : memref<10112x128xf32, #tpu.memory_space<vmem_shared>> -> memref<10112x128xf32, #tpu.memory_space<vmem_shared>>
    tpu.wait_indirect_dma semaphore(%arg14 : memref<!tpu.dma_semaphore, #tpu.memory_space<semaphore_mem>>) src(%arg9 : memref<128x128xf32, #tpu.memory_space<vmem>>) dst(%dma_wait3A_33 : memref<10112x128xf32, #tpu.memory_space<vmem_shared>>)
    %mul3A_34 = arith.constant 80 : i32
    %mul3A_35 = arith.muli %arg1, %mul3A_34 : i32
    %add3A_36 = arith.constant 40 : i32
    %add3A_37 = arith.addi %mul3A_35, %add3A_36 : i32
    "tpu.region"() ({
      %run_scoped3A = tpu.sem_alloc : memref<!tpu.dma_semaphore, #tpu.memory_space<semaphore_mem>>
      %dma_start3A_69 = arith.constant 0 : i32
      %dma_start3A_70 = tpu.memref_slice %arg3[%add3A_37, %dma_start3A_69] : memref<1280x128xi32, #tpu.memory_space<hbm>> -> memref<40x128xi32, #tpu.memory_space<hbm>>
      %dma_start3A_71 = arith.constant 0 : i32
      %dma_start3A_72 = tpu.memref_slice %arg3[%add3A_37, %dma_start3A_71] : memref<1280x128xi32, #tpu.memory_space<hbm>> -> memref<40x128xi32, #tpu.memory_space<hbm>>
      tpu.enqueue_dma source(%dma_start3A_72 : memref<40x128xi32, #tpu.memory_space<hbm>>) target(%arg6 : memref<40x128xi32, #tpu.memory_space<vmem>>) target_semaphore(%run_scoped3A : memref<!tpu.dma_semaphore, #tpu.memory_space<semaphore_mem>>)
      %dma_wait3A_73 = arith.constant 0 : i32
      %dma_wait3A_74 = tpu.memref_slice %arg3[%add3A_37, %dma_wait3A_73] : memref<1280x128xi32, #tpu.memory_space<hbm>> -> memref<40x128xi32, #tpu.memory_space<hbm>>
      %dma_wait3A_75 = arith.constant 0 : i32
      %dma_wait3A_76 = tpu.memref_slice %arg3[%add3A_37, %dma_wait3A_75] : memref<1280x128xi32, #tpu.memory_space<hbm>> -> memref<40x128xi32, #tpu.memory_space<hbm>>
      tpu.wait_dma2 semaphore(%run_scoped3A : memref<!tpu.dma_semaphore, #tpu.memory_space<semaphore_mem>>) src(%dma_wait3A_76 : memref<40x128xi32, #tpu.memory_space<hbm>>) dst(%arg6 : memref<40x128xi32, #tpu.memory_space<vmem>>)
      tpu.yield
    }) : () -> ()
    "tpu.region"() ({
      %run_scoped3A = tpu.sem_alloc : memref<!tpu.dma_semaphore, #tpu.memory_space<semaphore_mem>>
      %dma_start3A_69 = arith.constant 0 : i32
      %dma_start3A_70 = tpu.memref_slice %arg4[%add3A_37, %dma_start3A_69] : memref<1280x128xi32, #tpu.memory_space<hbm>> -> memref<40x128xi32, #tpu.memory_space<hbm>>
      %dma_start3A_71 = arith.constant 0 : i32
      %dma_start3A_72 = tpu.memref_slice %arg4[%add3A_37, %dma_start3A_71] : memref<1280x128xi32, #tpu.memory_space<hbm>> -> memref<40x128xi32, #tpu.memory_space<hbm>>
      tpu.enqueue_dma source(%dma_start3A_72 : memref<40x128xi32, #tpu.memory_space<hbm>>) target(%arg7 : memref<40x128xi32, #tpu.memory_space<vmem>>) target_semaphore(%run_scoped3A : memref<!tpu.dma_semaphore, #tpu.memory_space<semaphore_mem>>)
      %dma_wait3A_73 = arith.constant 0 : i32
      %dma_wait3A_74 = tpu.memref_slice %arg4[%add3A_37, %dma_wait3A_73] : memref<1280x128xi32, #tpu.memory_space<hbm>> -> memref<40x128xi32, #tpu.memory_space<hbm>>
      %dma_wait3A_75 = arith.constant 0 : i32
      %dma_wait3A_76 = tpu.memref_slice %arg4[%add3A_37, %dma_wait3A_75] : memref<1280x128xi32, #tpu.memory_space<hbm>> -> memref<40x128xi32, #tpu.memory_space<hbm>>
      tpu.wait_dma2 semaphore(%run_scoped3A : memref<!tpu.dma_semaphore, #tpu.memory_space<semaphore_mem>>) src(%dma_wait3A_76 : memref<40x128xi32, #tpu.memory_space<hbm>>) dst(%arg7 : memref<40x128xi32, #tpu.memory_space<vmem>>)
      tpu.yield
    }) : () -> ()
    %scan3A_38 = arith.constant 0 : i32
    %scan3A_39 = arith.constant 0 : i32
    %scan3A_40 = arith.constant 40 : i32
    %scan3A_41 = arith.addi %scan3A_39, %scan3A_40 : i32
    %scan3A_42 = arith.constant 1 : i32
    scf.for %scan3A_69 = %scan3A_39 to %scan3A_41 step %scan3A_42  : i32 {
      %get3A = arith.index_cast %scan3A_69 : i32 to index
      %get3A_70 = arith.constant 0 : index
      %get3A_71 = tpu.vector_load %arg6[%get3A, %get3A_70] {strides = array<i32>} : memref<40x128xi32, #tpu.memory_space<vmem>>, vector<1x16xi32>,
      %get3A_72 = vector.shape_cast %get3A_71 : vector<1x16xi32> to vector<16xi32>
      %add3A_73 = vector.broadcast %mul3A_6 : i32 to vector<16xi32>
      %add3A_74 = arith.addi %get3A_72, %add3A_73 : vector<16xi32>
      %swap3A = arith.index_cast %scan3A_69 : i32 to index
      %swap3A_75 = arith.constant 0 : index
      %swap3A_76 = tpu.vector_load %arg6[%swap3A, %swap3A_75] {strides = array<i32>} : memref<40x128xi32, #tpu.memory_space<vmem>>, vector<1x16xi32>,
      %swap3A_77 = vector.shape_cast %swap3A_76 : vector<1x16xi32> to vector<16xi32>
      %swap3A_78 = vector.shape_cast %add3A_74 : vector<16xi32> to vector<1x16xi32>
      tpu.vector_store %arg6[%swap3A, %swap3A_75], %swap3A_78 {strides = array<i32>} : memref<40x128xi32, #tpu.memory_space<vmem>>, vector<1x16xi32>,
      %get3A_79 = arith.index_cast %scan3A_69 : i32 to index
      %get3A_80 = arith.constant 16 : index
      %get3A_81 = tpu.vector_load %arg6[%get3A_79, %get3A_80] {strides = array<i32>} : memref<40x128xi32, #tpu.memory_space<vmem>>, vector<1x16xi32>,
      %get3A_82 = vector.shape_cast %get3A_81 : vector<1x16xi32> to vector<16xi32>
      %add3A_83 = vector.broadcast %mul3A_6 : i32 to vector<16xi32>
      %add3A_84 = arith.addi %get3A_82, %add3A_83 : vector<16xi32>
      %swap3A_85 = arith.index_cast %scan3A_69 : i32 to index
      %swap3A_86 = arith.constant 16 : index
      %swap3A_87 = tpu.vector_load %arg6[%swap3A_85, %swap3A_86] {strides = array<i32>} : memref<40x128xi32, #tpu.memory_space<vmem>>, vector<1x16xi32>,
      %swap3A_88 = vector.shape_cast %swap3A_87 : vector<1x16xi32> to vector<16xi32>
      %swap3A_89 = vector.shape_cast %add3A_84 : vector<16xi32> to vector<1x16xi32>
      tpu.vector_store %arg6[%swap3A_85, %swap3A_86], %swap3A_89 {strides = array<i32>} : memref<40x128xi32, #tpu.memory_space<vmem>>, vector<1x16xi32>,
      %get3A_90 = arith.index_cast %scan3A_69 : i32 to index
      %get3A_91 = arith.constant 32 : index
      %get3A_92 = tpu.vector_load %arg6[%get3A_90, %get3A_91] {strides = array<i32>} : memref<40x128xi32, #tpu.memory_space<vmem>>, vector<1x16xi32>,
      %get3A_93 = vector.shape_cast %get3A_92 : vector<1x16xi32> to vector<16xi32>
      %add3A_94 = vector.broadcast %mul3A_6 : i32 to vector<16xi32>
      %add3A_95 = arith.addi %get3A_93, %add3A_94 : vector<16xi32>
      %swap3A_96 = arith.index_cast %scan3A_69 : i32 to index
      %swap3A_97 = arith.constant 32 : index
      %swap3A_98 = tpu.vector_load %arg6[%swap3A_96, %swap3A_97] {strides = array<i32>} : memref<40x128xi32, #tpu.memory_space<vmem>>, vector<1x16xi32>,
      %swap3A_99 = vector.shape_cast %swap3A_98 : vector<1x16xi32> to vector<16xi32>
      %swap3A_100 = vector.shape_cast %add3A_95 : vector<16xi32> to vector<1x16xi32>
      tpu.vector_store %arg6[%swap3A_96, %swap3A_97], %swap3A_100 {strides = array<i32>} : memref<40x128xi32, #tpu.memory_space<vmem>>, vector<1x16xi32>,
      %get3A_101 = arith.index_cast %scan3A_69 : i32 to index
      %get3A_102 = arith.constant 48 : index
      %get3A_103 = tpu.vector_load %arg6[%get3A_101, %get3A_102] {strides = array<i32>} : memref<40x128xi32, #tpu.memory_space<vmem>>, vector<1x16xi32>,
      %get3A_104 = vector.shape_cast %get3A_103 : vector<1x16xi32> to vector<16xi32>
      %add3A_105 = vector.broadcast %mul3A_6 : i32 to vector<16xi32>
      %add3A_106 = arith.addi %get3A_104, %add3A_105 : vector<16xi32>
      %swap3A_107 = arith.index_cast %scan3A_69 : i32 to index
      %swap3A_108 = arith.constant 48 : index
      %swap3A_109 = tpu.vector_load %arg6[%swap3A_107, %swap3A_108] {strides = array<i32>} : memref<40x128xi32, #tpu.memory_space<vmem>>, vector<1x16xi32>,
      %swap3A_110 = vector.shape_cast %swap3A_109 : vector<1x16xi32> to vector<16xi32>
      %swap3A_111 = vector.shape_cast %add3A_106 : vector<16xi32> to vector<1x16xi32>
      tpu.vector_store %arg6[%swap3A_107, %swap3A_108], %swap3A_111 {strides = array<i32>} : memref<40x128xi32, #tpu.memory_space<vmem>>, vector<1x16xi32>,
      %get3A_112 = arith.index_cast %scan3A_69 : i32 to index
      %get3A_113 = arith.constant 64 : index
      %get3A_114 = tpu.vector_load %arg6[%get3A_112, %get3A_113] {strides = array<i32>} : memref<40x128xi32, #tpu.memory_space<vmem>>, vector<1x16xi32>,
      %get3A_115 = vector.shape_cast %get3A_114 : vector<1x16xi32> to vector<16xi32>
      %add3A_116 = vector.broadcast %mul3A_6 : i32 to vector<16xi32>
      %add3A_117 = arith.addi %get3A_115, %add3A_116 : vector<16xi32>
      %swap3A_118 = arith.index_cast %scan3A_69 : i32 to index
      %swap3A_119 = arith.constant 64 : index
      %swap3A_120 = tpu.vector_load %arg6[%swap3A_118, %swap3A_119] {strides = array<i32>} : memref<40x128xi32, #tpu.memory_space<vmem>>, vector<1x16xi32>,
      %swap3A_121 = vector.shape_cast %swap3A_120 : vector<1x16xi32> to vector<16xi32>
      %swap3A_122 = vector.shape_cast %add3A_117 : vector<16xi32> to vector<1x16xi32>
      tpu.vector_store %arg6[%swap3A_118, %swap3A_119], %swap3A_122 {strides = array<i32>} : memref<40x128xi32, #tpu.memory_space<vmem>>, vector<1x16xi32>,
      %get3A_123 = arith.index_cast %scan3A_69 : i32 to index
      %get3A_124 = arith.constant 80 : index
      %get3A_125 = tpu.vector_load %arg6[%get3A_123, %get3A_124] {strides = array<i32>} : memref<40x128xi32, #tpu.memory_space<vmem>>, vector<1x16xi32>,
      %get3A_126 = vector.shape_cast %get3A_125 : vector<1x16xi32> to vector<16xi32>
      %add3A_127 = vector.broadcast %mul3A_6 : i32 to vector<16xi32>
      %add3A_128 = arith.addi %get3A_126, %add3A_127 : vector<16xi32>
      %swap3A_129 = arith.index_cast %scan3A_69 : i32 to index
      %swap3A_130 = arith.constant 80 : index
      %swap3A_131 = tpu.vector_load %arg6[%swap3A_129, %swap3A_130] {strides = array<i32>} : memref<40x128xi32, #tpu.memory_space<vmem>>, vector<1x16xi32>,
      %swap3A_132 = vector.shape_cast %swap3A_131 : vector<1x16xi32> to vector<16xi32>
      %swap3A_133 = vector.shape_cast %add3A_128 : vector<16xi32> to vector<1x16xi32>
      tpu.vector_store %arg6[%swap3A_129, %swap3A_130], %swap3A_133 {strides = array<i32>} : memref<40x128xi32, #tpu.memory_space<vmem>>, vector<1x16xi32>,
      %get3A_134 = arith.index_cast %scan3A_69 : i32 to index
      %get3A_135 = arith.constant 96 : index
      %get3A_136 = tpu.vector_load %arg6[%get3A_134, %get3A_135] {strides = array<i32>} : memref<40x128xi32, #tpu.memory_space<vmem>>, vector<1x16xi32>,
      %get3A_137 = vector.shape_cast %get3A_136 : vector<1x16xi32> to vector<16xi32>
      %add3A_138 = vector.broadcast %mul3A_6 : i32 to vector<16xi32>
      %add3A_139 = arith.addi %get3A_137, %add3A_138 : vector<16xi32>
      %swap3A_140 = arith.index_cast %scan3A_69 : i32 to index
      %swap3A_141 = arith.constant 96 : index
      %swap3A_142 = tpu.vector_load %arg6[%swap3A_140, %swap3A_141] {strides = array<i32>} : memref<40x128xi32, #tpu.memory_space<vmem>>, vector<1x16xi32>,
      %swap3A_143 = vector.shape_cast %swap3A_142 : vector<1x16xi32> to vector<16xi32>
      %swap3A_144 = vector.shape_cast %add3A_139 : vector<16xi32> to vector<1x16xi32>
      tpu.vector_store %arg6[%swap3A_140, %swap3A_141], %swap3A_144 {strides = array<i32>} : memref<40x128xi32, #tpu.memory_space<vmem>>, vector<1x16xi32>,
      %get3A_145 = arith.index_cast %scan3A_69 : i32 to index
      %get3A_146 = arith.constant 112 : index
      %get3A_147 = tpu.vector_load %arg6[%get3A_145, %get3A_146] {strides = array<i32>} : memref<40x128xi32, #tpu.memory_space<vmem>>, vector<1x16xi32>,
      %get3A_148 = vector.shape_cast %get3A_147 : vector<1x16xi32> to vector<16xi32>
      %add3A_149 = vector.broadcast %mul3A_6 : i32 to vector<16xi32>
      %add3A_150 = arith.addi %get3A_148, %add3A_149 : vector<16xi32>
      %swap3A_151 = arith.index_cast %scan3A_69 : i32 to index
      %swap3A_152 = arith.constant 112 : index
      %swap3A_153 = tpu.vector_load %arg6[%swap3A_151, %swap3A_152] {strides = array<i32>} : memref<40x128xi32, #tpu.memory_space<vmem>>, vector<1x16xi32>,
      %swap3A_154 = vector.shape_cast %swap3A_153 : vector<1x16xi32> to vector<16xi32>
      %swap3A_155 = vector.shape_cast %add3A_150 : vector<16xi32> to vector<1x16xi32>
      tpu.vector_store %arg6[%swap3A_151, %swap3A_152], %swap3A_155 {strides = array<i32>} : memref<40x128xi32, #tpu.memory_space<vmem>>, vector<1x16xi32>,
    }
    %scan3A_43 = arith.constant 40 : i32
    %dma_start3A_44 = arith.constant 0 : i32
    %dma_start3A_45 = arith.constant 0 : i32
    %dma_start3A_46 = tpu.memref_slice %arg6[%dma_start3A_44, %dma_start3A_45] : memref<40x128xi32, #tpu.memory_space<vmem>> -> memref<1x128xi32, #tpu.memory_space<vmem>>
    %dma_start3A_47 = tpu.memref_squeeze %dma_start3A_46 : memref<1x128xi32, #tpu.memory_space<vmem>> -> memref<128xi32, #tpu.memory_space<vmem>>
    %dma_start3A_48 = arith.constant 0 : i32
    %dma_start3A_49 = arith.constant 0 : i32
    %dma_start3A_50 = tpu.memref_slice %arg2[%dma_start3A_48, %dma_start3A_49] : memref<20224x128xf32, #tpu.memory_space<hbm>> -> memref<20224x128xf32, #tpu.memory_space<hbm>>
    tpu.enqueue_indirect_dma source(%dma_start3A_50 : memref<20224x128xf32, #tpu.memory_space<hbm>>) target(%arg8 : memref<128x128xf32, #tpu.memory_space<vmem>>) offsets(%dma_start3A_47 : memref<128xi32, #tpu.memory_space<vmem>>) semaphore(%arg11 : memref<!tpu.dma_semaphore, #tpu.memory_space<semaphore_mem>>)
    %scan3A_51 = arith.constant 0 : i32
    %scan3A_52 = arith.constant 0 : i32
    %scan3A_53 = arith.constant 20 : i32
    %scan3A_54 = arith.addi %scan3A_52, %scan3A_53 : i32
    %scan3A_55 = arith.constant 1 : i32
    scf.for %scan3A_69 = %scan3A_52 to %scan3A_54 step %scan3A_55  : i32 {
      %mul3A_70 = arith.constant 2 : i32
      %mul3A_71 = arith.muli %mul3A_70, %scan3A_69 : i32
      %gt3A = arith.constant 0 : i32
      %gt3A_72 = arith.cmpi sgt, %scan3A_69, %gt3A : i32
      %convert_element_type3A = arith.extui %gt3A_72 : i1 to i32
      %cond3A = arith.constant 0 : i32
      %cond3A_73 = arith.cmpi ne, %convert_element_type3A, %cond3A : i32
      scf.if %cond3A_73 {
        %dma_wait3A_123 = arith.constant 0 : i32
        %dma_wait3A_124 = arith.constant 0 : i32
        %dma_wait3A_125 = tpu.memref_slice %arg7[%dma_wait3A_123, %dma_wait3A_124] : memref<40x128xi32, #tpu.memory_space<vmem>> -> memref<1x128xi32, #tpu.memory_space<vmem>>
        %dma_wait3A_126 = tpu.memref_squeeze %dma_wait3A_125 : memref<1x128xi32, #tpu.memory_space<vmem>> -> memref<128xi32, #tpu.memory_space<vmem>>
        %dma_wait3A_127 = arith.constant 0 : i32
        %dma_wait3A_128 = arith.constant 0 : i32
        %dma_wait3A_129 = tpu.memref_slice %arg10[%dma_wait3A_127, %dma_wait3A_128] : memref<10112x128xf32, #tpu.memory_space<vmem_shared>> -> memref<10112x128xf32, #tpu.memory_space<vmem_shared>>
        tpu.wait_indirect_dma semaphore(%arg14 : memref<!tpu.dma_semaphore, #tpu.memory_space<semaphore_mem>>) src(%arg9 : memref<128x128xf32, #tpu.memory_space<vmem>>) dst(%dma_wait3A_129 : memref<10112x128xf32, #tpu.memory_space<vmem_shared>>)
      } else {
      }
      %add3A_74 = arith.constant 1 : i32
      %add3A_75 = arith.addi %mul3A_71, %add3A_74 : i32
      %dma_start3A_76 = arith.constant 0 : i32
      %dma_start3A_77 = tpu.memref_slice %arg6[%add3A_75, %dma_start3A_76] : memref<40x128xi32, #tpu.memory_space<vmem>> -> memref<1x128xi32, #tpu.memory_space<vmem>>
      %dma_start3A_78 = tpu.memref_squeeze %dma_start3A_77 : memref<1x128xi32, #tpu.memory_space<vmem>> -> memref<128xi32, #tpu.memory_space<vmem>>
      %dma_start3A_79 = arith.constant 0 : i32
      %dma_start3A_80 = arith.constant 0 : i32
      %dma_start3A_81 = tpu.memref_slice %arg2[%dma_start3A_79, %dma_start3A_80] : memref<20224x128xf32, #tpu.memory_space<hbm>> -> memref<20224x128xf32, #tpu.memory_space<hbm>>
      tpu.enqueue_indirect_dma source(%dma_start3A_81 : memref<20224x128xf32, #tpu.memory_space<hbm>>) target(%arg9 : memref<128x128xf32, #tpu.memory_space<vmem>>) offsets(%dma_start3A_78 : memref<128xi32, #tpu.memory_space<vmem>>) semaphore(%arg12 : memref<!tpu.dma_semaphore, #tpu.memory_space<semaphore_mem>>)
      %dma_wait3A_82 = arith.constant 0 : i32
      %dma_wait3A_83 = arith.constant 0 : i32
      %dma_wait3A_84 = tpu.memref_slice %arg6[%dma_wait3A_82, %dma_wait3A_83] : memref<40x128xi32, #tpu.memory_space<vmem>> -> memref<1x128xi32, #tpu.memory_space<vmem>>
      %dma_wait3A_85 = tpu.memref_squeeze %dma_wait3A_84 : memref<1x128xi32, #tpu.memory_space<vmem>> -> memref<128xi32, #tpu.memory_space<vmem>>
      %dma_wait3A_86 = arith.constant 0 : i32
      %dma_wait3A_87 = arith.constant 0 : i32
      %dma_wait3A_88 = tpu.memref_slice %arg2[%dma_wait3A_86, %dma_wait3A_87] : memref<20224x128xf32, #tpu.memory_space<hbm>> -> memref<20224x128xf32, #tpu.memory_space<hbm>>
      tpu.wait_indirect_dma semaphore(%arg11 : memref<!tpu.dma_semaphore, #tpu.memory_space<semaphore_mem>>) src(%dma_wait3A_88 : memref<20224x128xf32, #tpu.memory_space<hbm>>) dst(%arg8 : memref<128x128xf32, #tpu.memory_space<vmem>>)
      %dma_start3A_89 = arith.constant 0 : i32
      %dma_start3A_90 = tpu.memref_slice %arg7[%mul3A_71, %dma_start3A_89] : memref<40x128xi32, #tpu.memory_space<vmem>> -> memref<1x128xi32, #tpu.memory_space<vmem>>
      %dma_start3A_91 = tpu.memref_squeeze %dma_start3A_90 : memref<1x128xi32, #tpu.memory_space<vmem>> -> memref<128xi32, #tpu.memory_space<vmem>>
      %dma_start3A_92 = arith.constant 0 : i32
      %dma_start3A_93 = arith.constant 0 : i32
      %dma_start3A_94 = tpu.memref_slice %arg10[%dma_start3A_92, %dma_start3A_93] : memref<10112x128xf32, #tpu.memory_space<vmem_shared>> -> memref<10112x128xf32, #tpu.memory_space<vmem_shared>>
      tpu.enqueue_indirect_dma source(%arg8 : memref<128x128xf32, #tpu.memory_space<vmem>>) target(%dma_start3A_94 : memref<10112x128xf32, #tpu.memory_space<vmem_shared>>) offsets(%dma_start3A_91 : memref<128xi32, #tpu.memory_space<vmem>>) semaphore(%arg13 : memref<!tpu.dma_semaphore, #tpu.memory_space<semaphore_mem>>) {add = true}
      %dma_wait3A_95 = arith.constant 0 : i32
      %dma_wait3A_96 = arith.constant 0 : i32
      %dma_wait3A_97 = tpu.memref_slice %arg7[%dma_wait3A_95, %dma_wait3A_96] : memref<40x128xi32, #tpu.memory_space<vmem>> -> memref<1x128xi32, #tpu.memory_space<vmem>>
      %dma_wait3A_98 = tpu.memref_squeeze %dma_wait3A_97 : memref<1x128xi32, #tpu.memory_space<vmem>> -> memref<128xi32, #tpu.memory_space<vmem>>
      %dma_wait3A_99 = arith.constant 0 : i32
      %dma_wait3A_100 = arith.constant 0 : i32
      %dma_wait3A_101 = tpu.memref_slice %arg10[%dma_wait3A_99, %dma_wait3A_100] : memref<10112x128xf32, #tpu.memory_space<vmem_shared>> -> memref<10112x128xf32, #tpu.memory_space<vmem_shared>>
      tpu.wait_indirect_dma semaphore(%arg13 : memref<!tpu.dma_semaphore, #tpu.memory_space<semaphore_mem>>) src(%arg8 : memref<128x128xf32, #tpu.memory_space<vmem>>) dst(%dma_wait3A_101 : memref<10112x128xf32, #tpu.memory_space<vmem_shared>>)
      %add3A_102 = arith.constant 1 : i32
      %add3A_103 = arith.addi %scan3A_69, %add3A_102 : i32
      %lt3A = arith.constant 20 : i32
      %lt3A_104 = arith.cmpi slt, %add3A_103, %lt3A : i32
      %convert_element_type3A_105 = arith.extui %lt3A_104 : i1 to i32
      %cond3A_106 = arith.constant 0 : i32
      %cond3A_107 = arith.cmpi ne, %convert_element_type3A_105, %cond3A_106 : i32
      scf.if %cond3A_107 {
        %add3A_123 = arith.constant 2 : i32
        %add3A_124 = arith.addi %mul3A_71, %add3A_123 : i32
        %dma_start3A_125 = arith.constant 0 : i32
        %dma_start3A_126 = tpu.memref_slice %arg6[%add3A_124, %dma_start3A_125] : memref<40x128xi32, #tpu.memory_space<vmem>> -> memref<1x128xi32, #tpu.memory_space<vmem>>
        %dma_start3A_127 = tpu.memref_squeeze %dma_start3A_126 : memref<1x128xi32, #tpu.memory_space<vmem>> -> memref<128xi32, #tpu.memory_space<vmem>>
        %dma_start3A_128 = arith.constant 0 : i32
        %dma_start3A_129 = arith.constant 0 : i32
        %dma_start3A_130 = tpu.memref_slice %arg2[%dma_start3A_128, %dma_start3A_129] : memref<20224x128xf32, #tpu.memory_space<hbm>> -> memref<20224x128xf32, #tpu.memory_space<hbm>>
        tpu.enqueue_indirect_dma source(%dma_start3A_130 : memref<20224x128xf32, #tpu.memory_space<hbm>>) target(%arg8 : memref<128x128xf32, #tpu.memory_space<vmem>>) offsets(%dma_start3A_127 : memref<128xi32, #tpu.memory_space<vmem>>) semaphore(%arg11 : memref<!tpu.dma_semaphore, #tpu.memory_space<semaphore_mem>>)
      } else {
      }
      %dma_wait3A_108 = arith.constant 0 : i32
      %dma_wait3A_109 = arith.constant 0 : i32
      %dma_wait3A_110 = tpu.memref_slice %arg6[%dma_wait3A_108, %dma_wait3A_109] : memref<40x128xi32, #tpu.memory_space<vmem>> -> memref<1x128xi32, #tpu.memory_space<vmem>>
      %dma_wait3A_111 = tpu.memref_squeeze %dma_wait3A_110 : memref<1x128xi32, #tpu.memory_space<vmem>> -> memref<128xi32, #tpu.memory_space<vmem>>
      %dma_wait3A_112 = arith.constant 0 : i32
      %dma_wait3A_113 = arith.constant 0 : i32
      %dma_wait3A_114 = tpu.memref_slice %arg2[%dma_wait3A_112, %dma_wait3A_113] : memref<20224x128xf32, #tpu.memory_space<hbm>> -> memref<20224x128xf32, #tpu.memory_space<hbm>>
      tpu.wait_indirect_dma semaphore(%arg12 : memref<!tpu.dma_semaphore, #tpu.memory_space<semaphore_mem>>) src(%dma_wait3A_114 : memref<20224x128xf32, #tpu.memory_space<hbm>>) dst(%arg9 : memref<128x128xf32, #tpu.memory_space<vmem>>)
      %add3A_115 = arith.constant 1 : i32
      %add3A_116 = arith.addi %mul3A_71, %add3A_115 : i32
      %dma_start3A_117 = arith.constant 0 : i32
      %dma_start3A_118 = tpu.memref_slice %arg7[%add3A_116, %dma_start3A_117] : memref<40x128xi32, #tpu.memory_space<vmem>> -> memref<1x128xi32, #tpu.memory_space<vmem>>
      %dma_start3A_119 = tpu.memref_squeeze %dma_start3A_118 : memref<1x128xi32, #tpu.memory_space<vmem>> -> memref<128xi32, #tpu.memory_space<vmem>>
      %dma_start3A_120 = arith.constant 0 : i32
      %dma_start3A_121 = arith.constant 0 : i32
      %dma_start3A_122 = tpu.memref_slice %arg10[%dma_start3A_120, %dma_start3A_121] : memref<10112x128xf32, #tpu.memory_space<vmem_shared>> -> memref<10112x128xf32, #tpu.memory_space<vmem_shared>>
      tpu.enqueue_indirect_dma source(%arg9 : memref<128x128xf32, #tpu.memory_space<vmem>>) target(%dma_start3A_122 : memref<10112x128xf32, #tpu.memory_space<vmem_shared>>) offsets(%dma_start3A_119 : memref<128xi32, #tpu.memory_space<vmem>>) semaphore(%arg14 : memref<!tpu.dma_semaphore, #tpu.memory_space<semaphore_mem>>) {add = true}
    }
    %scan3A_56 = arith.constant 20 : i32
    %dma_wait3A_57 = arith.constant 0 : i32
    %dma_wait3A_58 = arith.constant 0 : i32
    %dma_wait3A_59 = tpu.memref_slice %arg7[%dma_wait3A_57, %dma_wait3A_58] : memref<40x128xi32, #tpu.memory_space<vmem>> -> memref<1x128xi32, #tpu.memory_space<vmem>>
    %dma_wait3A_60 = tpu.memref_squeeze %dma_wait3A_59 : memref<1x128xi32, #tpu.memory_space<vmem>> -> memref<128xi32, #tpu.memory_space<vmem>>
    %dma_wait3A_61 = arith.constant 0 : i32
    %dma_wait3A_62 = arith.constant 0 : i32
    %dma_wait3A_63 = tpu.memref_slice %arg10[%dma_wait3A_61, %dma_wait3A_62] : memref<10112x128xf32, #tpu.memory_space<vmem_shared>> -> memref<10112x128xf32, #tpu.memory_space<vmem_shared>>
    tpu.wait_indirect_dma semaphore(%arg14 : memref<!tpu.dma_semaphore, #tpu.memory_space<semaphore_mem>>) src(%arg9 : memref<128x128xf32, #tpu.memory_space<vmem>>) dst(%dma_wait3A_63 : memref<10112x128xf32, #tpu.memory_space<vmem_shared>>)
    %barrier3A_64 = arith.constant 0 : index
    tpu.barrier barrier_id(%barrier3A_64)
    %mul3A_65 = arith.constant 632 : i32
    %mul3A_66 = arith.muli %arg1, %mul3A_65 : i32
    %mul3A_67 = arith.constant 632 : i32
    %mul3A_68 = arith.muli %arg1, %mul3A_67 : i32
    "tpu.region"() ({
      %run_scoped3A = tpu.sem_alloc : memref<!tpu.dma_semaphore, #tpu.memory_space<semaphore_mem>>
      %dma_start3A_69 = arith.constant 0 : i32
      %dma_start3A_70 = tpu.memref_slice %arg5[%arg0, %mul3A_68, %dma_start3A_69] : memref<2x10112x128xf32, #tpu.memory_space<hbm>> -> memref<1x632x128xf32, #tpu.memory_space<hbm>>
      %dma_start3A_71 = tpu.memref_squeeze %dma_start3A_70 : memref<1x632x128xf32, #tpu.memory_space<hbm>> -> memref<632x128xf32, #tpu.memory_space<hbm>>
      %dma_start3A_72 = arith.constant 0 : i32
      %dma_start3A_73 = tpu.memref_slice %arg10[%mul3A_66, %dma_start3A_72] : memref<10112x128xf32, #tpu.memory_space<vmem_shared>> -> memref<632x128xf32, #tpu.memory_space<vmem_shared>>
      tpu.enqueue_dma source(%dma_start3A_73 : memref<632x128xf32, #tpu.memory_space<vmem_shared>>) target(%dma_start3A_71 : memref<632x128xf32, #tpu.memory_space<hbm>>) target_semaphore(%run_scoped3A : memref<!tpu.dma_semaphore, #tpu.memory_space<semaphore_mem>>)
      %dma_wait3A_74 = arith.constant 0 : i32
      %dma_wait3A_75 = tpu.memref_slice %arg5[%arg0, %mul3A_68, %dma_wait3A_74] : memref<2x10112x128xf32, #tpu.memory_space<hbm>> -> memref<1x632x128xf32, #tpu.memory_space<hbm>>
      %dma_wait3A_76 = tpu.memref_squeeze %dma_wait3A_75 : memref<1x632x128xf32, #tpu.memory_space<hbm>> -> memref<632x128xf32, #tpu.memory_space<hbm>>
      %dma_wait3A_77 = arith.constant 0 : i32
      %dma_wait3A_78 = tpu.memref_slice %arg10[%mul3A_66, %dma_wait3A_77] : memref<10112x128xf32, #tpu.memory_space<vmem_shared>> -> memref<632x128xf32, #tpu.memory_space<vmem_shared>>
      tpu.wait_dma2 semaphore(%run_scoped3A : memref<!tpu.dma_semaphore, #tpu.memory_space<semaphore_mem>>) src(%dma_wait3A_78 : memref<632x128xf32, #tpu.memory_space<vmem_shared>>) dst(%dma_wait3A_76 : memref<632x128xf32, #tpu.memory_space<hbm>>)
      tpu.yield
    }) : () -> ()
    return
  }
}

#map = affine_map<(d0, d1) -> (0, 0)>
#map1 = affine_map<(d0, d1) -> (0, 0, 0)>
module attributes {stable_mosaic.version = 14 : i64} {
  func.func @conv_kernel(%arg0: i32, %arg1: i32, %arg2: memref<20224x128xf32, #tpu.memory_space<hbm>>, %arg3: memref<1280x128xi32, #tpu.memory_space<hbm>>, %arg4: memref<1280x128xi32, #tpu.memory_space<hbm>>, %arg5: memref<2x10112x128xf32, #tpu.memory_space<hbm>>, %arg6: memref<40x128xi32, #tpu.memory_space<vmem>>, %arg7: memref<40x128xi32, #tpu.memory_space<vmem>>, %arg8: memref<128x128xf32, #tpu.memory_space<vmem>>, %arg9: memref<128x128xf32, #tpu.memory_space<vmem>>, %arg10: memref<10112x128xf32, #tpu.memory_space<vmem_shared>>, %arg11: memref<!tpu.dma_semaphore, #tpu.memory_space<semaphore_mem>>, %arg12: memref<!tpu.dma_semaphore, #tpu.memory_space<semaphore_mem>>, %arg13: memref<!tpu.dma_semaphore, #tpu.memory_space<semaphore_mem>>, %arg14: memref<!tpu.dma_semaphore, #tpu.memory_space<semaphore_mem>>) attributes {dimension_semantics = [#tpu.dimension_semantics<core_parallel>, #tpu.dimension_semantics<subcore_parallel>], iteration_bounds = array<i64: 2, 16>, scalar_prefetch = 0 : i64, scratch_operands = 9 : i64, tpu.core_type = #tpu.core_type<sc_vector_subcore>, window_params = [{transform_indices = #map}, {transform_indices = #map}, {transform_indices = #map}, {transform_indices = #map1}]} {
    %mul3A = arith.constant 10112 : i32
    %mul3A_0 = arith.muli %arg0, %mul3A : i32
    %mul3A_1 = arith.constant 632 : i32
    %mul3A_2 = arith.muli %arg1, %mul3A_1 : i32
    %add3A = arith.addi %mul3A_0, %mul3A_2 : i32
    %mul3A_3 = arith.constant 632 : i32
    %mul3A_4 = arith.muli %arg1, %mul3A_3 : i32
    "tpu.region"() ({
      %run_scoped3A = tpu.sem_alloc : memref<!tpu.dma_semaphore, #tpu.memory_space<semaphore_mem>>
      %dma_start3A_69 = arith.constant 0 : i32
      %dma_start3A_70 = tpu.memref_slice %arg10[%mul3A_4, %dma_start3A_69] : memref<10112x128xf32, #tpu.memory_space<vmem_shared>> -> memref<632x128xf32, #tpu.memory_space<vmem_shared>>
      %dma_start3A_71 = arith.constant 0 : i32
      %dma_start3A_72 = tpu.memref_slice %arg2[%add3A, %dma_start3A_71] : memref<20224x128xf32, #tpu.memory_space<hbm>> -> memref<632x128xf32, #tpu.memory_space<hbm>>
      tpu.enqueue_dma source(%dma_start3A_72 : memref<632x128xf32, #tpu.memory_space<hbm>>) target(%dma_start3A_70 : memref<632x128xf32, #tpu.memory_space<vmem_shared>>) target_semaphore(%run_scoped3A : memref<!tpu.dma_semaphore, #tpu.memory_space<semaphore_mem>>)
      %dma_wait3A_73 = arith.constant 0 : i32
      %dma_wait3A_74 = tpu.memref_slice %arg10[%mul3A_4, %dma_wait3A_73] : memref<10112x128xf32, #tpu.memory_space<vmem_shared>> -> memref<632x128xf32, #tpu.memory_space<vmem_shared>>
      %dma_wait3A_75 = arith.constant 0 : i32
      %dma_wait3A_76 = tpu.memref_slice %arg2[%add3A, %dma_wait3A_75] : memref<20224x128xf32, #tpu.memory_space<hbm>> -> memref<632x128xf32, #tpu.memory_space<hbm>>
      tpu.wait_dma2 semaphore(%run_scoped3A : memref<!tpu.dma_semaphore, #tpu.memory_space<semaphore_mem>>) src(%dma_wait3A_76 : memref<632x128xf32, #tpu.memory_space<hbm>>) dst(%dma_wait3A_74 : memref<632x128xf32, #tpu.memory_space<vmem_shared>>)
      tpu.yield
    }) : () -> ()
    %barrier3A = arith.constant 0 : index
    tpu.barrier barrier_id(%barrier3A)
    %mul3A_5 = arith.constant 10112 : i32
    %mul3A_6 = arith.muli %arg0, %mul3A_5 : i32
    %mul3A_7 = arith.constant 80 : i32
    %mul3A_8 = arith.muli %arg1, %mul3A_7 : i32
    %add3A_9 = arith.constant 0 : i32
    %add3A_10 = arith.addi %mul3A_8, %add3A_9 : i32
    "tpu.region"() ({
      %run_scoped3A = tpu.sem_alloc : memref<!tpu.dma_semaphore, #tpu.memory_space<semaphore_mem>>
      %dma_start3A_69 = arith.constant 0 : i32
      %dma_start3A_70 = tpu.memref_slice %arg3[%add3A_10, %dma_start3A_69] : memref<1280x128xi32, #tpu.memory_space<hbm>> -> memref<40x128xi32, #tpu.memory_space<hbm>>
      %dma_start3A_71 = arith.constant 0 : i32
      %dma_start3A_72 = tpu.memref_slice %arg3[%add3A_10, %dma_start3A_71] : memref<1280x128xi32, #tpu.memory_space<hbm>> -> memref<40x128xi32, #tpu.memory_space<hbm>>
      tpu.enqueue_dma source(%dma_start3A_72 : memref<40x128xi32, #tpu.memory_space<hbm>>) target(%arg6 : memref<40x128xi32, #tpu.memory_space<vmem>>) target_semaphore(%run_scoped3A : memref<!tpu.dma_semaphore, #tpu.memory_space<semaphore_mem>>)
      %dma_wait3A_73 = arith.constant 0 : i32
      %dma_wait3A_74 = tpu.memref_slice %arg3[%add3A_10, %dma_wait3A_73] : memref<1280x128xi32, #tpu.memory_space<hbm>> -> memref<40x128xi32, #tpu.memory_space<hbm>>
      %dma_wait3A_75 = arith.constant 0 : i32
      %dma_wait3A_76 = tpu.memref_slice %arg3[%add3A_10, %dma_wait3A_75] : memref<1280x128xi32, #tpu.memory_space<hbm>> -> memref<40x128xi32, #tpu.memory_space<hbm>>
      tpu.wait_dma2 semaphore(%run_scoped3A : memref<!tpu.dma_semaphore, #tpu.memory_space<semaphore_mem>>) src(%dma_wait3A_76 : memref<40x128xi32, #tpu.memory_space<hbm>>) dst(%arg6 : memref<40x128xi32, #tpu.memory_space<vmem>>)
      tpu.yield
    }) : () -> ()
    "tpu.region"() ({
      %run_scoped3A = tpu.sem_alloc : memref<!tpu.dma_semaphore, #tpu.memory_space<semaphore_mem>>
      %dma_start3A_69 = arith.constant 0 : i32
      %dma_start3A_70 = tpu.memref_slice %arg4[%add3A_10, %dma_start3A_69] : memref<1280x128xi32, #tpu.memory_space<hbm>> -> memref<40x128xi32, #tpu.memory_space<hbm>>
      %dma_start3A_71 = arith.constant 0 : i32
      %dma_start3A_72 = tpu.memref_slice %arg4[%add3A_10, %dma_start3A_71] : memref<1280x128xi32, #tpu.memory_space<hbm>> -> memref<40x128xi32, #tpu.memory_space<hbm>>
      tpu.enqueue_dma source(%dma_start3A_72 : memref<40x128xi32, #tpu.memory_space<hbm>>) target(%arg7 : memref<40x128xi32, #tpu.memory_space<vmem>>) target_semaphore(%run_scoped3A : memref<!tpu.dma_semaphore, #tpu.memory_space<semaphore_mem>>)
      %dma_wait3A_73 = arith.constant 0 : i32
      %dma_wait3A_74 = tpu.memref_slice %arg4[%add3A_10, %dma_wait3A_73] : memref<1280x128xi32, #tpu.memory_space<hbm>> -> memref<40x128xi32, #tpu.memory_space<hbm>>
      %dma_wait3A_75 = arith.constant 0 : i32
      %dma_wait3A_76 = tpu.memref_slice %arg4[%add3A_10, %dma_wait3A_75] : memref<1280x128xi32, #tpu.memory_space<hbm>> -> memref<40x128xi32, #tpu.memory_space<hbm>>
      tpu.wait_dma2 semaphore(%run_scoped3A : memref<!tpu.dma_semaphore, #tpu.memory_space<semaphore_mem>>) src(%dma_wait3A_76 : memref<40x128xi32, #tpu.memory_space<hbm>>) dst(%arg7 : memref<40x128xi32, #tpu.memory_space<vmem>>)
      tpu.yield
    }) : () -> ()
    %scan3A = arith.constant 0 : i32
    %scan3A_11 = arith.constant 0 : i32
    %scan3A_12 = arith.constant 40 : i32
    %scan3A_13 = arith.addi %scan3A_11, %scan3A_12 : i32
    %scan3A_14 = arith.constant 1 : i32
    scf.for %scan3A_69 = %scan3A_11 to %scan3A_13 step %scan3A_14  : i32 {
      %get3A = arith.index_cast %scan3A_69 : i32 to index
      %get3A_70 = arith.constant 0 : index
      %get3A_71 = tpu.vector_load %arg6[%get3A, %get3A_70] {strides = array<i32>} : memref<40x128xi32, #tpu.memory_space<vmem>>, vector<1x16xi32>,
      %get3A_72 = vector.shape_cast %get3A_71 : vector<1x16xi32> to vector<16xi32>
      %add3A_73 = vector.broadcast %mul3A_6 : i32 to vector<16xi32>
      %add3A_74 = arith.addi %get3A_72, %add3A_73 : vector<16xi32>
      %swap3A = arith.index_cast %scan3A_69 : i32 to index
      %swap3A_75 = arith.constant 0 : index
      %swap3A_76 = tpu.vector_load %arg6[%swap3A, %swap3A_75] {strides = array<i32>} : memref<40x128xi32, #tpu.memory_space<vmem>>, vector<1x16xi32>,
      %swap3A_77 = vector.shape_cast %swap3A_76 : vector<1x16xi32> to vector<16xi32>
      %swap3A_78 = vector.shape_cast %add3A_74 : vector<16xi32> to vector<1x16xi32>
      tpu.vector_store %arg6[%swap3A, %swap3A_75], %swap3A_78 {strides = array<i32>} : memref<40x128xi32, #tpu.memory_space<vmem>>, vector<1x16xi32>,
      %get3A_79 = arith.index_cast %scan3A_69 : i32 to index
      %get3A_80 = arith.constant 16 : index
      %get3A_81 = tpu.vector_load %arg6[%get3A_79, %get3A_80] {strides = array<i32>} : memref<40x128xi32, #tpu.memory_space<vmem>>, vector<1x16xi32>,
      %get3A_82 = vector.shape_cast %get3A_81 : vector<1x16xi32> to vector<16xi32>
      %add3A_83 = vector.broadcast %mul3A_6 : i32 to vector<16xi32>
      %add3A_84 = arith.addi %get3A_82, %add3A_83 : vector<16xi32>
      %swap3A_85 = arith.index_cast %scan3A_69 : i32 to index
      %swap3A_86 = arith.constant 16 : index
      %swap3A_87 = tpu.vector_load %arg6[%swap3A_85, %swap3A_86] {strides = array<i32>} : memref<40x128xi32, #tpu.memory_space<vmem>>, vector<1x16xi32>,
      %swap3A_88 = vector.shape_cast %swap3A_87 : vector<1x16xi32> to vector<16xi32>
      %swap3A_89 = vector.shape_cast %add3A_84 : vector<16xi32> to vector<1x16xi32>
      tpu.vector_store %arg6[%swap3A_85, %swap3A_86], %swap3A_89 {strides = array<i32>} : memref<40x128xi32, #tpu.memory_space<vmem>>, vector<1x16xi32>,
      %get3A_90 = arith.index_cast %scan3A_69 : i32 to index
      %get3A_91 = arith.constant 32 : index
      %get3A_92 = tpu.vector_load %arg6[%get3A_90, %get3A_91] {strides = array<i32>} : memref<40x128xi32, #tpu.memory_space<vmem>>, vector<1x16xi32>,
      %get3A_93 = vector.shape_cast %get3A_92 : vector<1x16xi32> to vector<16xi32>
      %add3A_94 = vector.broadcast %mul3A_6 : i32 to vector<16xi32>
      %add3A_95 = arith.addi %get3A_93, %add3A_94 : vector<16xi32>
      %swap3A_96 = arith.index_cast %scan3A_69 : i32 to index
      %swap3A_97 = arith.constant 32 : index
      %swap3A_98 = tpu.vector_load %arg6[%swap3A_96, %swap3A_97] {strides = array<i32>} : memref<40x128xi32, #tpu.memory_space<vmem>>, vector<1x16xi32>,
      %swap3A_99 = vector.shape_cast %swap3A_98 : vector<1x16xi32> to vector<16xi32>
      %swap3A_100 = vector.shape_cast %add3A_95 : vector<16xi32> to vector<1x16xi32>
      tpu.vector_store %arg6[%swap3A_96, %swap3A_97], %swap3A_100 {strides = array<i32>} : memref<40x128xi32, #tpu.memory_space<vmem>>, vector<1x16xi32>,
      %get3A_101 = arith.index_cast %scan3A_69 : i32 to index
      %get3A_102 = arith.constant 48 : index
      %get3A_103 = tpu.vector_load %arg6[%get3A_101, %get3A_102] {strides = array<i32>} : memref<40x128xi32, #tpu.memory_space<vmem>>, vector<1x16xi32>,
      %get3A_104 = vector.shape_cast %get3A_103 : vector<1x16xi32> to vector<16xi32>
      %add3A_105 = vector.broadcast %mul3A_6 : i32 to vector<16xi32>
      %add3A_106 = arith.addi %get3A_104, %add3A_105 : vector<16xi32>
      %swap3A_107 = arith.index_cast %scan3A_69 : i32 to index
      %swap3A_108 = arith.constant 48 : index
      %swap3A_109 = tpu.vector_load %arg6[%swap3A_107, %swap3A_108] {strides = array<i32>} : memref<40x128xi32, #tpu.memory_space<vmem>>, vector<1x16xi32>,
      %swap3A_110 = vector.shape_cast %swap3A_109 : vector<1x16xi32> to vector<16xi32>
      %swap3A_111 = vector.shape_cast %add3A_106 : vector<16xi32> to vector<1x16xi32>
      tpu.vector_store %arg6[%swap3A_107, %swap3A_108], %swap3A_111 {strides = array<i32>} : memref<40x128xi32, #tpu.memory_space<vmem>>, vector<1x16xi32>,
      %get3A_112 = arith.index_cast %scan3A_69 : i32 to index
      %get3A_113 = arith.constant 64 : index
      %get3A_114 = tpu.vector_load %arg6[%get3A_112, %get3A_113] {strides = array<i32>} : memref<40x128xi32, #tpu.memory_space<vmem>>, vector<1x16xi32>,
      %get3A_115 = vector.shape_cast %get3A_114 : vector<1x16xi32> to vector<16xi32>
      %add3A_116 = vector.broadcast %mul3A_6 : i32 to vector<16xi32>
      %add3A_117 = arith.addi %get3A_115, %add3A_116 : vector<16xi32>
      %swap3A_118 = arith.index_cast %scan3A_69 : i32 to index
      %swap3A_119 = arith.constant 64 : index
      %swap3A_120 = tpu.vector_load %arg6[%swap3A_118, %swap3A_119] {strides = array<i32>} : memref<40x128xi32, #tpu.memory_space<vmem>>, vector<1x16xi32>,
      %swap3A_121 = vector.shape_cast %swap3A_120 : vector<1x16xi32> to vector<16xi32>
      %swap3A_122 = vector.shape_cast %add3A_117 : vector<16xi32> to vector<1x16xi32>
      tpu.vector_store %arg6[%swap3A_118, %swap3A_119], %swap3A_122 {strides = array<i32>} : memref<40x128xi32, #tpu.memory_space<vmem>>, vector<1x16xi32>,
      %get3A_123 = arith.index_cast %scan3A_69 : i32 to index
      %get3A_124 = arith.constant 80 : index
      %get3A_125 = tpu.vector_load %arg6[%get3A_123, %get3A_124] {strides = array<i32>} : memref<40x128xi32, #tpu.memory_space<vmem>>, vector<1x16xi32>,
      %get3A_126 = vector.shape_cast %get3A_125 : vector<1x16xi32> to vector<16xi32>
      %add3A_127 = vector.broadcast %mul3A_6 : i32 to vector<16xi32>
      %add3A_128 = arith.addi %get3A_126, %add3A_127 : vector<16xi32>
      %swap3A_129 = arith.index_cast %scan3A_69 : i32 to index
      %swap3A_130 = arith.constant 80 : index
      %swap3A_131 = tpu.vector_load %arg6[%swap3A_129, %swap3A_130] {strides = array<i32>} : memref<40x128xi32, #tpu.memory_space<vmem>>, vector<1x16xi32>,
      %swap3A_132 = vector.shape_cast %swap3A_131 : vector<1x16xi32> to vector<16xi32>
      %swap3A_133 = vector.shape_cast %add3A_128 : vector<16xi32> to vector<1x16xi32>
      tpu.vector_store %arg6[%swap3A_129, %swap3A_130], %swap3A_133 {strides = array<i32>} : memref<40x128xi32, #tpu.memory_space<vmem>>, vector<1x16xi32>,
      %get3A_134 = arith.index_cast %scan3A_69 : i32 to index
      %get3A_135 = arith.constant 96 : index
      %get3A_136 = tpu.vector_load %arg6[%get3A_134, %get3A_135] {strides = array<i32>} : memref<40x128xi32, #tpu.memory_space<vmem>>, vector<1x16xi32>,
      %get3A_137 = vector.shape_cast %get3A_136 : vector<1x16xi32> to vector<16xi32>
      %add3A_138 = vector.broadcast %mul3A_6 : i32 to vector<16xi32>
      %add3A_139 = arith.addi %get3A_137, %add3A_138 : vector<16xi32>
      %swap3A_140 = arith.index_cast %scan3A_69 : i32 to index
      %swap3A_141 = arith.constant 96 : index
      %swap3A_142 = tpu.vector_load %arg6[%swap3A_140, %swap3A_141] {strides = array<i32>} : memref<40x128xi32, #tpu.memory_space<vmem>>, vector<1x16xi32>,
      %swap3A_143 = vector.shape_cast %swap3A_142 : vector<1x16xi32> to vector<16xi32>
      %swap3A_144 = vector.shape_cast %add3A_139 : vector<16xi32> to vector<1x16xi32>
      tpu.vector_store %arg6[%swap3A_140, %swap3A_141], %swap3A_144 {strides = array<i32>} : memref<40x128xi32, #tpu.memory_space<vmem>>, vector<1x16xi32>,
      %get3A_145 = arith.index_cast %scan3A_69 : i32 to index
      %get3A_146 = arith.constant 112 : index
      %get3A_147 = tpu.vector_load %arg6[%get3A_145, %get3A_146] {strides = array<i32>} : memref<40x128xi32, #tpu.memory_space<vmem>>, vector<1x16xi32>,
      %get3A_148 = vector.shape_cast %get3A_147 : vector<1x16xi32> to vector<16xi32>
      %add3A_149 = vector.broadcast %mul3A_6 : i32 to vector<16xi32>
      %add3A_150 = arith.addi %get3A_148, %add3A_149 : vector<16xi32>
      %swap3A_151 = arith.index_cast %scan3A_69 : i32 to index
      %swap3A_152 = arith.constant 112 : index
      %swap3A_153 = tpu.vector_load %arg6[%swap3A_151, %swap3A_152] {strides = array<i32>} : memref<40x128xi32, #tpu.memory_space<vmem>>, vector<1x16xi32>,
      %swap3A_154 = vector.shape_cast %swap3A_153 : vector<1x16xi32> to vector<16xi32>
      %swap3A_155 = vector.shape_cast %add3A_150 : vector<16xi32> to vector<1x16xi32>
      tpu.vector_store %arg6[%swap3A_151, %swap3A_152], %swap3A_155 {strides = array<i32>} : memref<40x128xi32, #tpu.memory_space<vmem>>, vector<1x16xi32>,
    }
    %scan3A_15 = arith.constant 40 : i32
    %dma_start3A = arith.constant 0 : i32
    %dma_start3A_16 = arith.constant 0 : i32
    %dma_start3A_17 = tpu.memref_slice %arg6[%dma_start3A, %dma_start3A_16] : memref<40x128xi32, #tpu.memory_space<vmem>> -> memref<1x128xi32, #tpu.memory_space<vmem>>
    %dma_start3A_18 = tpu.memref_squeeze %dma_start3A_17 : memref<1x128xi32, #tpu.memory_space<vmem>> -> memref<128xi32, #tpu.memory_space<vmem>>
    %dma_start3A_19 = arith.constant 0 : i32
    %dma_start3A_20 = arith.constant 0 : i32
    %dma_start3A_21 = tpu.memref_slice %arg2[%dma_start3A_19, %dma_start3A_20] : memref<20224x128xf32, #tpu.memory_space<hbm>> -> memref<20224x128xf32, #tpu.memory_space<hbm>>
    tpu.enqueue_indirect_dma source(%dma_start3A_21 : memref<20224x128xf32, #tpu.memory_space<hbm>>) target(%arg8 : memref<128x128xf32, #tpu.memory_space<vmem>>) offsets(%dma_start3A_18 : memref<128xi32, #tpu.memory_space<vmem>>) semaphore(%arg11 : memref<!tpu.dma_semaphore, #tpu.memory_space<semaphore_mem>>)
    %scan3A_22 = arith.constant 0 : i32
    %scan3A_23 = arith.constant 0 : i32
    %scan3A_24 = arith.constant 20 : i32
    %scan3A_25 = arith.addi %scan3A_23, %scan3A_24 : i32
    %scan3A_26 = arith.constant 1 : i32
    scf.for %scan3A_69 = %scan3A_23 to %scan3A_25 step %scan3A_26  : i32 {
      %mul3A_70 = arith.constant 2 : i32
      %mul3A_71 = arith.muli %mul3A_70, %scan3A_69 : i32
      %gt3A = arith.constant 0 : i32
      %gt3A_72 = arith.cmpi sgt, %scan3A_69, %gt3A : i32
      %convert_element_type3A = arith.extui %gt3A_72 : i1 to i32
      %cond3A = arith.constant 0 : i32
      %cond3A_73 = arith.cmpi ne, %convert_element_type3A, %cond3A : i32
      scf.if %cond3A_73 {
        %dma_wait3A_123 = arith.constant 0 : i32
        %dma_wait3A_124 = arith.constant 0 : i32
        %dma_wait3A_125 = tpu.memref_slice %arg7[%dma_wait3A_123, %dma_wait3A_124] : memref<40x128xi32, #tpu.memory_space<vmem>> -> memref<1x128xi32, #tpu.memory_space<vmem>>
        %dma_wait3A_126 = tpu.memref_squeeze %dma_wait3A_125 : memref<1x128xi32, #tpu.memory_space<vmem>> -> memref<128xi32, #tpu.memory_space<vmem>>
        %dma_wait3A_127 = arith.constant 0 : i32
        %dma_wait3A_128 = arith.constant 0 : i32
        %dma_wait3A_129 = tpu.memref_slice %arg10[%dma_wait3A_127, %dma_wait3A_128] : memref<10112x128xf32, #tpu.memory_space<vmem_shared>> -> memref<10112x128xf32, #tpu.memory_space<vmem_shared>>
        tpu.wait_indirect_dma semaphore(%arg14 : memref<!tpu.dma_semaphore, #tpu.memory_space<semaphore_mem>>) src(%arg9 : memref<128x128xf32, #tpu.memory_space<vmem>>) dst(%dma_wait3A_129 : memref<10112x128xf32, #tpu.memory_space<vmem_shared>>)
      } else {
      }
      %add3A_74 = arith.constant 1 : i32
      %add3A_75 = arith.addi %mul3A_71, %add3A_74 : i32
      %dma_start3A_76 = arith.constant 0 : i32
      %dma_start3A_77 = tpu.memref_slice %arg6[%add3A_75, %dma_start3A_76] : memref<40x128xi32, #tpu.memory_space<vmem>> -> memref<1x128xi32, #tpu.memory_space<vmem>>
      %dma_start3A_78 = tpu.memref_squeeze %dma_start3A_77 : memref<1x128xi32, #tpu.memory_space<vmem>> -> memref<128xi32, #tpu.memory_space<vmem>>
      %dma_start3A_79 = arith.constant 0 : i32
      %dma_start3A_80 = arith.constant 0 : i32
      %dma_start3A_81 = tpu.memref_slice %arg2[%dma_start3A_79, %dma_start3A_80] : memref<20224x128xf32, #tpu.memory_space<hbm>> -> memref<20224x128xf32, #tpu.memory_space<hbm>>
      tpu.enqueue_indirect_dma source(%dma_start3A_81 : memref<20224x128xf32, #tpu.memory_space<hbm>>) target(%arg9 : memref<128x128xf32, #tpu.memory_space<vmem>>) offsets(%dma_start3A_78 : memref<128xi32, #tpu.memory_space<vmem>>) semaphore(%arg12 : memref<!tpu.dma_semaphore, #tpu.memory_space<semaphore_mem>>)
      %dma_wait3A_82 = arith.constant 0 : i32
      %dma_wait3A_83 = arith.constant 0 : i32
      %dma_wait3A_84 = tpu.memref_slice %arg6[%dma_wait3A_82, %dma_wait3A_83] : memref<40x128xi32, #tpu.memory_space<vmem>> -> memref<1x128xi32, #tpu.memory_space<vmem>>
      %dma_wait3A_85 = tpu.memref_squeeze %dma_wait3A_84 : memref<1x128xi32, #tpu.memory_space<vmem>> -> memref<128xi32, #tpu.memory_space<vmem>>
      %dma_wait3A_86 = arith.constant 0 : i32
      %dma_wait3A_87 = arith.constant 0 : i32
      %dma_wait3A_88 = tpu.memref_slice %arg2[%dma_wait3A_86, %dma_wait3A_87] : memref<20224x128xf32, #tpu.memory_space<hbm>> -> memref<20224x128xf32, #tpu.memory_space<hbm>>
      tpu.wait_indirect_dma semaphore(%arg11 : memref<!tpu.dma_semaphore, #tpu.memory_space<semaphore_mem>>) src(%dma_wait3A_88 : memref<20224x128xf32, #tpu.memory_space<hbm>>) dst(%arg8 : memref<128x128xf32, #tpu.memory_space<vmem>>)
      %dma_start3A_89 = arith.constant 0 : i32
      %dma_start3A_90 = tpu.memref_slice %arg7[%mul3A_71, %dma_start3A_89] : memref<40x128xi32, #tpu.memory_space<vmem>> -> memref<1x128xi32, #tpu.memory_space<vmem>>
      %dma_start3A_91 = tpu.memref_squeeze %dma_start3A_90 : memref<1x128xi32, #tpu.memory_space<vmem>> -> memref<128xi32, #tpu.memory_space<vmem>>
      %dma_start3A_92 = arith.constant 0 : i32
      %dma_start3A_93 = arith.constant 0 : i32
      %dma_start3A_94 = tpu.memref_slice %arg10[%dma_start3A_92, %dma_start3A_93] : memref<10112x128xf32, #tpu.memory_space<vmem_shared>> -> memref<10112x128xf32, #tpu.memory_space<vmem_shared>>
      tpu.enqueue_indirect_dma source(%arg8 : memref<128x128xf32, #tpu.memory_space<vmem>>) target(%dma_start3A_94 : memref<10112x128xf32, #tpu.memory_space<vmem_shared>>) offsets(%dma_start3A_91 : memref<128xi32, #tpu.memory_space<vmem>>) semaphore(%arg13 : memref<!tpu.dma_semaphore, #tpu.memory_space<semaphore_mem>>) {add = true}
      %dma_wait3A_95 = arith.constant 0 : i32
      %dma_wait3A_96 = arith.constant 0 : i32
      %dma_wait3A_97 = tpu.memref_slice %arg7[%dma_wait3A_95, %dma_wait3A_96] : memref<40x128xi32, #tpu.memory_space<vmem>> -> memref<1x128xi32, #tpu.memory_space<vmem>>
      %dma_wait3A_98 = tpu.memref_squeeze %dma_wait3A_97 : memref<1x128xi32, #tpu.memory_space<vmem>> -> memref<128xi32, #tpu.memory_space<vmem>>
      %dma_wait3A_99 = arith.constant 0 : i32
      %dma_wait3A_100 = arith.constant 0 : i32
      %dma_wait3A_101 = tpu.memref_slice %arg10[%dma_wait3A_99, %dma_wait3A_100] : memref<10112x128xf32, #tpu.memory_space<vmem_shared>> -> memref<10112x128xf32, #tpu.memory_space<vmem_shared>>
      tpu.wait_indirect_dma semaphore(%arg13 : memref<!tpu.dma_semaphore, #tpu.memory_space<semaphore_mem>>) src(%arg8 : memref<128x128xf32, #tpu.memory_space<vmem>>) dst(%dma_wait3A_101 : memref<10112x128xf32, #tpu.memory_space<vmem_shared>>)
      %add3A_102 = arith.constant 1 : i32
      %add3A_103 = arith.addi %scan3A_69, %add3A_102 : i32
      %lt3A = arith.constant 20 : i32
      %lt3A_104 = arith.cmpi slt, %add3A_103, %lt3A : i32
      %convert_element_type3A_105 = arith.extui %lt3A_104 : i1 to i32
      %cond3A_106 = arith.constant 0 : i32
      %cond3A_107 = arith.cmpi ne, %convert_element_type3A_105, %cond3A_106 : i32
      scf.if %cond3A_107 {
        %add3A_123 = arith.constant 2 : i32
        %add3A_124 = arith.addi %mul3A_71, %add3A_123 : i32
        %dma_start3A_125 = arith.constant 0 : i32
        %dma_start3A_126 = tpu.memref_slice %arg6[%add3A_124, %dma_start3A_125] : memref<40x128xi32, #tpu.memory_space<vmem>> -> memref<1x128xi32, #tpu.memory_space<vmem>>
        %dma_start3A_127 = tpu.memref_squeeze %dma_start3A_126 : memref<1x128xi32, #tpu.memory_space<vmem>> -> memref<128xi32, #tpu.memory_space<vmem>>
        %dma_start3A_128 = arith.constant 0 : i32
        %dma_start3A_129 = arith.constant 0 : i32
        %dma_start3A_130 = tpu.memref_slice %arg2[%dma_start3A_128, %dma_start3A_129] : memref<20224x128xf32, #tpu.memory_space<hbm>> -> memref<20224x128xf32, #tpu.memory_space<hbm>>
        tpu.enqueue_indirect_dma source(%dma_start3A_130 : memref<20224x128xf32, #tpu.memory_space<hbm>>) target(%arg8 : memref<128x128xf32, #tpu.memory_space<vmem>>) offsets(%dma_start3A_127 : memref<128xi32, #tpu.memory_space<vmem>>) semaphore(%arg11 : memref<!tpu.dma_semaphore, #tpu.memory_space<semaphore_mem>>)
      } else {
      }
      %dma_wait3A_108 = arith.constant 0 : i32
      %dma_wait3A_109 = arith.constant 0 : i32
      %dma_wait3A_110 = tpu.memref_slice %arg6[%dma_wait3A_108, %dma_wait3A_109] : memref<40x128xi32, #tpu.memory_space<vmem>> -> memref<1x128xi32, #tpu.memory_space<vmem>>
      %dma_wait3A_111 = tpu.memref_squeeze %dma_wait3A_110 : memref<1x128xi32, #tpu.memory_space<vmem>> -> memref<128xi32, #tpu.memory_space<vmem>>
      %dma_wait3A_112 = arith.constant 0 : i32
      %dma_wait3A_113 = arith.constant 0 : i32
      %dma_wait3A_114 = tpu.memref_slice %arg2[%dma_wait3A_112, %dma_wait3A_113] : memref<20224x128xf32, #tpu.memory_space<hbm>> -> memref<20224x128xf32, #tpu.memory_space<hbm>>
      tpu.wait_indirect_dma semaphore(%arg12 : memref<!tpu.dma_semaphore, #tpu.memory_space<semaphore_mem>>) src(%dma_wait3A_114 : memref<20224x128xf32, #tpu.memory_space<hbm>>) dst(%arg9 : memref<128x128xf32, #tpu.memory_space<vmem>>)
      %add3A_115 = arith.constant 1 : i32
      %add3A_116 = arith.addi %mul3A_71, %add3A_115 : i32
      %dma_start3A_117 = arith.constant 0 : i32
      %dma_start3A_118 = tpu.memref_slice %arg7[%add3A_116, %dma_start3A_117] : memref<40x128xi32, #tpu.memory_space<vmem>> -> memref<1x128xi32, #tpu.memory_space<vmem>>
      %dma_start3A_119 = tpu.memref_squeeze %dma_start3A_118 : memref<1x128xi32, #tpu.memory_space<vmem>> -> memref<128xi32, #tpu.memory_space<vmem>>
      %dma_start3A_120 = arith.constant 0 : i32
      %dma_start3A_121 = arith.constant 0 : i32
      %dma_start3A_122 = tpu.memref_slice %arg10[%dma_start3A_120, %dma_start3A_121] : memref<10112x128xf32, #tpu.memory_space<vmem_shared>> -> memref<10112x128xf32, #tpu.memory_space<vmem_shared>>
      tpu.enqueue_indirect_dma source(%arg9 : memref<128x128xf32, #tpu.memory_space<vmem>>) target(%dma_start3A_122 : memref<10112x128xf32, #tpu.memory_space<vmem_shared>>) offsets(%dma_start3A_119 : memref<128xi32, #tpu.memory_space<vmem>>) semaphore(%arg14 : memref<!tpu.dma_semaphore, #tpu.memory_space<semaphore_mem>>) {add = true}
    }
    %scan3A_27 = arith.constant 20 : i32
    %dma_wait3A = arith.constant 0 : i32
    %dma_wait3A_28 = arith.constant 0 : i32
    %dma_wait3A_29 = tpu.memref_slice %arg7[%dma_wait3A, %dma_wait3A_28] : memref<40x128xi32, #tpu.memory_space<vmem>> -> memref<1x128xi32, #tpu.memory_space<vmem>>
    %dma_wait3A_30 = tpu.memref_squeeze %dma_wait3A_29 : memref<1x128xi32, #tpu.memory_space<vmem>> -> memref<128xi32, #tpu.memory_space<vmem>>
    %dma_wait3A_31 = arith.constant 0 : i32
    %dma_wait3A_32 = arith.constant 0 : i32
    %dma_wait3A_33 = tpu.memref_slice %arg10[%dma_wait3A_31, %dma_wait3A_32] : memref<10112x128xf32, #tpu.memory_space<vmem_shared>> -> memref<10112x128xf32, #tpu.memory_space<vmem_shared>>
    tpu.wait_indirect_dma semaphore(%arg14 : memref<!tpu.dma_semaphore, #tpu.memory_space<semaphore_mem>>) src(%arg9 : memref<128x128xf32, #tpu.memory_space<vmem>>) dst(%dma_wait3A_33 : memref<10112x128xf32, #tpu.memory_space<vmem_shared>>)
    %mul3A_34 = arith.constant 80 : i32
    %mul3A_35 = arith.muli %arg1, %mul3A_34 : i32
    %add3A_36 = arith.constant 40 : i32
    %add3A_37 = arith.addi %mul3A_35, %add3A_36 : i32
    "tpu.region"() ({
      %run_scoped3A = tpu.sem_alloc : memref<!tpu.dma_semaphore, #tpu.memory_space<semaphore_mem>>
      %dma_start3A_69 = arith.constant 0 : i32
      %dma_start3A_70 = tpu.memref_slice %arg3[%add3A_37, %dma_start3A_69] : memref<1280x128xi32, #tpu.memory_space<hbm>> -> memref<40x128xi32, #tpu.memory_space<hbm>>
      %dma_start3A_71 = arith.constant 0 : i32
      %dma_start3A_72 = tpu.memref_slice %arg3[%add3A_37, %dma_start3A_71] : memref<1280x128xi32, #tpu.memory_space<hbm>> -> memref<40x128xi32, #tpu.memory_space<hbm>>
      tpu.enqueue_dma source(%dma_start3A_72 : memref<40x128xi32, #tpu.memory_space<hbm>>) target(%arg6 : memref<40x128xi32, #tpu.memory_space<vmem>>) target_semaphore(%run_scoped3A : memref<!tpu.dma_semaphore, #tpu.memory_space<semaphore_mem>>)
      %dma_wait3A_73 = arith.constant 0 : i32
      %dma_wait3A_74 = tpu.memref_slice %arg3[%add3A_37, %dma_wait3A_73] : memref<1280x128xi32, #tpu.memory_space<hbm>> -> memref<40x128xi32, #tpu.memory_space<hbm>>
      %dma_wait3A_75 = arith.constant 0 : i32
      %dma_wait3A_76 = tpu.memref_slice %arg3[%add3A_37, %dma_wait3A_75] : memref<1280x128xi32, #tpu.memory_space<hbm>> -> memref<40x128xi32, #tpu.memory_space<hbm>>
      tpu.wait_dma2 semaphore(%run_scoped3A : memref<!tpu.dma_semaphore, #tpu.memory_space<semaphore_mem>>) src(%dma_wait3A_76 : memref<40x128xi32, #tpu.memory_space<hbm>>) dst(%arg6 : memref<40x128xi32, #tpu.memory_space<vmem>>)
      tpu.yield
    }) : () -> ()
    "tpu.region"() ({
      %run_scoped3A = tpu.sem_alloc : memref<!tpu.dma_semaphore, #tpu.memory_space<semaphore_mem>>
      %dma_start3A_69 = arith.constant 0 : i32
      %dma_start3A_70 = tpu.memref_slice %arg4[%add3A_37, %dma_start3A_69] : memref<1280x128xi32, #tpu.memory_space<hbm>> -> memref<40x128xi32, #tpu.memory_space<hbm>>
      %dma_start3A_71 = arith.constant 0 : i32
      %dma_start3A_72 = tpu.memref_slice %arg4[%add3A_37, %dma_start3A_71] : memref<1280x128xi32, #tpu.memory_space<hbm>> -> memref<40x128xi32, #tpu.memory_space<hbm>>
      tpu.enqueue_dma source(%dma_start3A_72 : memref<40x128xi32, #tpu.memory_space<hbm>>) target(%arg7 : memref<40x128xi32, #tpu.memory_space<vmem>>) target_semaphore(%run_scoped3A : memref<!tpu.dma_semaphore, #tpu.memory_space<semaphore_mem>>)
      %dma_wait3A_73 = arith.constant 0 : i32
      %dma_wait3A_74 = tpu.memref_slice %arg4[%add3A_37, %dma_wait3A_73] : memref<1280x128xi32, #tpu.memory_space<hbm>> -> memref<40x128xi32, #tpu.memory_space<hbm>>
      %dma_wait3A_75 = arith.constant 0 : i32
      %dma_wait3A_76 = tpu.memref_slice %arg4[%add3A_37, %dma_wait3A_75] : memref<1280x128xi32, #tpu.memory_space<hbm>> -> memref<40x128xi32, #tpu.memory_space<hbm>>
      tpu.wait_dma2 semaphore(%run_scoped3A : memref<!tpu.dma_semaphore, #tpu.memory_space<semaphore_mem>>) src(%dma_wait3A_76 : memref<40x128xi32, #tpu.memory_space<hbm>>) dst(%arg7 : memref<40x128xi32, #tpu.memory_space<vmem>>)
      tpu.yield
    }) : () -> ()
    %scan3A_38 = arith.constant 0 : i32
    %scan3A_39 = arith.constant 0 : i32
    %scan3A_40 = arith.constant 40 : i32
    %scan3A_41 = arith.addi %scan3A_39, %scan3A_40 : i32
    %scan3A_42 = arith.constant 1 : i32
    scf.for %scan3A_69 = %scan3A_39 to %scan3A_41 step %scan3A_42  : i32 {
      %get3A = arith.index_cast %scan3A_69 : i32 to index
      %get3A_70 = arith.constant 0 : index
      %get3A_71 = tpu.vector_load %arg6[%get3A, %get3A_70] {strides = array<i32>} : memref<40x128xi32, #tpu.memory_space<vmem>>, vector<1x16xi32>,
      %get3A_72 = vector.shape_cast %get3A_71 : vector<1x16xi32> to vector<16xi32>
      %add3A_73 = vector.broadcast %mul3A_6 : i32 to vector<16xi32>
      %add3A_74 = arith.addi %get3A_72, %add3A_73 : vector<16xi32>
      %swap3A = arith.index_cast %scan3A_69 : i32 to index
      %swap3A_75 = arith.constant 0 : index
      %swap3A_76 = tpu.vector_load %arg6[%swap3A, %swap3A_75] {strides = array<i32>} : memref<40x128xi32, #tpu.memory_space<vmem>>, vector<1x16xi32>,
      %swap3A_77 = vector.shape_cast %swap3A_76 : vector<1x16xi32> to vector<16xi32>
      %swap3A_78 = vector.shape_cast %add3A_74 : vector<16xi32> to vector<1x16xi32>
      tpu.vector_store %arg6[%swap3A, %swap3A_75], %swap3A_78 {strides = array<i32>} : memref<40x128xi32, #tpu.memory_space<vmem>>, vector<1x16xi32>,
      %get3A_79 = arith.index_cast %scan3A_69 : i32 to index
      %get3A_80 = arith.constant 16 : index
      %get3A_81 = tpu.vector_load %arg6[%get3A_79, %get3A_80] {strides = array<i32>} : memref<40x128xi32, #tpu.memory_space<vmem>>, vector<1x16xi32>,
      %get3A_82 = vector.shape_cast %get3A_81 : vector<1x16xi32> to vector<16xi32>
      %add3A_83 = vector.broadcast %mul3A_6 : i32 to vector<16xi32>
      %add3A_84 = arith.addi %get3A_82, %add3A_83 : vector<16xi32>
      %swap3A_85 = arith.index_cast %scan3A_69 : i32 to index
      %swap3A_86 = arith.constant 16 : index
      %swap3A_87 = tpu.vector_load %arg6[%swap3A_85, %swap3A_86] {strides = array<i32>} : memref<40x128xi32, #tpu.memory_space<vmem>>, vector<1x16xi32>,
      %swap3A_88 = vector.shape_cast %swap3A_87 : vector<1x16xi32> to vector<16xi32>
      %swap3A_89 = vector.shape_cast %add3A_84 : vector<16xi32> to vector<1x16xi32>
      tpu.vector_store %arg6[%swap3A_85, %swap3A_86], %swap3A_89 {strides = array<i32>} : memref<40x128xi32, #tpu.memory_space<vmem>>, vector<1x16xi32>,
      %get3A_90 = arith.index_cast %scan3A_69 : i32 to index
      %get3A_91 = arith.constant 32 : index
      %get3A_92 = tpu.vector_load %arg6[%get3A_90, %get3A_91] {strides = array<i32>} : memref<40x128xi32, #tpu.memory_space<vmem>>, vector<1x16xi32>,
      %get3A_93 = vector.shape_cast %get3A_92 : vector<1x16xi32> to vector<16xi32>
      %add3A_94 = vector.broadcast %mul3A_6 : i32 to vector<16xi32>
      %add3A_95 = arith.addi %get3A_93, %add3A_94 : vector<16xi32>
      %swap3A_96 = arith.index_cast %scan3A_69 : i32 to index
      %swap3A_97 = arith.constant 32 : index
      %swap3A_98 = tpu.vector_load %arg6[%swap3A_96, %swap3A_97] {strides = array<i32>} : memref<40x128xi32, #tpu.memory_space<vmem>>, vector<1x16xi32>,
      %swap3A_99 = vector.shape_cast %swap3A_98 : vector<1x16xi32> to vector<16xi32>
      %swap3A_100 = vector.shape_cast %add3A_95 : vector<16xi32> to vector<1x16xi32>
      tpu.vector_store %arg6[%swap3A_96, %swap3A_97], %swap3A_100 {strides = array<i32>} : memref<40x128xi32, #tpu.memory_space<vmem>>, vector<1x16xi32>,
      %get3A_101 = arith.index_cast %scan3A_69 : i32 to index
      %get3A_102 = arith.constant 48 : index
      %get3A_103 = tpu.vector_load %arg6[%get3A_101, %get3A_102] {strides = array<i32>} : memref<40x128xi32, #tpu.memory_space<vmem>>, vector<1x16xi32>,
      %get3A_104 = vector.shape_cast %get3A_103 : vector<1x16xi32> to vector<16xi32>
      %add3A_105 = vector.broadcast %mul3A_6 : i32 to vector<16xi32>
      %add3A_106 = arith.addi %get3A_104, %add3A_105 : vector<16xi32>
      %swap3A_107 = arith.index_cast %scan3A_69 : i32 to index
      %swap3A_108 = arith.constant 48 : index
      %swap3A_109 = tpu.vector_load %arg6[%swap3A_107, %swap3A_108] {strides = array<i32>} : memref<40x128xi32, #tpu.memory_space<vmem>>, vector<1x16xi32>,
      %swap3A_110 = vector.shape_cast %swap3A_109 : vector<1x16xi32> to vector<16xi32>
      %swap3A_111 = vector.shape_cast %add3A_106 : vector<16xi32> to vector<1x16xi32>
      tpu.vector_store %arg6[%swap3A_107, %swap3A_108], %swap3A_111 {strides = array<i32>} : memref<40x128xi32, #tpu.memory_space<vmem>>, vector<1x16xi32>,
      %get3A_112 = arith.index_cast %scan3A_69 : i32 to index
      %get3A_113 = arith.constant 64 : index
      %get3A_114 = tpu.vector_load %arg6[%get3A_112, %get3A_113] {strides = array<i32>} : memref<40x128xi32, #tpu.memory_space<vmem>>, vector<1x16xi32>,
      %get3A_115 = vector.shape_cast %get3A_114 : vector<1x16xi32> to vector<16xi32>
      %add3A_116 = vector.broadcast %mul3A_6 : i32 to vector<16xi32>
      %add3A_117 = arith.addi %get3A_115, %add3A_116 : vector<16xi32>
      %swap3A_118 = arith.index_cast %scan3A_69 : i32 to index
      %swap3A_119 = arith.constant 64 : index
      %swap3A_120 = tpu.vector_load %arg6[%swap3A_118, %swap3A_119] {strides = array<i32>} : memref<40x128xi32, #tpu.memory_space<vmem>>, vector<1x16xi32>,
      %swap3A_121 = vector.shape_cast %swap3A_120 : vector<1x16xi32> to vector<16xi32>
      %swap3A_122 = vector.shape_cast %add3A_117 : vector<16xi32> to vector<1x16xi32>
      tpu.vector_store %arg6[%swap3A_118, %swap3A_119], %swap3A_122 {strides = array<i32>} : memref<40x128xi32, #tpu.memory_space<vmem>>, vector<1x16xi32>,
      %get3A_123 = arith.index_cast %scan3A_69 : i32 to index
      %get3A_124 = arith.constant 80 : index
      %get3A_125 = tpu.vector_load %arg6[%get3A_123, %get3A_124] {strides = array<i32>} : memref<40x128xi32, #tpu.memory_space<vmem>>, vector<1x16xi32>,
      %get3A_126 = vector.shape_cast %get3A_125 : vector<1x16xi32> to vector<16xi32>
      %add3A_127 = vector.broadcast %mul3A_6 : i32 to vector<16xi32>
      %add3A_128 = arith.addi %get3A_126, %add3A_127 : vector<16xi32>
      %swap3A_129 = arith.index_cast %scan3A_69 : i32 to index
      %swap3A_130 = arith.constant 80 : index
      %swap3A_131 = tpu.vector_load %arg6[%swap3A_129, %swap3A_130] {strides = array<i32>} : memref<40x128xi32, #tpu.memory_space<vmem>>, vector<1x16xi32>,
      %swap3A_132 = vector.shape_cast %swap3A_131 : vector<1x16xi32> to vector<16xi32>
      %swap3A_133 = vector.shape_cast %add3A_128 : vector<16xi32> to vector<1x16xi32>
      tpu.vector_store %arg6[%swap3A_129, %swap3A_130], %swap3A_133 {strides = array<i32>} : memref<40x128xi32, #tpu.memory_space<vmem>>, vector<1x16xi32>,
      %get3A_134 = arith.index_cast %scan3A_69 : i32 to index
      %get3A_135 = arith.constant 96 : index
      %get3A_136 = tpu.vector_load %arg6[%get3A_134, %get3A_135] {strides = array<i32>} : memref<40x128xi32, #tpu.memory_space<vmem>>, vector<1x16xi32>,
      %get3A_137 = vector.shape_cast %get3A_136 : vector<1x16xi32> to vector<16xi32>
      %add3A_138 = vector.broadcast %mul3A_6 : i32 to vector<16xi32>
      %add3A_139 = arith.addi %get3A_137, %add3A_138 : vector<16xi32>
      %swap3A_140 = arith.index_cast %scan3A_69 : i32 to index
      %swap3A_141 = arith.constant 96 : index
      %swap3A_142 = tpu.vector_load %arg6[%swap3A_140, %swap3A_141] {strides = array<i32>} : memref<40x128xi32, #tpu.memory_space<vmem>>, vector<1x16xi32>,
      %swap3A_143 = vector.shape_cast %swap3A_142 : vector<1x16xi32> to vector<16xi32>
      %swap3A_144 = vector.shape_cast %add3A_139 : vector<16xi32> to vector<1x16xi32>
      tpu.vector_store %arg6[%swap3A_140, %swap3A_141], %swap3A_144 {strides = array<i32>} : memref<40x128xi32, #tpu.memory_space<vmem>>, vector<1x16xi32>,
      %get3A_145 = arith.index_cast %scan3A_69 : i32 to index
      %get3A_146 = arith.constant 112 : index
      %get3A_147 = tpu.vector_load %arg6[%get3A_145, %get3A_146] {strides = array<i32>} : memref<40x128xi32, #tpu.memory_space<vmem>>, vector<1x16xi32>,
      %get3A_148 = vector.shape_cast %get3A_147 : vector<1x16xi32> to vector<16xi32>
      %add3A_149 = vector.broadcast %mul3A_6 : i32 to vector<16xi32>
      %add3A_150 = arith.addi %get3A_148, %add3A_149 : vector<16xi32>
      %swap3A_151 = arith.index_cast %scan3A_69 : i32 to index
      %swap3A_152 = arith.constant 112 : index
      %swap3A_153 = tpu.vector_load %arg6[%swap3A_151, %swap3A_152] {strides = array<i32>} : memref<40x128xi32, #tpu.memory_space<vmem>>, vector<1x16xi32>,
      %swap3A_154 = vector.shape_cast %swap3A_153 : vector<1x16xi32> to vector<16xi32>
      %swap3A_155 = vector.shape_cast %add3A_150 : vector<16xi32> to vector<1x16xi32>
      tpu.vector_store %arg6[%swap3A_151, %swap3A_152], %swap3A_155 {strides = array<i32>} : memref<40x128xi32, #tpu.memory_space<vmem>>, vector<1x16xi32>,
    }
    %scan3A_43 = arith.constant 40 : i32
    %dma_start3A_44 = arith.constant 0 : i32
    %dma_start3A_45 = arith.constant 0 : i32
    %dma_start3A_46 = tpu.memref_slice %arg6[%dma_start3A_44, %dma_start3A_45] : memref<40x128xi32, #tpu.memory_space<vmem>> -> memref<1x128xi32, #tpu.memory_space<vmem>>
    %dma_start3A_47 = tpu.memref_squeeze %dma_start3A_46 : memref<1x128xi32, #tpu.memory_space<vmem>> -> memref<128xi32, #tpu.memory_space<vmem>>
    %dma_start3A_48 = arith.constant 0 : i32
    %dma_start3A_49 = arith.constant 0 : i32
    %dma_start3A_50 = tpu.memref_slice %arg2[%dma_start3A_48, %dma_start3A_49] : memref<20224x128xf32, #tpu.memory_space<hbm>> -> memref<20224x128xf32, #tpu.memory_space<hbm>>
    tpu.enqueue_indirect_dma source(%dma_start3A_50 : memref<20224x128xf32, #tpu.memory_space<hbm>>) target(%arg8 : memref<128x128xf32, #tpu.memory_space<vmem>>) offsets(%dma_start3A_47 : memref<128xi32, #tpu.memory_space<vmem>>) semaphore(%arg11 : memref<!tpu.dma_semaphore, #tpu.memory_space<semaphore_mem>>)
    %scan3A_51 = arith.constant 0 : i32
    %scan3A_52 = arith.constant 0 : i32
    %scan3A_53 = arith.constant 20 : i32
    %scan3A_54 = arith.addi %scan3A_52, %scan3A_53 : i32
    %scan3A_55 = arith.constant 1 : i32
    scf.for %scan3A_69 = %scan3A_52 to %scan3A_54 step %scan3A_55  : i32 {
      %mul3A_70 = arith.constant 2 : i32
      %mul3A_71 = arith.muli %mul3A_70, %scan3A_69 : i32
      %gt3A = arith.constant 0 : i32
      %gt3A_72 = arith.cmpi sgt, %scan3A_69, %gt3A : i32
      %convert_element_type3A = arith.extui %gt3A_72 : i1 to i32
      %cond3A = arith.constant 0 : i32
      %cond3A_73 = arith.cmpi ne, %convert_element_type3A, %cond3A : i32
      scf.if %cond3A_73 {
        %dma_wait3A_123 = arith.constant 0 : i32
        %dma_wait3A_124 = arith.constant 0 : i32
        %dma_wait3A_125 = tpu.memref_slice %arg7[%dma_wait3A_123, %dma_wait3A_124] : memref<40x128xi32, #tpu.memory_space<vmem>> -> memref<1x128xi32, #tpu.memory_space<vmem>>
        %dma_wait3A_126 = tpu.memref_squeeze %dma_wait3A_125 : memref<1x128xi32, #tpu.memory_space<vmem>> -> memref<128xi32, #tpu.memory_space<vmem>>
        %dma_wait3A_127 = arith.constant 0 : i32
        %dma_wait3A_128 = arith.constant 0 : i32
        %dma_wait3A_129 = tpu.memref_slice %arg10[%dma_wait3A_127, %dma_wait3A_128] : memref<10112x128xf32, #tpu.memory_space<vmem_shared>> -> memref<10112x128xf32, #tpu.memory_space<vmem_shared>>
        tpu.wait_indirect_dma semaphore(%arg14 : memref<!tpu.dma_semaphore, #tpu.memory_space<semaphore_mem>>) src(%arg9 : memref<128x128xf32, #tpu.memory_space<vmem>>) dst(%dma_wait3A_129 : memref<10112x128xf32, #tpu.memory_space<vmem_shared>>)
      } else {
      }
      %add3A_74 = arith.constant 1 : i32
      %add3A_75 = arith.addi %mul3A_71, %add3A_74 : i32
      %dma_start3A_76 = arith.constant 0 : i32
      %dma_start3A_77 = tpu.memref_slice %arg6[%add3A_75, %dma_start3A_76] : memref<40x128xi32, #tpu.memory_space<vmem>> -> memref<1x128xi32, #tpu.memory_space<vmem>>
      %dma_start3A_78 = tpu.memref_squeeze %dma_start3A_77 : memref<1x128xi32, #tpu.memory_space<vmem>> -> memref<128xi32, #tpu.memory_space<vmem>>
      %dma_start3A_79 = arith.constant 0 : i32
      %dma_start3A_80 = arith.constant 0 : i32
      %dma_start3A_81 = tpu.memref_slice %arg2[%dma_start3A_79, %dma_start3A_80] : memref<20224x128xf32, #tpu.memory_space<hbm>> -> memref<20224x128xf32, #tpu.memory_space<hbm>>
      tpu.enqueue_indirect_dma source(%dma_start3A_81 : memref<20224x128xf32, #tpu.memory_space<hbm>>) target(%arg9 : memref<128x128xf32, #tpu.memory_space<vmem>>) offsets(%dma_start3A_78 : memref<128xi32, #tpu.memory_space<vmem>>) semaphore(%arg12 : memref<!tpu.dma_semaphore, #tpu.memory_space<semaphore_mem>>)
      %dma_wait3A_82 = arith.constant 0 : i32
      %dma_wait3A_83 = arith.constant 0 : i32
      %dma_wait3A_84 = tpu.memref_slice %arg6[%dma_wait3A_82, %dma_wait3A_83] : memref<40x128xi32, #tpu.memory_space<vmem>> -> memref<1x128xi32, #tpu.memory_space<vmem>>
      %dma_wait3A_85 = tpu.memref_squeeze %dma_wait3A_84 : memref<1x128xi32, #tpu.memory_space<vmem>> -> memref<128xi32, #tpu.memory_space<vmem>>
      %dma_wait3A_86 = arith.constant 0 : i32
      %dma_wait3A_87 = arith.constant 0 : i32
      %dma_wait3A_88 = tpu.memref_slice %arg2[%dma_wait3A_86, %dma_wait3A_87] : memref<20224x128xf32, #tpu.memory_space<hbm>> -> memref<20224x128xf32, #tpu.memory_space<hbm>>
      tpu.wait_indirect_dma semaphore(%arg11 : memref<!tpu.dma_semaphore, #tpu.memory_space<semaphore_mem>>) src(%dma_wait3A_88 : memref<20224x128xf32, #tpu.memory_space<hbm>>) dst(%arg8 : memref<128x128xf32, #tpu.memory_space<vmem>>)
      %dma_start3A_89 = arith.constant 0 : i32
      %dma_start3A_90 = tpu.memref_slice %arg7[%mul3A_71, %dma_start3A_89] : memref<40x128xi32, #tpu.memory_space<vmem>> -> memref<1x128xi32, #tpu.memory_space<vmem>>
      %dma_start3A_91 = tpu.memref_squeeze %dma_start3A_90 : memref<1x128xi32, #tpu.memory_space<vmem>> -> memref<128xi32, #tpu.memory_space<vmem>>
      %dma_start3A_92 = arith.constant 0 : i32
      %dma_start3A_93 = arith.constant 0 : i32
      %dma_start3A_94 = tpu.memref_slice %arg10[%dma_start3A_92, %dma_start3A_93] : memref<10112x128xf32, #tpu.memory_space<vmem_shared>> -> memref<10112x128xf32, #tpu.memory_space<vmem_shared>>
      tpu.enqueue_indirect_dma source(%arg8 : memref<128x128xf32, #tpu.memory_space<vmem>>) target(%dma_start3A_94 : memref<10112x128xf32, #tpu.memory_space<vmem_shared>>) offsets(%dma_start3A_91 : memref<128xi32, #tpu.memory_space<vmem>>) semaphore(%arg13 : memref<!tpu.dma_semaphore, #tpu.memory_space<semaphore_mem>>) {add = true}
      %dma_wait3A_95 = arith.constant 0 : i32
      %dma_wait3A_96 = arith.constant 0 : i32
      %dma_wait3A_97 = tpu.memref_slice %arg7[%dma_wait3A_95, %dma_wait3A_96] : memref<40x128xi32, #tpu.memory_space<vmem>> -> memref<1x128xi32, #tpu.memory_space<vmem>>
      %dma_wait3A_98 = tpu.memref_squeeze %dma_wait3A_97 : memref<1x128xi32, #tpu.memory_space<vmem>> -> memref<128xi32, #tpu.memory_space<vmem>>
      %dma_wait3A_99 = arith.constant 0 : i32
      %dma_wait3A_100 = arith.constant 0 : i32
      %dma_wait3A_101 = tpu.memref_slice %arg10[%dma_wait3A_99, %dma_wait3A_100] : memref<10112x128xf32, #tpu.memory_space<vmem_shared>> -> memref<10112x128xf32, #tpu.memory_space<vmem_shared>>
      tpu.wait_indirect_dma semaphore(%arg13 : memref<!tpu.dma_semaphore, #tpu.memory_space<semaphore_mem>>) src(%arg8 : memref<128x128xf32, #tpu.memory_space<vmem>>) dst(%dma_wait3A_101 : memref<10112x128xf32, #tpu.memory_space<vmem_shared>>)
      %add3A_102 = arith.constant 1 : i32
      %add3A_103 = arith.addi %scan3A_69, %add3A_102 : i32
      %lt3A = arith.constant 20 : i32
      %lt3A_104 = arith.cmpi slt, %add3A_103, %lt3A : i32
      %convert_element_type3A_105 = arith.extui %lt3A_104 : i1 to i32
      %cond3A_106 = arith.constant 0 : i32
      %cond3A_107 = arith.cmpi ne, %convert_element_type3A_105, %cond3A_106 : i32
      scf.if %cond3A_107 {
        %add3A_123 = arith.constant 2 : i32
        %add3A_124 = arith.addi %mul3A_71, %add3A_123 : i32
        %dma_start3A_125 = arith.constant 0 : i32
        %dma_start3A_126 = tpu.memref_slice %arg6[%add3A_124, %dma_start3A_125] : memref<40x128xi32, #tpu.memory_space<vmem>> -> memref<1x128xi32, #tpu.memory_space<vmem>>
        %dma_start3A_127 = tpu.memref_squeeze %dma_start3A_126 : memref<1x128xi32, #tpu.memory_space<vmem>> -> memref<128xi32, #tpu.memory_space<vmem>>
        %dma_start3A_128 = arith.constant 0 : i32
        %dma_start3A_129 = arith.constant 0 : i32
        %dma_start3A_130 = tpu.memref_slice %arg2[%dma_start3A_128, %dma_start3A_129] : memref<20224x128xf32, #tpu.memory_space<hbm>> -> memref<20224x128xf32, #tpu.memory_space<hbm>>
        tpu.enqueue_indirect_dma source(%dma_start3A_130 : memref<20224x128xf32, #tpu.memory_space<hbm>>) target(%arg8 : memref<128x128xf32, #tpu.memory_space<vmem>>) offsets(%dma_start3A_127 : memref<128xi32, #tpu.memory_space<vmem>>) semaphore(%arg11 : memref<!tpu.dma_semaphore, #tpu.memory_space<semaphore_mem>>)
      } else {
      }
      %dma_wait3A_108 = arith.constant 0 : i32
      %dma_wait3A_109 = arith.constant 0 : i32
      %dma_wait3A_110 = tpu.memref_slice %arg6[%dma_wait3A_108, %dma_wait3A_109] : memref<40x128xi32, #tpu.memory_space<vmem>> -> memref<1x128xi32, #tpu.memory_space<vmem>>
      %dma_wait3A_111 = tpu.memref_squeeze %dma_wait3A_110 : memref<1x128xi32, #tpu.memory_space<vmem>> -> memref<128xi32, #tpu.memory_space<vmem>>
      %dma_wait3A_112 = arith.constant 0 : i32
      %dma_wait3A_113 = arith.constant 0 : i32
      %dma_wait3A_114 = tpu.memref_slice %arg2[%dma_wait3A_112, %dma_wait3A_113] : memref<20224x128xf32, #tpu.memory_space<hbm>> -> memref<20224x128xf32, #tpu.memory_space<hbm>>
      tpu.wait_indirect_dma semaphore(%arg12 : memref<!tpu.dma_semaphore, #tpu.memory_space<semaphore_mem>>) src(%dma_wait3A_114 : memref<20224x128xf32, #tpu.memory_space<hbm>>) dst(%arg9 : memref<128x128xf32, #tpu.memory_space<vmem>>)
      %add3A_115 = arith.constant 1 : i32
      %add3A_116 = arith.addi %mul3A_71, %add3A_115 : i32
      %dma_start3A_117 = arith.constant 0 : i32
      %dma_start3A_118 = tpu.memref_slice %arg7[%add3A_116, %dma_start3A_117] : memref<40x128xi32, #tpu.memory_space<vmem>> -> memref<1x128xi32, #tpu.memory_space<vmem>>
      %dma_start3A_119 = tpu.memref_squeeze %dma_start3A_118 : memref<1x128xi32, #tpu.memory_space<vmem>> -> memref<128xi32, #tpu.memory_space<vmem>>
      %dma_start3A_120 = arith.constant 0 : i32
      %dma_start3A_121 = arith.constant 0 : i32
      %dma_start3A_122 = tpu.memref_slice %arg10[%dma_start3A_120, %dma_start3A_121] : memref<10112x128xf32, #tpu.memory_space<vmem_shared>> -> memref<10112x128xf32, #tpu.memory_space<vmem_shared>>
      tpu.enqueue_indirect_dma source(%arg9 : memref<128x128xf32, #tpu.memory_space<vmem>>) target(%dma_start3A_122 : memref<10112x128xf32, #tpu.memory_space<vmem_shared>>) offsets(%dma_start3A_119 : memref<128xi32, #tpu.memory_space<vmem>>) semaphore(%arg14 : memref<!tpu.dma_semaphore, #tpu.memory_space<semaphore_mem>>) {add = true}
    }
    %scan3A_56 = arith.constant 20 : i32
    %dma_wait3A_57 = arith.constant 0 : i32
    %dma_wait3A_58 = arith.constant 0 : i32
    %dma_wait3A_59 = tpu.memref_slice %arg7[%dma_wait3A_57, %dma_wait3A_58] : memref<40x128xi32, #tpu.memory_space<vmem>> -> memref<1x128xi32, #tpu.memory_space<vmem>>
    %dma_wait3A_60 = tpu.memref_squeeze %dma_wait3A_59 : memref<1x128xi32, #tpu.memory_space<vmem>> -> memref<128xi32, #tpu.memory_space<vmem>>
    %dma_wait3A_61 = arith.constant 0 : i32
    %dma_wait3A_62 = arith.constant 0 : i32
    %dma_wait3A_63 = tpu.memref_slice %arg10[%dma_wait3A_61, %dma_wait3A_62] : memref<10112x128xf32, #tpu.memory_space<vmem_shared>> -> memref<10112x128xf32, #tpu.memory_space<vmem_shared>>
    tpu.wait_indirect_dma semaphore(%arg14 : memref<!tpu.dma_semaphore, #tpu.memory_space<semaphore_mem>>) src(%arg9 : memref<128x128xf32, #tpu.memory_space<vmem>>) dst(%dma_wait3A_63 : memref<10112x128xf32, #tpu.memory_space<vmem_shared>>)
    %barrier3A_64 = arith.constant 0 : index
    tpu.barrier barrier_id(%barrier3A_64)
    %mul3A_65 = arith.constant 632 : i32
    %mul3A_66 = arith.muli %arg1, %mul3A_65 : i32
    %mul3A_67 = arith.constant 632 : i32
    %mul3A_68 = arith.muli %arg1, %mul3A_67 : i32
    "tpu.region"() ({
      %run_scoped3A = tpu.sem_alloc : memref<!tpu.dma_semaphore, #tpu.memory_space<semaphore_mem>>
      %dma_start3A_69 = arith.constant 0 : i32
      %dma_start3A_70 = tpu.memref_slice %arg5[%arg0, %mul3A_68, %dma_start3A_69] : memref<2x10112x128xf32, #tpu.memory_space<hbm>> -> memref<1x632x128xf32, #tpu.memory_space<hbm>>
      %dma_start3A_71 = tpu.memref_squeeze %dma_start3A_70 : memref<1x632x128xf32, #tpu.memory_space<hbm>> -> memref<632x128xf32, #tpu.memory_space<hbm>>
      %dma_start3A_72 = arith.constant 0 : i32
      %dma_start3A_73 = tpu.memref_slice %arg10[%mul3A_66, %dma_start3A_72] : memref<10112x128xf32, #tpu.memory_space<vmem_shared>> -> memref<632x128xf32, #tpu.memory_space<vmem_shared>>
      tpu.enqueue_dma source(%dma_start3A_73 : memref<632x128xf32, #tpu.memory_space<vmem_shared>>) target(%dma_start3A_71 : memref<632x128xf32, #tpu.memory_space<hbm>>) target_semaphore(%run_scoped3A : memref<!tpu.dma_semaphore, #tpu.memory_space<semaphore_mem>>)
      %dma_wait3A_74 = arith.constant 0 : i32
      %dma_wait3A_75 = tpu.memref_slice %arg5[%arg0, %mul3A_68, %dma_wait3A_74] : memref<2x10112x128xf32, #tpu.memory_space<hbm>> -> memref<1x632x128xf32, #tpu.memory_space<hbm>>
      %dma_wait3A_76 = tpu.memref_squeeze %dma_wait3A_75 : memref<1x632x128xf32, #tpu.memory_space<hbm>> -> memref<632x128xf32, #tpu.memory_space<hbm>>
      %dma_wait3A_77 = arith.constant 0 : i32
      %dma_wait3A_78 = tpu.memref_slice %arg10[%mul3A_66, %dma_wait3A_77] : memref<10112x128xf32, #tpu.memory_space<vmem_shared>> -> memref<632x128xf32, #tpu.memory_space<vmem_shared>>
      tpu.wait_dma2 semaphore(%run_scoped3A : memref<!tpu.dma_semaphore, #tpu.memory_space<semaphore_mem>>) src(%dma_wait3A_78 : memref<632x128xf32, #tpu.memory_space<vmem_shared>>) dst(%dma_wait3A_76 : memref<632x128xf32, #tpu.memory_space<hbm>>)
      tpu.yield
    }) : () -> ()
    return
  }
}

#map = affine_map<(d0, d1) -> (0, 0)>
#map1 = affine_map<(d0, d1) -> (0, 0, 0)>
module attributes {stable_mosaic.version = 14 : i64} {
  func.func @deg_kernel(%arg0: i32, %arg1: i32, %arg2: memref<1280x128xi32, #tpu.memory_space<hbm>>, %arg3: memref<10112x128xf32, #tpu.memory_space<hbm>>, %arg4: memref<128x128xf32, #tpu.memory_space<hbm>>, %arg5: memref<2x10112x128xf32, #tpu.memory_space<hbm>>, %arg6: memref<40x128xi32, #tpu.memory_space<vmem>>, %arg7: memref<128x128xf32, #tpu.memory_space<vmem>>, %arg8: memref<10112x128xf32, #tpu.memory_space<vmem_shared>>, %arg9: memref<!tpu.dma_semaphore, #tpu.memory_space<semaphore_mem>>) attributes {dimension_semantics = [#tpu.dimension_semantics<core_parallel>, #tpu.dimension_semantics<subcore_parallel>], iteration_bounds = array<i64: 2, 16>, scalar_prefetch = 0 : i64, scratch_operands = 4 : i64, tpu.core_type = #tpu.core_type<sc_vector_subcore>, window_params = [{transform_indices = #map}, {transform_indices = #map}, {transform_indices = #map}, {transform_indices = #map1}]} {
    %mul3A = arith.constant 632 : i32
    %mul3A_0 = arith.muli %arg1, %mul3A : i32
    %mul3A_1 = arith.constant 632 : i32
    %mul3A_2 = arith.muli %arg1, %mul3A_1 : i32
    "tpu.region"() ({
      %run_scoped3A = tpu.sem_alloc : memref<!tpu.dma_semaphore, #tpu.memory_space<semaphore_mem>>
      %dma_start3A = arith.constant 0 : i32
      %dma_start3A_23 = tpu.memref_slice %arg8[%mul3A_2, %dma_start3A] : memref<10112x128xf32, #tpu.memory_space<vmem_shared>> -> memref<632x128xf32, #tpu.memory_space<vmem_shared>>
      %dma_start3A_24 = arith.constant 0 : i32
      %dma_start3A_25 = tpu.memref_slice %arg3[%mul3A_0, %dma_start3A_24] : memref<10112x128xf32, #tpu.memory_space<hbm>> -> memref<632x128xf32, #tpu.memory_space<hbm>>
      tpu.enqueue_dma source(%dma_start3A_25 : memref<632x128xf32, #tpu.memory_space<hbm>>) target(%dma_start3A_23 : memref<632x128xf32, #tpu.memory_space<vmem_shared>>) target_semaphore(%run_scoped3A : memref<!tpu.dma_semaphore, #tpu.memory_space<semaphore_mem>>)
      %dma_wait3A_26 = arith.constant 0 : i32
      %dma_wait3A_27 = tpu.memref_slice %arg8[%mul3A_2, %dma_wait3A_26] : memref<10112x128xf32, #tpu.memory_space<vmem_shared>> -> memref<632x128xf32, #tpu.memory_space<vmem_shared>>
      %dma_wait3A_28 = arith.constant 0 : i32
      %dma_wait3A_29 = tpu.memref_slice %arg3[%mul3A_0, %dma_wait3A_28] : memref<10112x128xf32, #tpu.memory_space<hbm>> -> memref<632x128xf32, #tpu.memory_space<hbm>>
      tpu.wait_dma2 semaphore(%run_scoped3A : memref<!tpu.dma_semaphore, #tpu.memory_space<semaphore_mem>>) src(%dma_wait3A_29 : memref<632x128xf32, #tpu.memory_space<hbm>>) dst(%dma_wait3A_27 : memref<632x128xf32, #tpu.memory_space<vmem_shared>>)
      tpu.yield
    }) : () -> ()
    "tpu.region"() ({
      %run_scoped3A = tpu.sem_alloc : memref<!tpu.dma_semaphore, #tpu.memory_space<semaphore_mem>>
      tpu.enqueue_dma source(%arg4 : memref<128x128xf32, #tpu.memory_space<hbm>>) target(%arg7 : memref<128x128xf32, #tpu.memory_space<vmem>>) target_semaphore(%run_scoped3A : memref<!tpu.dma_semaphore, #tpu.memory_space<semaphore_mem>>)
      tpu.wait_dma2 semaphore(%run_scoped3A : memref<!tpu.dma_semaphore, #tpu.memory_space<semaphore_mem>>) src(%arg4 : memref<128x128xf32, #tpu.memory_space<hbm>>) dst(%arg7 : memref<128x128xf32, #tpu.memory_space<vmem>>)
      tpu.yield
    }) : () -> ()
    %mul3A_3 = arith.constant 640 : i32
    %mul3A_4 = arith.muli %arg0, %mul3A_3 : i32
    %mul3A_5 = arith.constant 40 : i32
    %mul3A_6 = arith.muli %arg1, %mul3A_5 : i32
    %add3A = arith.addi %mul3A_4, %mul3A_6 : i32
    "tpu.region"() ({
      %run_scoped3A = tpu.sem_alloc : memref<!tpu.dma_semaphore, #tpu.memory_space<semaphore_mem>>
      %dma_start3A = arith.constant 0 : i32
      %dma_start3A_23 = tpu.memref_slice %arg2[%add3A, %dma_start3A] : memref<1280x128xi32, #tpu.memory_space<hbm>> -> memref<40x128xi32, #tpu.memory_space<hbm>>
      %dma_start3A_24 = arith.constant 0 : i32
      %dma_start3A_25 = tpu.memref_slice %arg2[%add3A, %dma_start3A_24] : memref<1280x128xi32, #tpu.memory_space<hbm>> -> memref<40x128xi32, #tpu.memory_space<hbm>>
      tpu.enqueue_dma source(%dma_start3A_25 : memref<40x128xi32, #tpu.memory_space<hbm>>) target(%arg6 : memref<40x128xi32, #tpu.memory_space<vmem>>) target_semaphore(%run_scoped3A : memref<!tpu.dma_semaphore, #tpu.memory_space<semaphore_mem>>)
      %dma_wait3A_26 = arith.constant 0 : i32
      %dma_wait3A_27 = tpu.memref_slice %arg2[%add3A, %dma_wait3A_26] : memref<1280x128xi32, #tpu.memory_space<hbm>> -> memref<40x128xi32, #tpu.memory_space<hbm>>
      %dma_wait3A_28 = arith.constant 0 : i32
      %dma_wait3A_29 = tpu.memref_slice %arg2[%add3A, %dma_wait3A_28] : memref<1280x128xi32, #tpu.memory_space<hbm>> -> memref<40x128xi32, #tpu.memory_space<hbm>>
      tpu.wait_dma2 semaphore(%run_scoped3A : memref<!tpu.dma_semaphore, #tpu.memory_space<semaphore_mem>>) src(%dma_wait3A_29 : memref<40x128xi32, #tpu.memory_space<hbm>>) dst(%arg6 : memref<40x128xi32, #tpu.memory_space<vmem>>)
      tpu.yield
    }) : () -> ()
    %barrier3A = arith.constant 0 : index
    tpu.barrier barrier_id(%barrier3A)
    %scan3A = arith.constant 0 : i32
    %scan3A_7 = arith.constant 0 : i32
    %scan3A_8 = arith.constant 40 : i32
    %scan3A_9 = arith.addi %scan3A_7, %scan3A_8 : i32
    %scan3A_10 = arith.constant 1 : i32
    scf.for %scan3A_23 = %scan3A_7 to %scan3A_9 step %scan3A_10  : i32 {
      %dma_start3A = arith.constant 0 : i32
      %dma_start3A_24 = tpu.memref_slice %arg6[%scan3A_23, %dma_start3A] : memref<40x128xi32, #tpu.memory_space<vmem>> -> memref<1x128xi32, #tpu.memory_space<vmem>>
      %dma_start3A_25 = tpu.memref_squeeze %dma_start3A_24 : memref<1x128xi32, #tpu.memory_space<vmem>> -> memref<128xi32, #tpu.memory_space<vmem>>
      %dma_start3A_26 = arith.constant 0 : i32
      %dma_start3A_27 = arith.constant 0 : i32
      %dma_start3A_28 = tpu.memref_slice %arg8[%dma_start3A_26, %dma_start3A_27] : memref<10112x128xf32, #tpu.memory_space<vmem_shared>> -> memref<10112x128xf32, #tpu.memory_space<vmem_shared>>
      tpu.enqueue_indirect_dma source(%arg7 : memref<128x128xf32, #tpu.memory_space<vmem>>) target(%dma_start3A_28 : memref<10112x128xf32, #tpu.memory_space<vmem_shared>>) offsets(%dma_start3A_25 : memref<128xi32, #tpu.memory_space<vmem>>) semaphore(%arg9 : memref<!tpu.dma_semaphore, #tpu.memory_space<semaphore_mem>>) {add = true}
      %gt3A = arith.constant 0 : i32
      %gt3A_29 = arith.cmpi sgt, %scan3A_23, %gt3A : i32
      %convert_element_type3A = arith.extui %gt3A_29 : i1 to i32
      %cond3A = arith.constant 0 : i32
      %cond3A_30 = arith.cmpi ne, %convert_element_type3A, %cond3A : i32
      scf.if %cond3A_30 {
        %dma_wait3A_31 = arith.constant 0 : i32
        %dma_wait3A_32 = arith.constant 0 : i32
        %dma_wait3A_33 = tpu.memref_slice %arg6[%dma_wait3A_31, %dma_wait3A_32] : memref<40x128xi32, #tpu.memory_space<vmem>> -> memref<1x128xi32, #tpu.memory_space<vmem>>
        %dma_wait3A_34 = tpu.memref_squeeze %dma_wait3A_33 : memref<1x128xi32, #tpu.memory_space<vmem>> -> memref<128xi32, #tpu.memory_space<vmem>>
        %dma_wait3A_35 = arith.constant 0 : i32
        %dma_wait3A_36 = arith.constant 0 : i32
        %dma_wait3A_37 = tpu.memref_slice %arg8[%dma_wait3A_35, %dma_wait3A_36] : memref<10112x128xf32, #tpu.memory_space<vmem_shared>> -> memref<10112x128xf32, #tpu.memory_space<vmem_shared>>
        tpu.wait_indirect_dma semaphore(%arg9 : memref<!tpu.dma_semaphore, #tpu.memory_space<semaphore_mem>>) src(%arg7 : memref<128x128xf32, #tpu.memory_space<vmem>>) dst(%dma_wait3A_37 : memref<10112x128xf32, #tpu.memory_space<vmem_shared>>)
      } else {
      }
    }
    %scan3A_11 = arith.constant 40 : i32
    %dma_wait3A = arith.constant 0 : i32
    %dma_wait3A_12 = arith.constant 0 : i32
    %dma_wait3A_13 = tpu.memref_slice %arg6[%dma_wait3A, %dma_wait3A_12] : memref<40x128xi32, #tpu.memory_space<vmem>> -> memref<1x128xi32, #tpu.memory_space<vmem>>
    %dma_wait3A_14 = tpu.memref_squeeze %dma_wait3A_13 : memref<1x128xi32, #tpu.memory_space<vmem>> -> memref<128xi32, #tpu.memory_space<vmem>>
    %dma_wait3A_15 = arith.constant 0 : i32
    %dma_wait3A_16 = arith.constant 0 : i32
    %dma_wait3A_17 = tpu.memref_slice %arg8[%dma_wait3A_15, %dma_wait3A_16] : memref<10112x128xf32, #tpu.memory_space<vmem_shared>> -> memref<10112x128xf32, #tpu.memory_space<vmem_shared>>
    tpu.wait_indirect_dma semaphore(%arg9 : memref<!tpu.dma_semaphore, #tpu.memory_space<semaphore_mem>>) src(%arg7 : memref<128x128xf32, #tpu.memory_space<vmem>>) dst(%dma_wait3A_17 : memref<10112x128xf32, #tpu.memory_space<vmem_shared>>)
    %barrier3A_18 = arith.constant 0 : index
    tpu.barrier barrier_id(%barrier3A_18)
    %mul3A_19 = arith.constant 632 : i32
    %mul3A_20 = arith.muli %arg1, %mul3A_19 : i32
    %mul3A_21 = arith.constant 632 : i32
    %mul3A_22 = arith.muli %arg1, %mul3A_21 : i32
    "tpu.region"() ({
      %run_scoped3A = tpu.sem_alloc : memref<!tpu.dma_semaphore, #tpu.memory_space<semaphore_mem>>
      %dma_start3A = arith.constant 0 : i32
      %dma_start3A_23 = tpu.memref_slice %arg5[%arg0, %mul3A_22, %dma_start3A] : memref<2x10112x128xf32, #tpu.memory_space<hbm>> -> memref<1x632x128xf32, #tpu.memory_space<hbm>>
      %dma_start3A_24 = tpu.memref_squeeze %dma_start3A_23 : memref<1x632x128xf32, #tpu.memory_space<hbm>> -> memref<632x128xf32, #tpu.memory_space<hbm>>
      %dma_start3A_25 = arith.constant 0 : i32
      %dma_start3A_26 = tpu.memref_slice %arg8[%mul3A_20, %dma_start3A_25] : memref<10112x128xf32, #tpu.memory_space<vmem_shared>> -> memref<632x128xf32, #tpu.memory_space<vmem_shared>>
      tpu.enqueue_dma source(%dma_start3A_26 : memref<632x128xf32, #tpu.memory_space<vmem_shared>>) target(%dma_start3A_24 : memref<632x128xf32, #tpu.memory_space<hbm>>) target_semaphore(%run_scoped3A : memref<!tpu.dma_semaphore, #tpu.memory_space<semaphore_mem>>)
      %dma_wait3A_27 = arith.constant 0 : i32
      %dma_wait3A_28 = tpu.memref_slice %arg5[%arg0, %mul3A_22, %dma_wait3A_27] : memref<2x10112x128xf32, #tpu.memory_space<hbm>> -> memref<1x632x128xf32, #tpu.memory_space<hbm>>
      %dma_wait3A_29 = tpu.memref_squeeze %dma_wait3A_28 : memref<1x632x128xf32, #tpu.memory_space<hbm>> -> memref<632x128xf32, #tpu.memory_space<hbm>>
      %dma_wait3A_30 = arith.constant 0 : i32
      %dma_wait3A_31 = tpu.memref_slice %arg8[%mul3A_20, %dma_wait3A_30] : memref<10112x128xf32, #tpu.memory_space<vmem_shared>> -> memref<632x128xf32, #tpu.memory_space<vmem_shared>>
      tpu.wait_dma2 semaphore(%run_scoped3A : memref<!tpu.dma_semaphore, #tpu.memory_space<semaphore_mem>>) src(%dma_wait3A_31 : memref<632x128xf32, #tpu.memory_space<vmem_shared>>) dst(%dma_wait3A_29 : memref<632x128xf32, #tpu.memory_space<hbm>>)
      tpu.yield
    }) : () -> ()
    return
  }
}

module attributes {stable_mosaic.version = 14 : i64} {
  func.func @_embed_body(%arg0: i32, %arg1: memref<256x8x512xf32, #tpu.memory_space<vmem>>, %arg2: memref<512x512xf32, #tpu.memory_space<vmem>>, %arg3: memref<1x512xf32, #tpu.memory_space<vmem>>, %arg4: memref<512x256xf32, #tpu.memory_space<vmem>>, %arg5: memref<1x256xf32, #tpu.memory_space<vmem>>, %arg6: memref<256x256xf32, #tpu.memory_space<vmem>>, %arg7: memref<1x256xf32, #tpu.memory_space<vmem>>, %arg8: memref<256x256xf32, #tpu.memory_space<vmem>>) attributes {dimension_semantics = [#tpu.dimension_semantics<arbitrary>], iteration_bounds = array<i64: 40>, scalar_prefetch = 0 : i64, scratch_operands = 0 : i64, tpu.core_type = #tpu.core_type<tc>, window_params = [{transform_indices = @transform_0, window_bounds = array<i64: 256, 8, 512>}, {pipeline_mode = #tpu.pipeline_mode<synchronous>, transform_indices = @transform_1, window_bounds = array<i64: 512, 512>}, {pipeline_mode = #tpu.pipeline_mode<synchronous>, transform_indices = @transform_2, window_bounds = array<i64: 1, 512>}, {pipeline_mode = #tpu.pipeline_mode<synchronous>, transform_indices = @transform_3, window_bounds = array<i64: 512, 256>}, {pipeline_mode = #tpu.pipeline_mode<synchronous>, transform_indices = @transform_4, window_bounds = array<i64: 1, 256>}, {pipeline_mode = #tpu.pipeline_mode<synchronous>, transform_indices = @transform_5, window_bounds = array<i64: 256, 256>}, {pipeline_mode = #tpu.pipeline_mode<synchronous>, transform_indices = @transform_6, window_bounds = array<i64: 1, 256>}, {transform_indices = @transform_7, window_bounds = array<i64: 256, 256>}]} {
    %get3A = arith.constant 0 : index
    %get3A_0 = arith.constant 0 : index
    %get3A_1 = arith.constant 0 : index
    %get3A_2 = vector.load %arg1[%get3A, %get3A_0, %get3A_1] : memref<256x8x512xf32, #tpu.memory_space<vmem>>, vector<256x1x512xf32>
    %get3A_3 = vector.shape_cast %get3A_2 : vector<256x1x512xf32> to vector<256x512xf32>
    %get3A_4 = arith.constant 0 : index
    %get3A_5 = arith.constant 0 : index
    %get3A_6 = vector.load %arg2[%get3A_4, %get3A_5] : memref<512x512xf32, #tpu.memory_space<vmem>>, vector<512x512xf32>
    %dot_general3A = arith.constant dense<0.000000e+00> : vector<256x512xf32>
    %dot_general3A_7 = tpu.matmul %get3A_3, %get3A_6, %dot_general3A {dimension_numbers = #tpu.dot_dimension_numbers<[1], [0], [0], [1], [0, 0, 1, 1], [], []>, transpose_lhs_hint = false} : vector<256x512xf32>, vector<512x512xf32>, vector<256x512xf32> -> vector<256x512xf32>
    %get3A_8 = arith.constant 0 : index
    %get3A_9 = arith.constant 0 : index
    %get3A_10 = vector.load %arg3[%get3A_8, %get3A_9] : memref<1x512xf32, #tpu.memory_space<vmem>>, vector<1x512xf32>
    %add3A = vector.broadcast %get3A_10 : vector<1x512xf32> to vector<256x512xf32>
    %add3A_11 = arith.addf %dot_general3A_7, %add3A : vector<256x512xf32>
    %max3A = arith.constant 0.000000e+00 : f32
    %max3A_12 = vector.broadcast %max3A : f32 to vector<256x512xf32>
    %max3A_13 = arith.maximumf %add3A_11, %max3A_12 : vector<256x512xf32>
    %get3A_14 = arith.constant 0 : index
    %get3A_15 = arith.constant 1 : index
    %get3A_16 = arith.constant 0 : index
    %get3A_17 = vector.load %arg1[%get3A_14, %get3A_15, %get3A_16] : memref<256x8x512xf32, #tpu.memory_space<vmem>>, vector<256x1x512xf32>
    %get3A_18 = vector.shape_cast %get3A_17 : vector<256x1x512xf32> to vector<256x512xf32>
    %get3A_19 = arith.constant 0 : index
    %get3A_20 = arith.constant 0 : index
    %get3A_21 = vector.load %arg2[%get3A_19, %get3A_20] : memref<512x512xf32, #tpu.memory_space<vmem>>, vector<512x512xf32>
    %dot_general3A_22 = arith.constant dense<0.000000e+00> : vector<256x512xf32>
    %dot_general3A_23 = tpu.matmul %get3A_18, %get3A_21, %dot_general3A_22 {dimension_numbers = #tpu.dot_dimension_numbers<[1], [0], [0], [1], [0, 0, 1, 1], [], []>, transpose_lhs_hint = false} : vector<256x512xf32>, vector<512x512xf32>, vector<256x512xf32> -> vector<256x512xf32>
    %get3A_24 = arith.constant 0 : index
    %get3A_25 = arith.constant 0 : index
    %get3A_26 = vector.load %arg3[%get3A_24, %get3A_25] : memref<1x512xf32, #tpu.memory_space<vmem>>, vector<1x512xf32>
    %add3A_27 = vector.broadcast %get3A_26 : vector<1x512xf32> to vector<256x512xf32>
    %add3A_28 = arith.addf %dot_general3A_23, %add3A_27 : vector<256x512xf32>
    %max3A_29 = arith.constant 0.000000e+00 : f32
    %max3A_30 = vector.broadcast %max3A_29 : f32 to vector<256x512xf32>
    %max3A_31 = arith.maximumf %add3A_28, %max3A_30 : vector<256x512xf32>
    %add3A_32 = arith.addf %max3A_13, %max3A_31 : vector<256x512xf32>
    %get3A_33 = arith.constant 0 : index
    %get3A_34 = arith.constant 2 : index
    %get3A_35 = arith.constant 0 : index
    %get3A_36 = vector.load %arg1[%get3A_33, %get3A_34, %get3A_35] : memref<256x8x512xf32, #tpu.memory_space<vmem>>, vector<256x1x512xf32>
    %get3A_37 = vector.shape_cast %get3A_36 : vector<256x1x512xf32> to vector<256x512xf32>
    %get3A_38 = arith.constant 0 : index
    %get3A_39 = arith.constant 0 : index
    %get3A_40 = vector.load %arg2[%get3A_38, %get3A_39] : memref<512x512xf32, #tpu.memory_space<vmem>>, vector<512x512xf32>
    %dot_general3A_41 = arith.constant dense<0.000000e+00> : vector<256x512xf32>
    %dot_general3A_42 = tpu.matmul %get3A_37, %get3A_40, %dot_general3A_41 {dimension_numbers = #tpu.dot_dimension_numbers<[1], [0], [0], [1], [0, 0, 1, 1], [], []>, transpose_lhs_hint = false} : vector<256x512xf32>, vector<512x512xf32>, vector<256x512xf32> -> vector<256x512xf32>
    %get3A_43 = arith.constant 0 : index
    %get3A_44 = arith.constant 0 : index
    %get3A_45 = vector.load %arg3[%get3A_43, %get3A_44] : memref<1x512xf32, #tpu.memory_space<vmem>>, vector<1x512xf32>
    %add3A_46 = vector.broadcast %get3A_45 : vector<1x512xf32> to vector<256x512xf32>
    %add3A_47 = arith.addf %dot_general3A_42, %add3A_46 : vector<256x512xf32>
    %max3A_48 = arith.constant 0.000000e+00 : f32
    %max3A_49 = vector.broadcast %max3A_48 : f32 to vector<256x512xf32>
    %max3A_50 = arith.maximumf %add3A_47, %max3A_49 : vector<256x512xf32>
    %add3A_51 = arith.addf %add3A_32, %max3A_50 : vector<256x512xf32>
    %get3A_52 = arith.constant 0 : index
    %get3A_53 = arith.constant 3 : index
    %get3A_54 = arith.constant 0 : index
    %get3A_55 = vector.load %arg1[%get3A_52, %get3A_53, %get3A_54] : memref<256x8x512xf32, #tpu.memory_space<vmem>>, vector<256x1x512xf32>
    %get3A_56 = vector.shape_cast %get3A_55 : vector<256x1x512xf32> to vector<256x512xf32>
    %get3A_57 = arith.constant 0 : index
    %get3A_58 = arith.constant 0 : index
    %get3A_59 = vector.load %arg2[%get3A_57, %get3A_58] : memref<512x512xf32, #tpu.memory_space<vmem>>, vector<512x512xf32>
    %dot_general3A_60 = arith.constant dense<0.000000e+00> : vector<256x512xf32>
    %dot_general3A_61 = tpu.matmul %get3A_56, %get3A_59, %dot_general3A_60 {dimension_numbers = #tpu.dot_dimension_numbers<[1], [0], [0], [1], [0, 0, 1, 1], [], []>, transpose_lhs_hint = false} : vector<256x512xf32>, vector<512x512xf32>, vector<256x512xf32> -> vector<256x512xf32>
    %get3A_62 = arith.constant 0 : index
    %get3A_63 = arith.constant 0 : index
    %get3A_64 = vector.load %arg3[%get3A_62, %get3A_63] : memref<1x512xf32, #tpu.memory_space<vmem>>, vector<1x512xf32>
    %add3A_65 = vector.broadcast %get3A_64 : vector<1x512xf32> to vector<256x512xf32>
    %add3A_66 = arith.addf %dot_general3A_61, %add3A_65 : vector<256x512xf32>
    %max3A_67 = arith.constant 0.000000e+00 : f32
    %max3A_68 = vector.broadcast %max3A_67 : f32 to vector<256x512xf32>
    %max3A_69 = arith.maximumf %add3A_66, %max3A_68 : vector<256x512xf32>
    %add3A_70 = arith.addf %add3A_51, %max3A_69 : vector<256x512xf32>
    %get3A_71 = arith.constant 0 : index
    %get3A_72 = arith.constant 4 : index
    %get3A_73 = arith.constant 0 : index
    %get3A_74 = vector.load %arg1[%get3A_71, %get3A_72, %get3A_73] : memref<256x8x512xf32, #tpu.memory_space<vmem>>, vector<256x1x512xf32>
    %get3A_75 = vector.shape_cast %get3A_74 : vector<256x1x512xf32> to vector<256x512xf32>
    %get3A_76 = arith.constant 0 : index
    %get3A_77 = arith.constant 0 : index
    %get3A_78 = vector.load %arg2[%get3A_76, %get3A_77] : memref<512x512xf32, #tpu.memory_space<vmem>>, vector<512x512xf32>
    %dot_general3A_79 = arith.constant dense<0.000000e+00> : vector<256x512xf32>
    %dot_general3A_80 = tpu.matmul %get3A_75, %get3A_78, %dot_general3A_79 {dimension_numbers = #tpu.dot_dimension_numbers<[1], [0], [0], [1], [0, 0, 1, 1], [], []>, transpose_lhs_hint = false} : vector<256x512xf32>, vector<512x512xf32>, vector<256x512xf32> -> vector<256x512xf32>
    %get3A_81 = arith.constant 0 : index
    %get3A_82 = arith.constant 0 : index
    %get3A_83 = vector.load %arg3[%get3A_81, %get3A_82] : memref<1x512xf32, #tpu.memory_space<vmem>>, vector<1x512xf32>
    %add3A_84 = vector.broadcast %get3A_83 : vector<1x512xf32> to vector<256x512xf32>
    %add3A_85 = arith.addf %dot_general3A_80, %add3A_84 : vector<256x512xf32>
    %max3A_86 = arith.constant 0.000000e+00 : f32
    %max3A_87 = vector.broadcast %max3A_86 : f32 to vector<256x512xf32>
    %max3A_88 = arith.maximumf %add3A_85, %max3A_87 : vector<256x512xf32>
    %add3A_89 = arith.addf %add3A_70, %max3A_88 : vector<256x512xf32>
    %get3A_90 = arith.constant 0 : index
    %get3A_91 = arith.constant 5 : index
    %get3A_92 = arith.constant 0 : index
    %get3A_93 = vector.load %arg1[%get3A_90, %get3A_91, %get3A_92] : memref<256x8x512xf32, #tpu.memory_space<vmem>>, vector<256x1x512xf32>
    %get3A_94 = vector.shape_cast %get3A_93 : vector<256x1x512xf32> to vector<256x512xf32>
    %get3A_95 = arith.constant 0 : index
    %get3A_96 = arith.constant 0 : index
    %get3A_97 = vector.load %arg2[%get3A_95, %get3A_96] : memref<512x512xf32, #tpu.memory_space<vmem>>, vector<512x512xf32>
    %dot_general3A_98 = arith.constant dense<0.000000e+00> : vector<256x512xf32>
    %dot_general3A_99 = tpu.matmul %get3A_94, %get3A_97, %dot_general3A_98 {dimension_numbers = #tpu.dot_dimension_numbers<[1], [0], [0], [1], [0, 0, 1, 1], [], []>, transpose_lhs_hint = false} : vector<256x512xf32>, vector<512x512xf32>, vector<256x512xf32> -> vector<256x512xf32>
    %get3A_100 = arith.constant 0 : index
    %get3A_101 = arith.constant 0 : index
    %get3A_102 = vector.load %arg3[%get3A_100, %get3A_101] : memref<1x512xf32, #tpu.memory_space<vmem>>, vector<1x512xf32>
    %add3A_103 = vector.broadcast %get3A_102 : vector<1x512xf32> to vector<256x512xf32>
    %add3A_104 = arith.addf %dot_general3A_99, %add3A_103 : vector<256x512xf32>
    %max3A_105 = arith.constant 0.000000e+00 : f32
    %max3A_106 = vector.broadcast %max3A_105 : f32 to vector<256x512xf32>
    %max3A_107 = arith.maximumf %add3A_104, %max3A_106 : vector<256x512xf32>
    %add3A_108 = arith.addf %add3A_89, %max3A_107 : vector<256x512xf32>
    %get3A_109 = arith.constant 0 : index
    %get3A_110 = arith.constant 6 : index
    %get3A_111 = arith.constant 0 : index
    %get3A_112 = vector.load %arg1[%get3A_109, %get3A_110, %get3A_111] : memref<256x8x512xf32, #tpu.memory_space<vmem>>, vector<256x1x512xf32>
    %get3A_113 = vector.shape_cast %get3A_112 : vector<256x1x512xf32> to vector<256x512xf32>
    %get3A_114 = arith.constant 0 : index
    %get3A_115 = arith.constant 0 : index
    %get3A_116 = vector.load %arg2[%get3A_114, %get3A_115] : memref<512x512xf32, #tpu.memory_space<vmem>>, vector<512x512xf32>
    %dot_general3A_117 = arith.constant dense<0.000000e+00> : vector<256x512xf32>
    %dot_general3A_118 = tpu.matmul %get3A_113, %get3A_116, %dot_general3A_117 {dimension_numbers = #tpu.dot_dimension_numbers<[1], [0], [0], [1], [0, 0, 1, 1], [], []>, transpose_lhs_hint = false} : vector<256x512xf32>, vector<512x512xf32>, vector<256x512xf32> -> vector<256x512xf32>
    %get3A_119 = arith.constant 0 : index
    %get3A_120 = arith.constant 0 : index
    %get3A_121 = vector.load %arg3[%get3A_119, %get3A_120] : memref<1x512xf32, #tpu.memory_space<vmem>>, vector<1x512xf32>
    %add3A_122 = vector.broadcast %get3A_121 : vector<1x512xf32> to vector<256x512xf32>
    %add3A_123 = arith.addf %dot_general3A_118, %add3A_122 : vector<256x512xf32>
    %max3A_124 = arith.constant 0.000000e+00 : f32
    %max3A_125 = vector.broadcast %max3A_124 : f32 to vector<256x512xf32>
    %max3A_126 = arith.maximumf %add3A_123, %max3A_125 : vector<256x512xf32>
    %add3A_127 = arith.addf %add3A_108, %max3A_126 : vector<256x512xf32>
    %get3A_128 = arith.constant 0 : index
    %get3A_129 = arith.constant 7 : index
    %get3A_130 = arith.constant 0 : index
    %get3A_131 = vector.load %arg1[%get3A_128, %get3A_129, %get3A_130] : memref<256x8x512xf32, #tpu.memory_space<vmem>>, vector<256x1x512xf32>
    %get3A_132 = vector.shape_cast %get3A_131 : vector<256x1x512xf32> to vector<256x512xf32>
    %get3A_133 = arith.constant 0 : index
    %get3A_134 = arith.constant 0 : index
    %get3A_135 = vector.load %arg2[%get3A_133, %get3A_134] : memref<512x512xf32, #tpu.memory_space<vmem>>, vector<512x512xf32>
    %dot_general3A_136 = arith.constant dense<0.000000e+00> : vector<256x512xf32>
    %dot_general3A_137 = tpu.matmul %get3A_132, %get3A_135, %dot_general3A_136 {dimension_numbers = #tpu.dot_dimension_numbers<[1], [0], [0], [1], [0, 0, 1, 1], [], []>, transpose_lhs_hint = false} : vector<256x512xf32>, vector<512x512xf32>, vector<256x512xf32> -> vector<256x512xf32>
    %get3A_138 = arith.constant 0 : index
    %get3A_139 = arith.constant 0 : index
    %get3A_140 = vector.load %arg3[%get3A_138, %get3A_139] : memref<1x512xf32, #tpu.memory_space<vmem>>, vector<1x512xf32>
    %add3A_141 = vector.broadcast %get3A_140 : vector<1x512xf32> to vector<256x512xf32>
    %add3A_142 = arith.addf %dot_general3A_137, %add3A_141 : vector<256x512xf32>
    %max3A_143 = arith.constant 0.000000e+00 : f32
    %max3A_144 = vector.broadcast %max3A_143 : f32 to vector<256x512xf32>
    %max3A_145 = arith.maximumf %add3A_142, %max3A_144 : vector<256x512xf32>
    %add3A_146 = arith.addf %add3A_127, %max3A_145 : vector<256x512xf32>
    %get3A_147 = arith.constant 0 : index
    %get3A_148 = arith.constant 0 : index
    %get3A_149 = vector.load %arg4[%get3A_147, %get3A_148] : memref<512x256xf32, #tpu.memory_space<vmem>>, vector<512x256xf32>
    %dot_general3A_150 = arith.constant dense<0.000000e+00> : vector<256x256xf32>
    %dot_general3A_151 = tpu.matmul %add3A_146, %get3A_149, %dot_general3A_150 {dimension_numbers = #tpu.dot_dimension_numbers<[1], [0], [0], [1], [0, 0, 1, 1], [], []>, transpose_lhs_hint = false} : vector<256x512xf32>, vector<512x256xf32>, vector<256x256xf32> -> vector<256x256xf32>
    %get3A_152 = arith.constant 0 : index
    %get3A_153 = arith.constant 0 : index
    %get3A_154 = vector.load %arg5[%get3A_152, %get3A_153] : memref<1x256xf32, #tpu.memory_space<vmem>>, vector<1x256xf32>
    %mul3A = arith.constant 8.000000e+00 : f32
    %mul3A_155 = vector.broadcast %mul3A : f32 to vector<1x256xf32>
    %mul3A_156 = arith.mulf %mul3A_155, %get3A_154 : vector<1x256xf32>
    %add3A_157 = vector.broadcast %mul3A_156 : vector<1x256xf32> to vector<256x256xf32>
    %add3A_158 = arith.addf %dot_general3A_151, %add3A_157 : vector<256x256xf32>
    %get3A_159 = arith.constant 0 : index
    %get3A_160 = arith.constant 0 : index
    %get3A_161 = vector.load %arg6[%get3A_159, %get3A_160] : memref<256x256xf32, #tpu.memory_space<vmem>>, vector<256x256xf32>
    %dot_general3A_162 = arith.constant dense<0.000000e+00> : vector<256x256xf32>
    %dot_general3A_163 = tpu.matmul %add3A_158, %get3A_161, %dot_general3A_162 {dimension_numbers = #tpu.dot_dimension_numbers<[1], [0], [0], [1], [0, 0, 1, 1], [], []>, transpose_lhs_hint = false} : vector<256x256xf32>, vector<256x256xf32>, vector<256x256xf32> -> vector<256x256xf32>
    %get3A_164 = arith.constant 0 : index
    %get3A_165 = arith.constant 0 : index
    %get3A_166 = vector.load %arg7[%get3A_164, %get3A_165] : memref<1x256xf32, #tpu.memory_space<vmem>>, vector<1x256xf32>
    %add3A_167 = vector.broadcast %get3A_166 : vector<1x256xf32> to vector<256x256xf32>
    %add3A_168 = arith.addf %dot_general3A_163, %add3A_167 : vector<256x256xf32>
    %max3A_169 = arith.constant 0.000000e+00 : f32
    %max3A_170 = vector.broadcast %max3A_169 : f32 to vector<256x256xf32>
    %max3A_171 = arith.maximumf %add3A_168, %max3A_170 : vector<256x256xf32>
    %swap3A = arith.constant 0 : index
    %swap3A_172 = arith.constant 0 : index
    %swap3A_173 = vector.load %arg8[%swap3A, %swap3A_172] : memref<256x256xf32, #tpu.memory_space<vmem>>, vector<256x256xf32>
    tpu.vector_store %arg8[%swap3A, %swap3A_172], %max3A_171 {strides = array<i32>} : memref<256x256xf32, #tpu.memory_space<vmem>>, vector<256x256xf32>,
    return
  }
  func.func @transform_0(%arg0: i32) -> (i32, i32, i32) {
    %c0_i32 = arith.constant 0 : i32
    %c0_i32_0 = arith.constant 0 : i32
    %c0_i32_1 = arith.constant 0 : i32
    return %arg0, %c0_i32, %c0_i32_0 : i32, i32, i32
  }
  func.func @transform_1(%arg0: i32) -> (i32, i32) {
    %c0_i32 = arith.constant 0 : i32
    %c0_i32_0 = arith.constant 0 : i32
    %c0_i32_1 = arith.constant 0 : i32
    return %c0_i32, %c0_i32_0 : i32, i32
  }
  func.func @transform_2(%arg0: i32) -> (i32, i32) {
    %c0_i32 = arith.constant 0 : i32
    %c0_i32_0 = arith.constant 0 : i32
    %c0_i32_1 = arith.constant 0 : i32
    return %c0_i32, %c0_i32_0 : i32, i32
  }
  func.func @transform_3(%arg0: i32) -> (i32, i32) {
    %c0_i32 = arith.constant 0 : i32
    %c0_i32_0 = arith.constant 0 : i32
    %c0_i32_1 = arith.constant 0 : i32
    return %c0_i32, %c0_i32_0 : i32, i32
  }
  func.func @transform_4(%arg0: i32) -> (i32, i32) {
    %c0_i32 = arith.constant 0 : i32
    %c0_i32_0 = arith.constant 0 : i32
    %c0_i32_1 = arith.constant 0 : i32
    return %c0_i32, %c0_i32_0 : i32, i32
  }
  func.func @transform_5(%arg0: i32) -> (i32, i32) {
    %c0_i32 = arith.constant 0 : i32
    %c0_i32_0 = arith.constant 0 : i32
    %c0_i32_1 = arith.constant 0 : i32
    return %c0_i32, %c0_i32_0 : i32, i32
  }
  func.func @transform_6(%arg0: i32) -> (i32, i32) {
    %c0_i32 = arith.constant 0 : i32
    %c0_i32_0 = arith.constant 0 : i32
    %c0_i32_1 = arith.constant 0 : i32
    return %c0_i32, %c0_i32_0 : i32, i32
  }
  func.func @transform_7(%arg0: i32) -> (i32, i32) {
    %c0_i32 = arith.constant 0 : i32
    %c0_i32_0 = arith.constant 0 : i32
    return %arg0, %c0_i32 : i32, i32
  }
}

module attributes {stable_mosaic.version = 14 : i64} {
  func.func @_z1_body(%arg0: i32, %arg1: memref<2000x256xf32, #tpu.memory_space<vmem>>, %arg2: memref<2x2000x128xf32, #tpu.memory_space<vmem>>, %arg3: memref<256x256xf32, #tpu.memory_space<vmem>>, %arg4: memref<2x2000x128xf32, #tpu.memory_space<vmem>>) attributes {dimension_semantics = [#tpu.dimension_semantics<arbitrary>], iteration_bounds = array<i64: 5>, scalar_prefetch = 0 : i64, scratch_operands = 0 : i64, tpu.core_type = #tpu.core_type<tc>, window_params = [{transform_indices = @transform_0, window_bounds = array<i64: 2000, 256>}, {transform_indices = @transform_1, window_bounds = array<i64: 2, 2000, 128>}, {pipeline_mode = #tpu.pipeline_mode<synchronous>, transform_indices = @transform_2, window_bounds = array<i64: 256, 256>}, {transform_indices = @transform_3, window_bounds = array<i64: 2, 2000, 128>}]} {
    %get3A = arith.constant 0 : index
    %get3A_0 = arith.constant 0 : index
    %get3A_1 = arith.constant 0 : index
    %get3A_2 = vector.load %arg2[%get3A, %get3A_0, %get3A_1] : memref<2x2000x128xf32, #tpu.memory_space<vmem>>, vector<1x2000x1xf32>
    %get3A_3 = vector.shape_cast %get3A_2 : vector<1x2000x1xf32> to vector<2000x1xf32>
    %get3A_4 = arith.constant 1 : index
    %get3A_5 = arith.constant 0 : index
    %get3A_6 = arith.constant 0 : index
    %get3A_7 = vector.load %arg2[%get3A_4, %get3A_5, %get3A_6] : memref<2x2000x128xf32, #tpu.memory_space<vmem>>, vector<1x2000x1xf32>
    %get3A_8 = vector.shape_cast %get3A_7 : vector<1x2000x1xf32> to vector<2000x1xf32>
    %add3A = arith.addf %get3A_3, %get3A_8 : vector<2000x1xf32>
    %add3A_9 = arith.constant 1.000000e+00 : f32
    %add3A_10 = vector.broadcast %add3A_9 : f32 to vector<2000x1xf32>
    %add3A_11 = arith.addf %add3A, %add3A_10 : vector<2000x1xf32>
    %rsqrt3A = math.rsqrt %add3A_11 : vector<2000x1xf32>
    %get3A_12 = arith.constant 0 : index
    %get3A_13 = arith.constant 0 : index
    %get3A_14 = vector.load %arg1[%get3A_12, %get3A_13] : memref<2000x256xf32, #tpu.memory_space<vmem>>, vector<2000x256xf32>
    %get3A_15 = arith.constant 0 : index
    %get3A_16 = arith.constant 0 : index
    %get3A_17 = vector.load %arg3[%get3A_15, %get3A_16] : memref<256x256xf32, #tpu.memory_space<vmem>>, vector<256x256xf32>
    %dot_general3A = arith.constant dense<0.000000e+00> : vector<2000x256xf32>
    %dot_general3A_18 = tpu.matmul %get3A_14, %get3A_17, %dot_general3A {dimension_numbers = #tpu.dot_dimension_numbers<[1], [0], [0], [1], [0, 0, 1, 1], [], []>, transpose_lhs_hint = false} : vector<2000x256xf32>, vector<256x256xf32>, vector<2000x256xf32> -> vector<2000x256xf32>
    %mul3A = vector.broadcast %rsqrt3A : vector<2000x1xf32> to vector<2000x256xf32>
    %mul3A_19 = arith.mulf %dot_general3A_18, %mul3A : vector<2000x256xf32>
    %slice3A = vector.extract_strided_slice %mul3A_19 {offsets = [0, 0], sizes = [2000, 128], strides = [1, 1]} : vector<2000x256xf32> to vector<2000x128xf32>
    %swap3A = arith.constant 0 : index
    %swap3A_20 = arith.constant 0 : index
    %swap3A_21 = arith.constant 0 : index
    %swap3A_22 = vector.load %arg4[%swap3A, %swap3A_20, %swap3A_21] : memref<2x2000x128xf32, #tpu.memory_space<vmem>>, vector<1x2000x128xf32>
    %swap3A_23 = vector.shape_cast %swap3A_22 : vector<1x2000x128xf32> to vector<2000x128xf32>
    %swap3A_24 = vector.shape_cast %slice3A : vector<2000x128xf32> to vector<1x2000x128xf32>
    tpu.vector_store %arg4[%swap3A, %swap3A_20, %swap3A_21], %swap3A_24 {strides = array<i32>} : memref<2x2000x128xf32, #tpu.memory_space<vmem>>, vector<1x2000x128xf32>,
    %slice3A_25 = vector.extract_strided_slice %mul3A_19 {offsets = [0, 128], sizes = [2000, 128], strides = [1, 1]} : vector<2000x256xf32> to vector<2000x128xf32>
    %swap3A_26 = arith.constant 1 : index
    %swap3A_27 = arith.constant 0 : index
    %swap3A_28 = arith.constant 0 : index
    %swap3A_29 = vector.load %arg4[%swap3A_26, %swap3A_27, %swap3A_28] : memref<2x2000x128xf32, #tpu.memory_space<vmem>>, vector<1x2000x128xf32>
    %swap3A_30 = vector.shape_cast %swap3A_29 : vector<1x2000x128xf32> to vector<2000x128xf32>
    %swap3A_31 = vector.shape_cast %slice3A_25 : vector<2000x128xf32> to vector<1x2000x128xf32>
    tpu.vector_store %arg4[%swap3A_26, %swap3A_27, %swap3A_28], %swap3A_31 {strides = array<i32>} : memref<2x2000x128xf32, #tpu.memory_space<vmem>>, vector<1x2000x128xf32>,
    return
  }
  func.func @transform_0(%arg0: i32) -> (i32, i32) {
    %c0_i32 = arith.constant 0 : i32
    %c0_i32_0 = arith.constant 0 : i32
    return %arg0, %c0_i32 : i32, i32
  }
  func.func @transform_1(%arg0: i32) -> (i32, i32, i32) {
    %c0_i32 = arith.constant 0 : i32
    %c0_i32_0 = arith.constant 0 : i32
    %c0_i32_1 = arith.constant 0 : i32
    return %c0_i32, %arg0, %c0_i32_0 : i32, i32, i32
  }
  func.func @transform_2(%arg0: i32) -> (i32, i32) {
    %c0_i32 = arith.constant 0 : i32
    %c0_i32_0 = arith.constant 0 : i32
    %c0_i32_1 = arith.constant 0 : i32
    return %c0_i32, %c0_i32_0 : i32, i32
  }
  func.func @transform_3(%arg0: i32) -> (i32, i32, i32) {
    %c0_i32 = arith.constant 0 : i32
    %c0_i32_0 = arith.constant 0 : i32
    %c0_i32_1 = arith.constant 0 : i32
    return %c0_i32, %arg0, %c0_i32_0 : i32, i32, i32
  }
}

module attributes {stable_mosaic.version = 14 : i64} {
  func.func @_z2_body(%arg0: i32, %arg1: memref<2x2000x128xf32, #tpu.memory_space<vmem>>, %arg2: memref<2x2000x128xf32, #tpu.memory_space<vmem>>, %arg3: memref<1x256xf32, #tpu.memory_space<vmem>>, %arg4: memref<256x256xf32, #tpu.memory_space<vmem>>, %arg5: memref<2x2000x128xf32, #tpu.memory_space<vmem>>) attributes {dimension_semantics = [#tpu.dimension_semantics<arbitrary>], iteration_bounds = array<i64: 5>, scalar_prefetch = 0 : i64, scratch_operands = 0 : i64, tpu.core_type = #tpu.core_type<tc>, window_params = [{transform_indices = @transform_0, window_bounds = array<i64: 2, 2000, 128>}, {transform_indices = @transform_1, window_bounds = array<i64: 2, 2000, 128>}, {pipeline_mode = #tpu.pipeline_mode<synchronous>, transform_indices = @transform_2, window_bounds = array<i64: 1, 256>}, {pipeline_mode = #tpu.pipeline_mode<synchronous>, transform_indices = @transform_3, window_bounds = array<i64: 256, 256>}, {transform_indices = @transform_4, window_bounds = array<i64: 2, 2000, 128>}]} {
    %get3A = arith.constant 0 : index
    %get3A_0 = arith.constant 0 : index
    %get3A_1 = arith.constant 0 : index
    %get3A_2 = vector.load %arg2[%get3A, %get3A_0, %get3A_1] : memref<2x2000x128xf32, #tpu.memory_space<vmem>>, vector<1x2000x1xf32>
    %get3A_3 = vector.shape_cast %get3A_2 : vector<1x2000x1xf32> to vector<2000x1xf32>
    %get3A_4 = arith.constant 1 : index
    %get3A_5 = arith.constant 0 : index
    %get3A_6 = arith.constant 0 : index
    %get3A_7 = vector.load %arg2[%get3A_4, %get3A_5, %get3A_6] : memref<2x2000x128xf32, #tpu.memory_space<vmem>>, vector<1x2000x1xf32>
    %get3A_8 = vector.shape_cast %get3A_7 : vector<1x2000x1xf32> to vector<2000x1xf32>
    %add3A = arith.addf %get3A_3, %get3A_8 : vector<2000x1xf32>
    %add3A_9 = arith.constant 1.000000e+00 : f32
    %add3A_10 = vector.broadcast %add3A_9 : f32 to vector<2000x1xf32>
    %add3A_11 = arith.addf %add3A, %add3A_10 : vector<2000x1xf32>
    %rsqrt3A = math.rsqrt %add3A_11 : vector<2000x1xf32>
    %get3A_12 = arith.constant 0 : index
    %get3A_13 = arith.constant 0 : index
    %get3A_14 = arith.constant 0 : index
    %get3A_15 = vector.load %arg1[%get3A_12, %get3A_13, %get3A_14] : memref<2x2000x128xf32, #tpu.memory_space<vmem>>, vector<1x2000x128xf32>
    %get3A_16 = vector.shape_cast %get3A_15 : vector<1x2000x128xf32> to vector<2000x128xf32>
    %mul3A = vector.broadcast %rsqrt3A : vector<2000x1xf32> to vector<2000x128xf32>
    %mul3A_17 = arith.mulf %get3A_16, %mul3A : vector<2000x128xf32>
    %get3A_18 = arith.constant 0 : index
    %get3A_19 = arith.constant 0 : index
    %get3A_20 = vector.load %arg3[%get3A_18, %get3A_19] : memref<1x256xf32, #tpu.memory_space<vmem>>, vector<1x128xf32>
    %add3A_21 = vector.broadcast %get3A_20 : vector<1x128xf32> to vector<2000x128xf32>
    %add3A_22 = arith.addf %mul3A_17, %add3A_21 : vector<2000x128xf32>
    %max3A = arith.constant 0.000000e+00 : f32
    %max3A_23 = vector.broadcast %max3A : f32 to vector<2000x128xf32>
    %max3A_24 = arith.maximumf %add3A_22, %max3A_23 : vector<2000x128xf32>
    %get3A_25 = arith.constant 1 : index
    %get3A_26 = arith.constant 0 : index
    %get3A_27 = arith.constant 0 : index
    %get3A_28 = vector.load %arg1[%get3A_25, %get3A_26, %get3A_27] : memref<2x2000x128xf32, #tpu.memory_space<vmem>>, vector<1x2000x128xf32>
    %get3A_29 = vector.shape_cast %get3A_28 : vector<1x2000x128xf32> to vector<2000x128xf32>
    %mul3A_30 = vector.broadcast %rsqrt3A : vector<2000x1xf32> to vector<2000x128xf32>
    %mul3A_31 = arith.mulf %get3A_29, %mul3A_30 : vector<2000x128xf32>
    %get3A_32 = arith.constant 0 : index
    %get3A_33 = arith.constant 128 : index
    %get3A_34 = vector.load %arg3[%get3A_32, %get3A_33] : memref<1x256xf32, #tpu.memory_space<vmem>>, vector<1x128xf32>
    %add3A_35 = vector.broadcast %get3A_34 : vector<1x128xf32> to vector<2000x128xf32>
    %add3A_36 = arith.addf %mul3A_31, %add3A_35 : vector<2000x128xf32>
    %max3A_37 = arith.constant 0.000000e+00 : f32
    %max3A_38 = vector.broadcast %max3A_37 : f32 to vector<2000x128xf32>
    %max3A_39 = arith.maximumf %add3A_36, %max3A_38 : vector<2000x128xf32>
    %get3A_40 = arith.constant 0 : index
    %get3A_41 = arith.constant 0 : index
    %get3A_42 = vector.load %arg4[%get3A_40, %get3A_41] : memref<256x256xf32, #tpu.memory_space<vmem>>, vector<128x256xf32>
    %dot_general3A = arith.constant dense<0.000000e+00> : vector<2000x256xf32>
    %dot_general3A_43 = tpu.matmul %max3A_24, %get3A_42, %dot_general3A {dimension_numbers = #tpu.dot_dimension_numbers<[1], [0], [0], [1], [0, 0, 1, 1], [], []>, transpose_lhs_hint = false} : vector<2000x128xf32>, vector<128x256xf32>, vector<2000x256xf32> -> vector<2000x256xf32>
    %get3A_44 = arith.constant 128 : index
    %get3A_45 = arith.constant 0 : index
    %get3A_46 = vector.load %arg4[%get3A_44, %get3A_45] : memref<256x256xf32, #tpu.memory_space<vmem>>, vector<128x256xf32>
    %dot_general3A_47 = arith.constant dense<0.000000e+00> : vector<2000x256xf32>
    %dot_general3A_48 = tpu.matmul %max3A_39, %get3A_46, %dot_general3A_47 {dimension_numbers = #tpu.dot_dimension_numbers<[1], [0], [0], [1], [0, 0, 1, 1], [], []>, transpose_lhs_hint = false} : vector<2000x128xf32>, vector<128x256xf32>, vector<2000x256xf32> -> vector<2000x256xf32>
    %add3A_49 = arith.addf %dot_general3A_43, %dot_general3A_48 : vector<2000x256xf32>
    %mul3A_50 = vector.broadcast %rsqrt3A : vector<2000x1xf32> to vector<2000x256xf32>
    %mul3A_51 = arith.mulf %add3A_49, %mul3A_50 : vector<2000x256xf32>
    %slice3A = vector.extract_strided_slice %mul3A_51 {offsets = [0, 0], sizes = [2000, 128], strides = [1, 1]} : vector<2000x256xf32> to vector<2000x128xf32>
    %swap3A = arith.constant 0 : index
    %swap3A_52 = arith.constant 0 : index
    %swap3A_53 = arith.constant 0 : index
    %swap3A_54 = vector.load %arg5[%swap3A, %swap3A_52, %swap3A_53] : memref<2x2000x128xf32, #tpu.memory_space<vmem>>, vector<1x2000x128xf32>
    %swap3A_55 = vector.shape_cast %swap3A_54 : vector<1x2000x128xf32> to vector<2000x128xf32>
    %swap3A_56 = vector.shape_cast %slice3A : vector<2000x128xf32> to vector<1x2000x128xf32>
    tpu.vector_store %arg5[%swap3A, %swap3A_52, %swap3A_53], %swap3A_56 {strides = array<i32>} : memref<2x2000x128xf32, #tpu.memory_space<vmem>>, vector<1x2000x128xf32>,
    %slice3A_57 = vector.extract_strided_slice %mul3A_51 {offsets = [0, 128], sizes = [2000, 128], strides = [1, 1]} : vector<2000x256xf32> to vector<2000x128xf32>
    %swap3A_58 = arith.constant 1 : index
    %swap3A_59 = arith.constant 0 : index
    %swap3A_60 = arith.constant 0 : index
    %swap3A_61 = vector.load %arg5[%swap3A_58, %swap3A_59, %swap3A_60] : memref<2x2000x128xf32, #tpu.memory_space<vmem>>, vector<1x2000x128xf32>
    %swap3A_62 = vector.shape_cast %swap3A_61 : vector<1x2000x128xf32> to vector<2000x128xf32>
    %swap3A_63 = vector.shape_cast %slice3A_57 : vector<2000x128xf32> to vector<1x2000x128xf32>
    tpu.vector_store %arg5[%swap3A_58, %swap3A_59, %swap3A_60], %swap3A_63 {strides = array<i32>} : memref<2x2000x128xf32, #tpu.memory_space<vmem>>, vector<1x2000x128xf32>,
    return
  }
  func.func @transform_0(%arg0: i32) -> (i32, i32, i32) {
    %c0_i32 = arith.constant 0 : i32
    %c0_i32_0 = arith.constant 0 : i32
    %c0_i32_1 = arith.constant 0 : i32
    return %c0_i32, %arg0, %c0_i32_0 : i32, i32, i32
  }
  func.func @transform_1(%arg0: i32) -> (i32, i32, i32) {
    %c0_i32 = arith.constant 0 : i32
    %c0_i32_0 = arith.constant 0 : i32
    %c0_i32_1 = arith.constant 0 : i32
    return %c0_i32, %arg0, %c0_i32_0 : i32, i32, i32
  }
  func.func @transform_2(%arg0: i32) -> (i32, i32) {
    %c0_i32 = arith.constant 0 : i32
    %c0_i32_0 = arith.constant 0 : i32
    %c0_i32_1 = arith.constant 0 : i32
    return %c0_i32, %c0_i32_0 : i32, i32
  }
  func.func @transform_3(%arg0: i32) -> (i32, i32) {
    %c0_i32 = arith.constant 0 : i32
    %c0_i32_0 = arith.constant 0 : i32
    %c0_i32_1 = arith.constant 0 : i32
    return %c0_i32, %c0_i32_0 : i32, i32
  }
  func.func @transform_4(%arg0: i32) -> (i32, i32, i32) {
    %c0_i32 = arith.constant 0 : i32
    %c0_i32_0 = arith.constant 0 : i32
    %c0_i32_1 = arith.constant 0 : i32
    return %c0_i32, %arg0, %c0_i32_0 : i32, i32, i32
  }
}

module attributes {stable_mosaic.version = 14 : i64} {
  func.func @_final_body(%arg0: i32, %arg1: memref<2x2000x128xf32, #tpu.memory_space<vmem>>, %arg2: memref<2x2000x128xf32, #tpu.memory_space<vmem>>, %arg3: memref<1x256xf32, #tpu.memory_space<vmem>>, %arg4: memref<2000x256xf32, #tpu.memory_space<vmem>>, %arg5: memref<2000x256xf32, #tpu.memory_space<vmem>>) attributes {dimension_semantics = [#tpu.dimension_semantics<arbitrary>], iteration_bounds = array<i64: 5>, scalar_prefetch = 0 : i64, scratch_operands = 0 : i64, tpu.core_type = #tpu.core_type<tc>, window_params = [{transform_indices = @transform_0, window_bounds = array<i64: 2, 2000, 128>}, {transform_indices = @transform_1, window_bounds = array<i64: 2, 2000, 128>}, {pipeline_mode = #tpu.pipeline_mode<synchronous>, transform_indices = @transform_2, window_bounds = array<i64: 1, 256>}, {transform_indices = @transform_3, window_bounds = array<i64: 2000, 256>}, {transform_indices = @transform_4, window_bounds = array<i64: 2000, 256>}]} {
    %get3A = arith.constant 0 : index
    %get3A_0 = arith.constant 0 : index
    %get3A_1 = arith.constant 0 : index
    %get3A_2 = vector.load %arg2[%get3A, %get3A_0, %get3A_1] : memref<2x2000x128xf32, #tpu.memory_space<vmem>>, vector<1x2000x1xf32>
    %get3A_3 = vector.shape_cast %get3A_2 : vector<1x2000x1xf32> to vector<2000x1xf32>
    %get3A_4 = arith.constant 1 : index
    %get3A_5 = arith.constant 0 : index
    %get3A_6 = arith.constant 0 : index
    %get3A_7 = vector.load %arg2[%get3A_4, %get3A_5, %get3A_6] : memref<2x2000x128xf32, #tpu.memory_space<vmem>>, vector<1x2000x1xf32>
    %get3A_8 = vector.shape_cast %get3A_7 : vector<1x2000x1xf32> to vector<2000x1xf32>
    %add3A = arith.addf %get3A_3, %get3A_8 : vector<2000x1xf32>
    %add3A_9 = arith.constant 1.000000e+00 : f32
    %add3A_10 = vector.broadcast %add3A_9 : f32 to vector<2000x1xf32>
    %add3A_11 = arith.addf %add3A, %add3A_10 : vector<2000x1xf32>
    %rsqrt3A = math.rsqrt %add3A_11 : vector<2000x1xf32>
    %get3A_12 = arith.constant 0 : index
    %get3A_13 = arith.constant 0 : index
    %get3A_14 = arith.constant 0 : index
    %get3A_15 = vector.load %arg1[%get3A_12, %get3A_13, %get3A_14] : memref<2x2000x128xf32, #tpu.memory_space<vmem>>, vector<1x2000x128xf32>
    %get3A_16 = vector.shape_cast %get3A_15 : vector<1x2000x128xf32> to vector<2000x128xf32>
    %mul3A = vector.broadcast %rsqrt3A : vector<2000x1xf32> to vector<2000x128xf32>
    %mul3A_17 = arith.mulf %get3A_16, %mul3A : vector<2000x128xf32>
    %get3A_18 = arith.constant 0 : index
    %get3A_19 = arith.constant 0 : index
    %get3A_20 = vector.load %arg3[%get3A_18, %get3A_19] : memref<1x256xf32, #tpu.memory_space<vmem>>, vector<1x128xf32>
    %add3A_21 = vector.broadcast %get3A_20 : vector<1x128xf32> to vector<2000x128xf32>
    %add3A_22 = arith.addf %mul3A_17, %add3A_21 : vector<2000x128xf32>
    %get3A_23 = arith.constant 1 : index
    %get3A_24 = arith.constant 0 : index
    %get3A_25 = arith.constant 0 : index
    %get3A_26 = vector.load %arg1[%get3A_23, %get3A_24, %get3A_25] : memref<2x2000x128xf32, #tpu.memory_space<vmem>>, vector<1x2000x128xf32>
    %get3A_27 = vector.shape_cast %get3A_26 : vector<1x2000x128xf32> to vector<2000x128xf32>
    %mul3A_28 = vector.broadcast %rsqrt3A : vector<2000x1xf32> to vector<2000x128xf32>
    %mul3A_29 = arith.mulf %get3A_27, %mul3A_28 : vector<2000x128xf32>
    %get3A_30 = arith.constant 0 : index
    %get3A_31 = arith.constant 128 : index
    %get3A_32 = vector.load %arg3[%get3A_30, %get3A_31] : memref<1x256xf32, #tpu.memory_space<vmem>>, vector<1x128xf32>
    %add3A_33 = vector.broadcast %get3A_32 : vector<1x128xf32> to vector<2000x128xf32>
    %add3A_34 = arith.addf %mul3A_29, %add3A_33 : vector<2000x128xf32>
    %get3A_35 = arith.constant 0 : index
    %get3A_36 = arith.constant 0 : index
    %get3A_37 = vector.load %arg4[%get3A_35, %get3A_36] : memref<2000x256xf32, #tpu.memory_space<vmem>>, vector<2000x128xf32>
    %get3A_38 = arith.constant 0 : index
    %get3A_39 = arith.constant 128 : index
    %get3A_40 = vector.load %arg4[%get3A_38, %get3A_39] : memref<2000x256xf32, #tpu.memory_space<vmem>>, vector<2000x128xf32>
    %add3A_41 = arith.addf %get3A_37, %add3A_22 : vector<2000x128xf32>
    %max3A = arith.constant 0.000000e+00 : f32
    %max3A_42 = vector.broadcast %max3A : f32 to vector<2000x128xf32>
    %max3A_43 = arith.maximumf %add3A_41, %max3A_42 : vector<2000x128xf32>
    %add3A_44 = arith.addf %max3A_43, %get3A_37 : vector<2000x128xf32>
    %swap3A = arith.constant 0 : index
    %swap3A_45 = arith.constant 0 : index
    %swap3A_46 = vector.load %arg5[%swap3A, %swap3A_45] : memref<2000x256xf32, #tpu.memory_space<vmem>>, vector<2000x128xf32>
    tpu.vector_store %arg5[%swap3A, %swap3A_45], %add3A_44 {strides = array<i32>} : memref<2000x256xf32, #tpu.memory_space<vmem>>, vector<2000x128xf32>,
    %add3A_47 = arith.addf %get3A_40, %add3A_34 : vector<2000x128xf32>
    %max3A_48 = arith.constant 0.000000e+00 : f32
    %max3A_49 = vector.broadcast %max3A_48 : f32 to vector<2000x128xf32>
    %max3A_50 = arith.maximumf %add3A_47, %max3A_49 : vector<2000x128xf32>
    %add3A_51 = arith.addf %max3A_50, %get3A_40 : vector<2000x128xf32>
    %swap3A_52 = arith.constant 0 : index
    %swap3A_53 = arith.constant 128 : index
    %swap3A_54 = vector.load %arg5[%swap3A_52, %swap3A_53] : memref<2000x256xf32, #tpu.memory_space<vmem>>, vector<2000x128xf32>
    tpu.vector_store %arg5[%swap3A_52, %swap3A_53], %add3A_51 {strides = array<i32>} : memref<2000x256xf32, #tpu.memory_space<vmem>>, vector<2000x128xf32>,
    return
  }
  func.func @transform_0(%arg0: i32) -> (i32, i32, i32) {
    %c0_i32 = arith.constant 0 : i32
    %c0_i32_0 = arith.constant 0 : i32
    %c0_i32_1 = arith.constant 0 : i32
    return %c0_i32, %arg0, %c0_i32_0 : i32, i32, i32
  }
  func.func @transform_1(%arg0: i32) -> (i32, i32, i32) {
    %c0_i32 = arith.constant 0 : i32
    %c0_i32_0 = arith.constant 0 : i32
    %c0_i32_1 = arith.constant 0 : i32
    return %c0_i32, %arg0, %c0_i32_0 : i32, i32, i32
  }
  func.func @transform_2(%arg0: i32) -> (i32, i32) {
    %c0_i32 = arith.constant 0 : i32
    %c0_i32_0 = arith.constant 0 : i32
    %c0_i32_1 = arith.constant 0 : i32
    return %c0_i32, %c0_i32_0 : i32, i32
  }
  func.func @transform_3(%arg0: i32) -> (i32, i32) {
    %c0_i32 = arith.constant 0 : i32
    %c0_i32_0 = arith.constant 0 : i32
    return %arg0, %c0_i32 : i32, i32
  }
  func.func @transform_4(%arg0: i32) -> (i32, i32) {
    %c0_i32 = arith.constant 0 : i32
    %c0_i32_0 = arith.constant 0 : i32
    return %arg0, %c0_i32 : i32, i32
  }
}

</mosaic_0001>

<sc_bundles>
// kernel: kernel.12.cloned.1.call-start
scs
__scs_entry_jumppad:
0x0: {  	(pc) =	sbr.rel $0x88, $3  }
0x1: {  	(tag) =	ssettag $0x0;
	lr =	simm.s32 $0x1  }
0x2: {  	[smem:$0x3F95] =	sst lr;
	_ =	strace $0xD0000000  }
0x3: {  	_ = 	snop  }
0x4: {  	_ = 	snop  }
0x5: {  	_ = 	snop  }
0x6: {  	_ = 	snop  }
0x7: {  	_ = 	snop  }
__scs_overlays_trampoline_lowered:
0x8: {  	[smem:$0x3FA4] =	sst s0  }
0x9: {  	[smem:$0x3FA5] =	sst s1  }
0xa: {  	[smem:$0x3FA6] =	sst s2  }
0xb: {  	[smem:$0x3FA7] =	sst s3  }
0xc: {  	[smem:$0x3FA8] =	sst s4  }
0xd: {  	[smem:$0x3FA9] =	sst s5  }
0xe: {  	[smem:$0x3FAA] =	sst s6  }
0xf: {  	[smem:$0x3FAB] =	sst s7  }
0x10: {  	[smem:$0x3FAC] =	sst s8  }
0x11: {  	[smem:$0x3FAD] =	sst s9;
	s0 =	simm.s32 @!p0 $0x0  }
0x12: {  	s1 =	sld [smem:$0x3F93];
	s0 =	simm.s32 @p0 $0x1  }
0x13: {  	[smem:$0x3FAE] =	sst s0;
	s0 =	simm.s32 @!p1 $0x0  }
0x14: {  	s2 =	sld [smem:$0x3F92];
	s0 =	simm.s32 @p1 $0x1  }
0x15: {  	[smem:$0x3FAF] =	sst s0;
	s0 =	simm.s32 @!p2 $0x0  }
0x16: {  	s3 =	sld [smem:$0x3FDB];
	s0 =	simm.s32 @p2 $0x1  }
0x17: {  	s4 =	simm.s32 $0x1BF5;
	[smem:$0x3FB1] =	sst s0  }
0x18: {  	s0 =	sld [smem:$0x3F94];
	_ =	swait.ge [sflag:s4], $0x0  }
0x19: {  	s7 =	sld [smem:$0x3F95]  }
0x1a: {  	s8 =	sadd.s32 $0xFFFFE003, lr  }
0x1b: {  	s9 =	sadd.s32 $0xFFFFFEF7, lr;
	s5 =	simm.s32 $0xFFFFFFFF;
	p2 =	slt.u32 s8, $0xFFFFF086  }
0x1c: {  	p1 =	slt.u32 s9, $0xF7A;
	s5 =	simm.s32 @!p2 $0x0  }
0x1d: {  	s5 =	simm.s32 @p1 $0x1;
	p0 =	seq.s32 s7, s2  }
0x1e: {  	s7 =	smul.u32 @!p0 $0xF7A, s2;
	p2 =	seq.s32 @!p0 s5, $0x0  }
0x1f: {  	s9 =	smul.u32 $0xF7A, s1;
	s8 =	simm.s32 @!p0 $0x1BF5;
	p2 =	por !p2, p0  }
0x20: {  	[sflag:s8] =	ssyncset.s32 @!p0 $0xFFFFF086;
	s6 =	sadd.s32 @!p0 s3, s7;
	s7 =	simm.s32 @!p0 $0x108  }
0x21: {  	s3 =	sadd.s32 s3, s9;
	s6 =	sadd.s32 @!p0 $0x88, s6;
	s7 =	simm.s32 @p2 $0x1082  }
0x22: {  	[simem:s7], [sflag:s8] =	dma.local @!p0 [hbm:s6], $0xF7A  }
0x23: {  	s9 =	sor.u32 $0xD0000000, s2;
	s6 =	simm.s32 $0x108;
	_ =	swait.ge @!p0 [sflag:s8], $0x0  }
0x24: {  	s3 =	sadd.s32 $0x88, s3;
	s6 =	simm.s32 @!p1 $0x1082;
	[sflag:s4] =	ssyncset.s32 $0xFFFFF086  }
0x25: {  	[simem:s6], [sflag:s4] =	dma.local [hbm:s3], $0xF7A  }
0x26: {  	[smem:$0x3F95] =	sst s1;
	(tag) =	ssettag s2;
	_ =	strace s9  }
0x27: {  	s1 =	sld [smem:$0x3FA5]  }
0x28: {  	s2 =	sld [smem:$0x3FA6]  }
0x29: {  	s4 =	sld [smem:$0x3FA8]  }
0x2a: {  	p0 =	seq.s32 s5, $0x0;
	s5 =	sld [smem:$0x3FA9]  }
0x2b: {  	s6 =	sld [smem:$0x3FAA]  }
0x2c: {  	s7 =	sld [smem:$0x3FAB]  }
0x2d: {  	s3 =	simm.s32 $0x108;
	s8 =	sld [smem:$0x3FAC]  }
0x2e: {  	s3 =	simm.s32 @!p0 $0x1082;
	s9 =	sld [smem:$0x3FAD]  }
0x2f: {  	lr =	sadd.s32 s0, s3;
	s0 =	sld [smem:$0x3FA4]  }
0x30: {  	s3 =	sld [smem:$0x3FA7]  }
0x31: {  	[smem:$0x3FB0] =	sst s10  }
0x32: {  	s10 =	sld [smem:$0x3FAE];
	_ =	sdelay $0x3  }
0x33: {  	p0 =	seq.s32 s10, $0x1;
	s10 =	sld [smem:$0x3FB0];
	_ =	sdelay $0x3  }
0x34: {  	[smem:$0x3FB0] =	sst s10  }
0x35: {  	s10 =	sld [smem:$0x3FAF];
	_ =	sdelay $0x3  }
0x36: {  	p1 =	seq.s32 s10, $0x1;
	s10 =	sld [smem:$0x3FB0];
	_ =	sdelay $0x3  }
0x37: {  	[smem:$0x3FB0] =	sst s10  }
0x38: {  	s10 =	sld [smem:$0x3FB1]  }
0x39: {  	_ = 	snop;
	(pc) =	sbr.ind lr, $3  }
0x3a: {  	_ = 	snop  }
0x3b: {  	_ = 	snop  }
0x3c: {  	p2 =	seq.s32 s10, $0x1;
	s10 =	sld [smem:$0x3FB0]  }
0x3d: {  	_ =	shalt  }
0x3e: {  	_ =	shalt  }
0x3f: {  	_ =	shalt  }
0x40: {  	_ =	shalt  }
0x41: {  	_ =	shalt  }
0x42: {  	_ =	shalt  }
0x43: {  	_ =	shalt  }
0x44: {  	_ =	shalt  }
0x45: {  	_ =	shalt  }
0x46: {  	_ =	shalt  }
0x47: {  	_ =	shalt  }
0x48: {  	_ =	shalt  }
0x49: {  	_ =	shalt  }
0x4a: {  	_ =	shalt  }
0x4b: {  	_ =	shalt  }
0x4c: {  	_ =	shalt  }
0x4d: {  	_ =	shalt  }
0x4e: {  	_ =	shalt  }
0x4f: {  	_ =	shalt  }
0x50: {  	_ =	shalt  }
0x51: {  	_ =	shalt  }
0x52: {  	_ =	shalt  }
0x53: {  	_ =	shalt  }
0x54: {  	_ =	shalt  }
0x55: {  	_ =	shalt  }
0x56: {  	_ =	shalt  }
0x57: {  	_ =	shalt  }
0x58: {  	_ =	shalt  }
0x59: {  	_ =	shalt  }
0x5a: {  	_ =	shalt  }
0x5b: {  	_ =	shalt  }
0x5c: {  	_ =	shalt  }
0x5d: {  	_ =	shalt  }
0x5e: {  	_ =	shalt  }
0x5f: {  	_ =	shalt  }
0x60: {  	_ =	shalt  }
0x61: {  	_ =	shalt  }
0x62: {  	_ =	shalt  }
0x63: {  	_ =	shalt  }
0x64: {  	_ =	shalt  }
0x65: {  	_ =	shalt  }
0x66: {  	_ =	shalt  }
0x67: {  	_ =	shalt  }
0x68: {  	_ =	shalt  }
0x69: {  	_ =	shalt  }
0x6a: {  	_ =	shalt  }
0x6b: {  	_ =	shalt  }
0x6c: {  	_ =	shalt  }
0x6d: {  	_ =	shalt  }
0x6e: {  	_ =	shalt  }
0x6f: {  	_ =	shalt  }
0x70: {  	_ =	shalt  }
0x71: {  	_ =	shalt  }
0x72: {  	_ =	shalt  }
0x73: {  	_ =	shalt  }
0x74: {  	_ =	shalt  }
0x75: {  	_ =	shalt  }
0x76: {  	_ =	shalt  }
0x77: {  	_ =	shalt  }
0x78: {  	_ =	shalt  }
0x79: {  	_ =	shalt  }
0x7a: {  	_ =	shalt  }
0x7b: {  	_ =	shalt  }
0x7c: {  	_ =	shalt  }
0x7d: {  	_ =	shalt  }
0x7e: {  	_ =	shalt  }
0x7f: {  	_ =	shalt  }
0x80: {  	_ =	shalt  }
0x81: {  	_ =	shalt  }
0x82: {  	_ =	shalt  }
0x83: {  	_ =	shalt  }
0x84: {  	_ =	shalt  }
0x85: {  	_ =	shalt  }
0x86: {  	_ =	shalt  }
0x87: {  	_ =	shalt  }
.Lfunc_end0:
.L_simem_size_0:
called_computation.1_lowered:
.L_overlay_start_0:
0x88: {  	s2 =	sld [smem:$0x3FD9]  }
0x89: {  	s3 =	sld [smem:$0x3FFE];
	_ =	sdelay $0x1  }
0x8a: {  	s1 =	srdreg.scid  }
0x8b: {  	s0 =	sand.u32 $0x1, s1  }
0x8c: {  	s16 =	sshll.u32 s0, $0xA;
	s2 =	sadd.s32 s3, s2  }
0x8d: {  	s2 =	sadd.s32 s2, s16  }
0x8e: {  	[smem:$0x3FBC] =	sst s2  }
0x8f: {  	_ = 	snop  }
0x90: {  	(tm) =	ssettm $0x1  }
0x91: {  	s17 =	sld [smem:$0x3FFB];
	_ =	sdelay $0x3  }
0x92: {  	_ =	strace s17  }
0x93: {  	s2 =	sld [smem:$0x3FFC];
	_ =	sdelay $0x3  }
0x94: {  	_ =	strace s2  }
0x95: {  	s2 =	sld [smem:$0x3FFD];
	_ =	sdelay $0x3  }
0x96: {  	_ =	strace s2  }
0x97: {  	_ =	strace $0x8FFFFFFF  }
0x98: {  	s18 =	sld [smem:$0x3FDB];
	_ =	sdelay $0x1  }
0x99: {  	s19 =	simm.s32 $_scs_section_size  }
0x9a: {  	s4 =	simm.s32 $_size__tile_overlayer_lowered;
	s5 =	simm.s32 $_tile_overlayer_lowered  }
0x9b: {  	s22 =	simm.s32 $0x1BFF;
	s21 =	sshll.u32 s5, $0x1;
	s2 =	sadd.s32 s19, s18  }
0x9c: {  	s6 =	simm.s32 $0x0;
	s20 =	sshll.u32 s4, $0x1;
	s4 =	sadd.s32 s21, s2  }
0x9d: {  	[timem:s6], [sflag:s22] =	dma.local [hbm:s4], s20  }
0x9e: {  	_ =	swait.ge [sflag:s22], s20  }
0x9f: {  	s3 =	ssub.s32 $0x0, s20;
	[sflag:s22] =	ssyncset.done $0x0  }
0xa0: {  	[sflag:s22] =	ssyncadd.s32 s3;
	_ =	sdelay $0x1  }
0xa1: {  	s23 =	simm.s32 $0x1B8B  }
0xa2: {  	_ =	swait.ge [sflag:s23], $0x1  }
0xa3: {  	[sflag:s23] =	ssyncset.done $0x0  }
0xa4: {  	s25 =	simm.s32 $0x1B8E;
	s24 =	sld [smem:$0x3FFE];
	[sflag:s23] =	ssyncadd.s32 $0xFFFFFFFF  }
0xa5: {  	s26 =	simm.s32 $execute0_lowered;
	[smem:$0x3FD2] =	sst s25  }
0xa6: {  	s4 =	sshll.u32 s26, $0x1;
	_ =	strace $0x80000049;
	[dreg:$0x1] =	wrdreg $0xFFFFFFFF  }
0xa7: {  	s28 =	simm.s32 $_size_execute0_lowered;
	s2 =	sadd.s32 s2, s4;
	[dreg:$0x0] =	wrdreg $0x0  }
0xa8: {  	s4 =	sshll.u32 s28, $0x1;
	[dreg:$0x2] =	wrdreg s2  }
0xa9: {  	[dreg:$0x3] =	wrdreg s4  }
0xaa: {  	[dreg:$0x4] =	wrdreg $0xC0  }
0xab: {  	_ =	task [dreg:s6], $0x5FFFF  }
0xac: {  	[dreg:$0x1] =	wrdreg $0xFFFFFFFF  }
0xad: {  	[dreg:$0x0] =	wrdreg $0x60  }
0xae: {  	[dreg:$0x2] =	wrdreg s24  }
0xaf: {  	[dreg:$0x3] =	wrdreg $0xA8000  }
0xb0: {  	[dreg:$0x4] =	wrdreg $0x9  }
0xb1: {  	_ =	task.clear_ibuf [dreg:s6], $0x5FFFF;
	_ =	strace $0x90000049  }
0xb2: {  	s29 =	simm.s32 $0x9;
	_ =	strace $0x8000004B  }
0xb3: {  	_ =	swait.ge [sflag:s29], $0x1  }
0xb4: {  	[sflag:s29] =	ssyncadd.s32 $0xFFFFFFFF  }
0xb5: {  	_ =	strace $0x9000004B  }
0xb6: {  	_ =	sfence  }
0xb7: {  	s30 =	sld [smem:$0x0];
	_ =	sdelay $0x2  }
0xb8: {  	s31 =	sshll.u32 s1, $0xD;
	s1 =	sshrl.u32 s1, $0x2  }
0xb9: {  	s3 =	sand.u32 $0x4000, s31;
	s1 =	sadd.s32 s1, s30  }
0xba: {  	s0 =	sor.u32 s3, s0;
	s1 =	sshll.u32 s1, $0x11  }
0xbb: {  	s0 =	sor.u32 s1, s0  }
0xbc: {  	s0 =	sadd.s32 $0x8F2B, s0  }
0xbd: {  	[sflag:s0] =	ssyncadd.remote.s32 $0x1  }
0xbe: {  	_ =	sfence.sel $0xFFFF  }
0xbf: {  	[dreg:$0x0] =	wrdreg $0xFFFFFFFF;
	(pc) =	sbr.abs _section_cstart, $3  }
0xc0: {  	[dreg:$0x1] =	wrdreg $0xFFFFFFFF  }
0xc1: {  	_ =	task.clear_ibuf [dreg:s6], $0x2FFFF;
	_ =	strace $0x9FFFFFFF  }
0xc2: {  	(tm) =	ssettm $0x7FFFFFFF  }
0xc3: {  	_ =	shalt  }
tec
execute0_lowered:
.L_overlay_start_1:
0x0: {  	(tag) =	ssettag $0x1  }
0x1: {  	s5 =	rddreg [dreg:$0x0];
	s2 =	srdreg.scid  }
0x2: {  	s1 =	rddreg [dreg:$0x1];
	s6 =	sand.u32 $0x1, s2  }
0x3: {  	s3 =	simm.s32 $0x0;
	s2 =	stileid.u32;
	s7 =	smul.u32 $0x13C000, s6  }
0x4: {  	s16 =	simm.s32 $0x80;
	s17 =	simm.s32 $0x2800;
	s8 =	smul.u32 $0x13C00, s2  }
0x5: {  	s18 =	simm.s32 $0x6800;
	s19 =	simm.s32 $0x1;
	s26 =	smul.u32 $0x2780, s6  }
0x6: {  	s28 =	simm.s32 $0x2780;
	s29 =	simm.s32 $0x0;
	s20 =	smul.u32 $0x4F000, s2  }
0x7: {  	[smem:$0x7FF] =	sst s3;
	s4 =	sadd.s32 $0x5BA00, s5;
	s11 =	smul.u32 $0x278, s2  }
0x8: {  	s9 =	sadd.s32 $0x2200, s5;
	s12 =	sadd.s32 $0x7200, s5;
	s23 =	smul.u32 $0x2800, s2  }
0x9: {  	_ =	strace $0x8000004A;
	s6 =	ssub.s32 $0x2, s6;
	s25 =	smul.u32 $0x500, s2  }
0xa: {  	s30 =	sshll.u32 s2, $0x6;
	s10 =	sshrl.u32 s6, $0x1;
	s7 =	sadd.s32 s8, s7  }
0xb: {  	s14 =	ssub.s32 s6, s10;
	s21 =	sshrl.u32 s20, $0x2;
	s22 =	sadd.s32 s11, s26  }
0xc: {  	s31 =	sshrl.u32 s23, $0x3;
	s6 =	sor.u32 $0x1C05, s30;
	s8 =	sadd.s32 s12, s25  }
0xd: {  	s20 =	simm.s32 $0x3;
	s23 =	simm.s32 $0x1480;
	v0 =	vmov s26;
	s26 =	simm.s32 $0x2700  }
0xe: {  	s7 =	sshrl.u32 s7, $0x3;
	s15 =	sadd.s32 s21, s1;
	s24 =	sshll.u32 s22, $0x4  }
0xf: {  	s10 =	sadd.s32 $0x280, s31;
	s21 =	simm.s32 $0x100;
	s22 =	simm.s32 $0x2  }
0x10: {  	s13 =	sadd.s32 s7, s5;
	s5 =	sadd.s32 s4, s24;
	s7 =	sadd.s32 s9, s25  }
0x11: {  	s9 =	sadd.s32 s9, s10;
	s10 =	sadd.s32 s12, s10;
	s12 =	smax.u32 s14, $0x1  }
0x12: {  	s14 =	simm.s32 $0x5;
	s24 =	simm.s32 $0x4;
	s25 =	simm.s32 $0x1380  }
0x13: {  	s11 =	sadd.s32 $0xAAA00, s13;
	s13 =	sshrl.u32 s15, $0x3;
	s15 =	simm.s32 $0x1400  }
.LBB2_1:
0x14: {  	[spmem:s13], [sflag:s6] =	dma.local [hbm:s5], $0x2780  }
0x15: {  	_ =	swait.ge [sflag:s14], $0x2780  }
0x16: {  	[sflag:s14] =	ssyncset.done $0x0  }
0x17: {  	[sflag:s14] =	ssyncadd.s32 $0xFFFFD880  }
0x18: {  	[bflag:$0x0] =	sbarrier.arrive $0xFFFF  }
0x19: {  	[tilespmem:s3], [sflag:$0x5] =	stream.linear.gather [hbm4b:s7+s3], $0x1400, $0x38;
	[tilespmem:$0x1E400] =	vst v63  }
0x1a: {  	_ =	swait.ge [sflag:s14], $0x1400  }
0x1b: {  	[sflag:s14] =	ssyncset.done $0x0  }
0x1c: {  	[sflag:s14] =	ssyncadd.s32 $0xFFFFEC00  }
0x1d: {  	[tilespmem:s15], [sflag:$0x5] =	stream.linear.gather [hbm4b:s8+s3], $0x1400, $0x38;
	[tilespmem:$0x1E400] =	vst v63  }
0x1e: {  	_ =	swait.ge [sflag:s14], $0x1400  }
0x1f: {  	[sflag:s14] =	ssyncset.done $0x0  }
0x20: {  	s30 =	simm.s32 $0x0;
	[sflag:s14] =	ssyncadd.s32 $0xFFFFEC00  }
0x21: {  	v3 =	vld [tilespmem:s30+$0x0]  }
0x22: {  	v5 =	vld [tilespmem:s30+$0x10]  }
0x23: {  	v4 =	vld [tilespmem:s30+$0x20]  }
0x24: {  	v2 =	vld [tilespmem:s30+$0x30]  }
0x25: {  	v1 =	vld [tilespmem:s30+$0x40]  }
0x26: {  	v6 =	vadd.s32 v0, v3;
	v3 =	vld [tilespmem:s30+$0x50]  }
0x27: {  	s31 =	simm.s32 $0x200;
	[tilespmem:s30+$0x0] =	vst v6;
	v6 =	vadd.s32 v0, v5;
	v5 =	vld [tilespmem:s30+$0x60]  }
.LBB2_2:
0x28: {  	s0 =	sshra.s32 s31, $0x2;
	p0 =	sne.s32 s31, $0x4E00;
	[tilespmem:s30+$0x10] =	vst v6;
	v4 =	vadd.s32 v0, v4;
	v6 =	vld [tilespmem:s30+$0x70]  }
0x29: {  	v7 =	vld [tilespmem:s0+$0x0];
	[tilespmem:s30+$0x20] =	vst v4;
	v2 =	vadd.s32 v0, v2  }
0x2a: {  	v8 =	vld [tilespmem:s0+$0x10];
	[tilespmem:s30+$0x30] =	vst v2;
	v1 =	vadd.s32 v0, v1  }
.Ltmp0:
0x2b: {  	v4 =	vld [tilespmem:s0+$0x20];
	[tilespmem:s30+$0x40] =	vst v1;
	v1 =	vadd.s32 v0, v3;
	(pc) =	sbr.rel @p0 .LBB2_2-.Ltmp0, $4  }
0x2c: {  	v2 =	vld [tilespmem:s0+$0x30];
	[tilespmem:s30+$0x50] =	vst v1;
	v3 =	vadd.s32 v0, v5  }
0x2d: {  	v1 =	vld [tilespmem:s0+$0x40];
	[tilespmem:s30+$0x60] =	vst v3;
	v5 =	vadd.s32 v0, v6  }
0x2e: {  	v6 =	vadd.s32 v0, v7;
	v3 =	vld [tilespmem:s0+$0x50];
	[tilespmem:s30+$0x70] =	vst v5;
	s30 =	smov.u32 s0  }
0x2f: {  	s31 =	sadd.s32 $0x200, s31;
	[tilespmem:s30+$0x0] =	vst v6;
	v6 =	vadd.s32 v0, v8;
	v5 =	vld [tilespmem:s30+$0x60]  }
0x30: {  	[tilespmem:s30+$0x10] =	vst v6;
	v4 =	vadd.s32 v0, v4;
	v63 =	vld [tilespmem:s30+$0x70]  }
0x31: {  	[tilespmem:s30+$0x20] =	vst v4;
	v2 =	vadd.s32 v0, v2  }
0x32: {  	[tilespmem:s30+$0x30] =	vst v2;
	v1 =	vadd.s32 v0, v1  }
0x33: {  	[tilespmem:s30+$0x40] =	vst v1;
	v1 =	vadd.s32 v0, v3  }
0x34: {  	[tilespmem:s30+$0x50] =	vst v1;
	v1 =	vadd.s32 v0, v5  }
0x35: {  	[tilespmem:s30+$0x60] =	vst v1;
	v1 =	vadd.s32 v0, v63  }
0x36: {  	[tilespmem:s30+$0x70] =	vst v1  }
0x37: {  	[tilespmem:s17], [sflag:$0x1] =	stream.indirect.gather [hbm4b:s4+s16], $0x80, s3, s16, $0xb8;
	[tilespmem:$0x1E400] =	vst v63  }
0x38: {  	_ = 	snop  }
0x39: {  	[tilespmem:s18], [sflag:$0x2] =	stream.indirect.gather [hbm4b:s4+s16], $0x80, s16, s16, $0xb8;
	[tilespmem:$0x1E400] =	vst v63  }
0x3a: {  	_ =	swait.ge [sflag:s19], $0x4000  }
0x3b: {  	[sflag:s19] =	ssyncset.done $0x0  }
0x3c: {  	[sflag:s19] =	ssyncadd.s32 $0xFFFFC000  }
0x3d: {  	[spmem:s1] =	stream.indirect.scatter.add.f32 [tilespmem:s17], [sflag:$0x3], $0x80, s15, s16, $0xb8;
	[tilespmem:$0x1E400] =	vst v63  }
0x3e: {  	_ =	swait.ge [sflag:s20], $0x4000  }
0x3f: {  	[sflag:s20] =	ssyncset.done $0x0  }
0x40: {  	[sflag:s20] =	ssyncadd.s32 $0xFFFFC000  }
0x41: {  	[tilespmem:s17], [sflag:$0x1] =	stream.indirect.gather [hbm4b:s4+s16], $0x80, s21, s16, $0xb8;
	[tilespmem:$0x1E400] =	vst v63  }
0x42: {  	_ =	swait.ge [sflag:s22], $0x4000  }
0x43: {  	[sflag:s22] =	ssyncset.done $0x0  }
0x44: {  	[sflag:s22] =	ssyncadd.s32 $0xFFFFC000  }
0x45: {  	[spmem:s1] =	stream.indirect.scatter.add.f32 [tilespmem:s18], [sflag:$0x4], $0x80, s23, s16, $0xb8;
	[tilespmem:$0x1E400] =	vst v63  }
0x46: {  	_ =	swait.ge [sflag:s24], $0x4000  }
0x47: {  	[sflag:s24] =	ssyncset.done $0x0  }
0x48: {  	s0 =	simm.s32 $0x180;
	[sflag:s24] =	ssyncadd.s32 $0xFFFFC000  }
0x49: {  	[tilespmem:s18], [sflag:$0x2] =	stream.indirect.gather [hbm4b:s4+s16], $0x80, s0, s16, $0xb8;
	[tilespmem:$0x1E400] =	vst v63  }
0x4a: {  	_ =	swait.ge [sflag:s19], $0x4000  }
0x4b: {  	[sflag:s19] =	ssyncset.done $0x0  }
0x4c: {  	s0 =	simm.s32 $0x1500;
	[sflag:s19] =	ssyncadd.s32 $0xFFFFC000  }
0x4d: {  	[spmem:s1] =	stream.indirect.scatter.add.f32 [tilespmem:s17], [sflag:$0x3], $0x80, s0, s16, $0xb8;
	[tilespmem:$0x1E400] =	vst v63  }
0x4e: {  	_ =	swait.ge [sflag:s20], $0x4000  }
0x4f: {  	[sflag:s20] =	ssyncset.done $0x0  }
0x50: {  	s0 =	simm.s32 $0x200;
	[sflag:s20] =	ssyncadd.s32 $0xFFFFC000  }
0x51: {  	[tilespmem:s17], [sflag:$0x1] =	stream.indirect.gather [hbm4b:s4+s16], $0x80, s0, s16, $0xb8;
	[tilespmem:$0x1E400] =	vst v63  }
0x52: {  	_ =	swait.ge [sflag:s22], $0x4000  }
0x53: {  	[sflag:s22] =	ssyncset.done $0x0  }
0x54: {  	s31 =	simm.s32 $0x1580;
	s30 =	simm.s32 $0xFFFFBC00;
	[sflag:s22] =	ssyncadd.s32 $0xFFFFC000  }
.LBB2_4:
0x55: {  	[spmem:s1] =	stream.indirect.scatter.add.f32 [tilespmem:s18], [sflag:$0x4], $0x80, s31, s16, $0xb8;
	[tilespmem:$0x1E400] =	vst v63  }
0x56: {  	s0 =	smov.u32 s30  }
0x57: {  	p0 =	sne.s32 s30, $0xFFFFFC00;
	s30 =	sadd.s32 $0x400, s30;
	_ =	swait.ge [sflag:s24], $0x4000  }
0x58: {  	s0 =	sshra.s32 s0, $0x2;
	[sflag:s24] =	ssyncset.done $0x0  }
0x59: {  	s31 =	sadd.s32 $0x1380, s0;
	[sflag:s24] =	ssyncadd.s32 $0xFFFFC000  }
0x5a: {  	[tilespmem:s18], [sflag:$0x2] =	stream.indirect.gather [hbm4b:s4+s16], $0x80, s31, s16, $0xb8;
	[tilespmem:$0x1E400] =	vst v63  }
0x5b: {  	_ =	swait.ge [sflag:s19], $0x4000  }
0x5c: {  	[sflag:s19] =	ssyncset.done $0x0  }
0x5d: {  	s31 =	sadd.s32 $0x2700, s0;
	[sflag:s19] =	ssyncadd.s32 $0xFFFFC000  }
0x5e: {  	[spmem:s1] =	stream.indirect.scatter.add.f32 [tilespmem:s17], [sflag:$0x3], $0x80, s31, s16, $0xb8;
	[tilespmem:$0x1E400] =	vst v63  }
0x5f: {  	_ =	swait.ge [sflag:s20], $0x4000  }
0x60: {  	[sflag:s20] =	ssyncset.done $0x0  }
.Ltmp1:
0x61: {  	s31 =	sadd.s32 $0x1400, s0;
	[sflag:s20] =	ssyncadd.s32 $0xFFFFC000;
	(pc) =	sbr.rel @p0 .LBB2_4-.Ltmp1, $4  }
0x62: {  	[tilespmem:s17], [sflag:$0x1] =	stream.indirect.gather [hbm4b:s4+s16], $0x80, s31, s16, $0xb8;
	[tilespmem:$0x1E400] =	vst v63  }
0x63: {  	_ =	swait.ge [sflag:s22], $0x4000  }
0x64: {  	[sflag:s22] =	ssyncset.done $0x0  }
0x65: {  	s31 =	sadd.s32 $0x2780, s0;
	[sflag:s22] =	ssyncadd.s32 $0xFFFFC000  }
0x66: {  	[spmem:s1] =	stream.indirect.scatter.add.f32 [tilespmem:s18], [sflag:$0x4], $0x80, s31, s16, $0xb8;
	[tilespmem:$0x1E400] =	vst v63  }
0x67: {  	_ =	swait.ge [sflag:s24], $0x4000  }
0x68: {  	[sflag:s24] =	ssyncset.done $0x0  }
0x69: {  	[sflag:s24] =	ssyncadd.s32 $0xFFFFC000  }
0x6a: {  	[tilespmem:s18], [sflag:$0x2] =	stream.indirect.gather [hbm4b:s4+s16], $0x80, s25, s16, $0xb8;
	[tilespmem:$0x1E400] =	vst v63  }
0x6b: {  	_ =	swait.ge [sflag:s19], $0x4000  }
0x6c: {  	[sflag:s19] =	ssyncset.done $0x0  }
0x6d: {  	[sflag:s19] =	ssyncadd.s32 $0xFFFFC000  }
0x6e: {  	[spmem:s1] =	stream.indirect.scatter.add.f32 [tilespmem:s17], [sflag:$0x3], $0x80, s26, s16, $0xb8;
	[tilespmem:$0x1E400] =	vst v63  }
0x6f: {  	_ =	swait.ge [sflag:s20], $0x4000  }
0x70: {  	[sflag:s20] =	ssyncset.done $0x0  }
0x71: {  	[sflag:s20] =	ssyncadd.s32 $0xFFFFC000  }
0x72: {  	_ =	swait.ge [sflag:s22], $0x4000  }
0x73: {  	[sflag:s22] =	ssyncset.done $0x0  }
0x74: {  	[sflag:s22] =	ssyncadd.s32 $0xFFFFC000  }
0x75: {  	[spmem:s1] =	stream.indirect.scatter.add.f32 [tilespmem:s18], [sflag:$0x4], $0x80, s28, s16, $0xb8;
	[tilespmem:$0x1E400] =	vst v63  }
0x76: {  	_ =	swait.ge [sflag:s24], $0x4000  }
0x77: {  	[sflag:s24] =	ssyncset.done $0x0  }
0x78: {  	s0 =	simm.s32 $0x0;
	[sflag:s24] =	ssyncadd.s32 $0xFFFFC000  }
0x79: {  	[tilespmem:s0], [sflag:$0x5] =	stream.linear.gather [hbm4b:s9+s0], $0x1400, $0x38;
	[tilespmem:$0x1E400] =	vst v63  }
0x7a: {  	_ =	swait.ge [sflag:s14], $0x1400  }
0x7b: {  	[sflag:s14] =	ssyncset.done $0x0  }
0x7c: {  	[sflag:s14] =	ssyncadd.s32 $0xFFFFEC00  }
0x7d: {  	[tilespmem:s15], [sflag:$0x5] =	stream.linear.gather [hbm4b:s10+s0], $0x1400, $0x38;
	[tilespmem:$0x1E400] =	vst v63  }
0x7e: {  	_ =	swait.ge [sflag:s14], $0x1400  }
0x7f: {  	[sflag:s14] =	ssyncset.done $0x0  }
0x80: {  	s30 =	simm.s32 $0x0;
	[sflag:s14] =	ssyncadd.s32 $0xFFFFEC00  }
0x81: {  	v3 =	vld [tilespmem:s30+$0x0]  }
0x82: {  	v5 =	vld [tilespmem:s30+$0x10]  }
0x83: {  	v4 =	vld [tilespmem:s30+$0x20]  }
0x84: {  	v2 =	vld [tilespmem:s30+$0x30]  }
0x85: {  	v1 =	vld [tilespmem:s30+$0x40]  }
0x86: {  	v6 =	vadd.s32 v0, v3;
	v3 =	vld [tilespmem:s30+$0x50]  }
0x87: {  	s31 =	simm.s32 $0x200;
	[tilespmem:s30+$0x0] =	vst v6;
	v6 =	vadd.s32 v0, v5;
	v5 =	vld [tilespmem:s30+$0x60]  }
.LBB2_6:
0x88: {  	s0 =	sshra.s32 s31, $0x2;
	p0 =	sne.s32 s31, $0x4E00;
	[tilespmem:s30+$0x10] =	vst v6;
	v4 =	vadd.s32 v0, v4;
	v6 =	vld [tilespmem:s30+$0x70]  }
0x89: {  	v7 =	vld [tilespmem:s0+$0x0];
	[tilespmem:s30+$0x20] =	vst v4;
	v2 =	vadd.s32 v0, v2  }
0x8a: {  	v8 =	vld [tilespmem:s0+$0x10];
	[tilespmem:s30+$0x30] =	vst v2;
	v1 =	vadd.s32 v0, v1  }
.Ltmp2:
0x8b: {  	v4 =	vld [tilespmem:s0+$0x20];
	[tilespmem:s30+$0x40] =	vst v1;
	v1 =	vadd.s32 v0, v3;
	(pc) =	sbr.rel @p0 .LBB2_6-.Ltmp2, $4  }
0x8c: {  	v2 =	vld [tilespmem:s0+$0x30];
	[tilespmem:s30+$0x50] =	vst v1;
	v3 =	vadd.s32 v0, v5  }
0x8d: {  	v1 =	vld [tilespmem:s0+$0x40];
	[tilespmem:s30+$0x60] =	vst v3;
	v5 =	vadd.s32 v0, v6  }
0x8e: {  	v6 =	vadd.s32 v0, v7;
	v3 =	vld [tilespmem:s0+$0x50];
	[tilespmem:s30+$0x70] =	vst v5;
	s30 =	smov.u32 s0  }
0x8f: {  	s31 =	sadd.s32 $0x200, s31;
	[tilespmem:s30+$0x0] =	vst v6;
	v6 =	vadd.s32 v0, v8;
	v5 =	vld [tilespmem:s30+$0x60]  }
0x90: {  	[tilespmem:s30+$0x10] =	vst v6;
	v4 =	vadd.s32 v0, v4;
	v63 =	vld [tilespmem:s30+$0x70]  }
0x91: {  	[tilespmem:s30+$0x20] =	vst v4;
	v2 =	vadd.s32 v0, v2  }
0x92: {  	[tilespmem:s30+$0x30] =	vst v2;
	v1 =	vadd.s32 v0, v1  }
0x93: {  	[tilespmem:s30+$0x40] =	vst v1;
	v1 =	vadd.s32 v0, v3  }
0x94: {  	[tilespmem:s30+$0x50] =	vst v1;
	v1 =	vadd.s32 v0, v5  }
0x95: {  	[tilespmem:s30+$0x60] =	vst v1;
	v1 =	vadd.s32 v0, v63  }
0x96: {  	[tilespmem:s30+$0x70] =	vst v1  }
0x97: {  	[tilespmem:s17], [sflag:$0x1] =	stream.indirect.gather [hbm4b:s4+s16], $0x80, s3, s16, $0xb8;
	[tilespmem:$0x1E400] =	vst v63  }
0x98: {  	_ = 	snop  }
0x99: {  	[tilespmem:s18], [sflag:$0x2] =	stream.indirect.gather [hbm4b:s4+s16], $0x80, s16, s16, $0xb8;
	[tilespmem:$0x1E400] =	vst v63  }
0x9a: {  	_ =	swait.ge [sflag:s19], $0x4000  }
0x9b: {  	[sflag:s19] =	ssyncset.done $0x0  }
0x9c: {  	[sflag:s19] =	ssyncadd.s32 $0xFFFFC000  }
0x9d: {  	[spmem:s1] =	stream.indirect.scatter.add.f32 [tilespmem:s17], [sflag:$0x3], $0x80, s15, s16, $0xb8;
	[tilespmem:$0x1E400] =	vst v63  }
0x9e: {  	_ =	swait.ge [sflag:s20], $0x4000  }
0x9f: {  	[sflag:s20] =	ssyncset.done $0x0  }
0xa0: {  	[sflag:s20] =	ssyncadd.s32 $0xFFFFC000  }
0xa1: {  	[tilespmem:s17], [sflag:$0x1] =	stream.indirect.gather [hbm4b:s4+s16], $0x80, s21, s16, $0xb8;
	[tilespmem:$0x1E400] =	vst v63  }
0xa2: {  	_ =	swait.ge [sflag:s22], $0x4000  }
0xa3: {  	[sflag:s22] =	ssyncset.done $0x0  }
0xa4: {  	[sflag:s22] =	ssyncadd.s32 $0xFFFFC000  }
0xa5: {  	[spmem:s1] =	stream.indirect.scatter.add.f32 [tilespmem:s18], [sflag:$0x4], $0x80, s23, s16, $0xb8;
	[tilespmem:$0x1E400] =	vst v63  }
0xa6: {  	_ =	swait.ge [sflag:s24], $0x4000  }
0xa7: {  	[sflag:s24] =	ssyncset.done $0x0  }
0xa8: {  	s0 =	simm.s32 $0x180;
	[sflag:s24] =	ssyncadd.s32 $0xFFFFC000  }
0xa9: {  	[tilespmem:s18], [sflag:$0x2] =	stream.indirect.gather [hbm4b:s4+s16], $0x80, s0, s16, $0xb8;
	[tilespmem:$0x1E400] =	vst v63  }
0xaa: {  	_ =	swait.ge [sflag:s19], $0x4000  }
0xab: {  	[sflag:s19] =	ssyncset.done $0x0  }
0xac: {  	s0 =	simm.s32 $0x1500;
	[sflag:s19] =	ssyncadd.s32 $0xFFFFC000  }
0xad: {  	[spmem:s1] =	stream.indirect.scatter.add.f32 [tilespmem:s17], [sflag:$0x3], $0x80, s0, s16, $0xb8;
	[tilespmem:$0x1E400] =	vst v63  }
0xae: {  	_ =	swait.ge [sflag:s20], $0x4000  }
0xaf: {  	[sflag:s20] =	ssyncset.done $0x0  }
0xb0: {  	s0 =	simm.s32 $0x200;
	[sflag:s20] =	ssyncadd.s32 $0xFFFFC000  }
0xb1: {  	[tilespmem:s17], [sflag:$0x1] =	stream.indirect.gather [hbm4b:s4+s16], $0x80, s0, s16, $0xb8;
	[tilespmem:$0x1E400] =	vst v63  }
0xb2: {  	_ =	swait.ge [sflag:s22], $0x4000  }
0xb3: {  	[sflag:s22] =	ssyncset.done $0x0  }
0xb4: {  	s31 =	simm.s32 $0x1580;
	s30 =	simm.s32 $0xFFFFBC00;
	[sflag:s22] =	ssyncadd.s32 $0xFFFFC000  }
.LBB2_8:
0xb5: {  	[spmem:s1] =	stream.indirect.scatter.add.f32 [tilespmem:s18], [sflag:$0x4], $0x80, s31, s16, $0xb8;
	[tilespmem:$0x1E400] =	vst v63  }
0xb6: {  	s0 =	smov.u32 s30  }
0xb7: {  	p0 =	sne.s32 s30, $0xFFFFFC00;
	s30 =	sadd.s32 $0x400, s30;
	_ =	swait.ge [sflag:s24], $0x4000  }
0xb8: {  	s0 =	sshra.s32 s0, $0x2;
	[sflag:s24] =	ssyncset.done $0x0  }
0xb9: {  	s31 =	sadd.s32 $0x1380, s0;
	[sflag:s24] =	ssyncadd.s32 $0xFFFFC000  }
0xba: {  	[tilespmem:s18], [sflag:$0x2] =	stream.indirect.gather [hbm4b:s4+s16], $0x80, s31, s16, $0xb8;
	[tilespmem:$0x1E400] =	vst v63  }
0xbb: {  	_ =	swait.ge [sflag:s19], $0x4000  }
0xbc: {  	[sflag:s19] =	ssyncset.done $0x0  }
0xbd: {  	s31 =	sadd.s32 $0x2700, s0;
	[sflag:s19] =	ssyncadd.s32 $0xFFFFC000  }
0xbe: {  	[spmem:s1] =	stream.indirect.scatter.add.f32 [tilespmem:s17], [sflag:$0x3], $0x80, s31, s16, $0xb8;
	[tilespmem:$0x1E400] =	vst v63  }
0xbf: {  	_ =	swait.ge [sflag:s20], $0x4000  }
0xc0: {  	[sflag:s20] =	ssyncset.done $0x0  }
.Ltmp3:
0xc1: {  	s31 =	sadd.s32 $0x1400, s0;
	[sflag:s20] =	ssyncadd.s32 $0xFFFFC000;
	(pc) =	sbr.rel @p0 .LBB2_8-.Ltmp3, $4  }
0xc2: {  	[tilespmem:s17], [sflag:$0x1] =	stream.indirect.gather [hbm4b:s4+s16], $0x80, s31, s16, $0xb8;
	[tilespmem:$0x1E400] =	vst v63  }
0xc3: {  	_ =	swait.ge [sflag:s22], $0x4000  }
0xc4: {  	[sflag:s22] =	ssyncset.done $0x0  }
0xc5: {  	s31 =	sadd.s32 $0x2780, s0;
	[sflag:s22] =	ssyncadd.s32 $0xFFFFC000  }
0xc6: {  	[spmem:s1] =	stream.indirect.scatter.add.f32 [tilespmem:s18], [sflag:$0x4], $0x80, s31, s16, $0xb8;
	[tilespmem:$0x1E400] =	vst v63  }
0xc7: {  	_ =	swait.ge [sflag:s24], $0x4000  }
0xc8: {  	[sflag:s24] =	ssyncset.done $0x0  }
0xc9: {  	[sflag:s24] =	ssyncadd.s32 $0xFFFFC000  }
0xca: {  	[tilespmem:s18], [sflag:$0x2] =	stream.indirect.gather [hbm4b:s4+s16], $0x80, s25, s16, $0xb8;
	[tilespmem:$0x1E400] =	vst v63  }
0xcb: {  	_ =	swait.ge [sflag:s19], $0x4000  }
0xcc: {  	[sflag:s19] =	ssyncset.done $0x0  }
0xcd: {  	[sflag:s19] =	ssyncadd.s32 $0xFFFFC000  }
0xce: {  	[spmem:s1] =	stream.indirect.scatter.add.f32 [tilespmem:s17], [sflag:$0x3], $0x80, s26, s16, $0xb8;
	[tilespmem:$0x1E400] =	vst v63  }
0xcf: {  	_ =	swait.ge [sflag:s20], $0x4000  }
0xd0: {  	[sflag:s20] =	ssyncset.done $0x0  }
0xd1: {  	[sflag:s20] =	ssyncadd.s32 $0xFFFFC000  }
0xd2: {  	_ =	swait.ge [sflag:s22], $0x4000  }
0xd3: {  	[sflag:s22] =	ssyncset.done $0x0  }
0xd4: {  	[sflag:s22] =	ssyncadd.s32 $0xFFFFC000  }
0xd5: {  	[spmem:s1] =	stream.indirect.scatter.add.f32 [tilespmem:s18], [sflag:$0x4], $0x80, s28, s16, $0xb8;
	[tilespmem:$0x1E400] =	vst v63  }
0xd6: {  	_ =	swait.ge [sflag:s24], $0x4000  }
0xd7: {  	s29 =	sadd.s32 $0x1, s29;
	[sflag:s24] =	ssyncset.done $0x0  }
0xd8: {  	p0 =	sne.s32 s29, s12;
	[sflag:s24] =	ssyncadd.s32 $0xFFFFC000  }
.Ltmp4:
0xd9: {  	[bflag:$0x0] =	sbarrier.arrive $0xFFFF;
	(pc) =	sbr.rel @p0 .LBB2_1-.Ltmp4, $4  }
0xda: {  	[hbm:s11], [sflag:s6] =	dma.local [spmem:s13], $0x2780  }
0xdb: {  	_ =	swait.ge [sflag:s14], $0x2780  }
0xdc: {  	[sflag:s14] =	ssyncset.done $0x0  }
0xdd: {  	[sflag:s14] =	ssyncadd.s32 $0xFFFFD880  }
0xde: {  	_ =	sfence.sel $0x180000  }
0xdf: {  	[bflag:$0x0] =	sbarrier.arrive $0xFFFF  }
0xe0: {  	_ =	strace $0x9000004A  }
0xe1: {  	[bflag:$0x2] =	sbarrier.arrive $0xFFFF  }
0xe2: {  	p0 =	sne.s32 s2, $0x0;
	s0 =	rddreg [dreg:$0x2]  }
0xe3: {  	s0 =	sadd.s32 @!p0 $0x100000, s0  }
0xe4: {  	[sflag:s0] =	ssyncadd.tile.s32 @!p0 $0x1;
	_ =	shalt  }
.Lfunc_end2:
_tile_overlayer_lowered:
.L_overlay_start_2:
0xe5: {  	(tag) =	ssettag $0x2  }
0xe6: {  	s0 =	rddreg [dreg:$0x0];
	s2 =	stileid.u32  }
0xe7: {  	s1 =	rddreg [dreg:$0x1];
	p0 =	sne.s32 s2, $0x0  }
0xe8: {  	s3 =	rddreg [dreg:$0x2];
	[bflag:$0x3] =	sbarrier.arrive $0xFFFF;
	s2 =	simm.s32 @!p0 $0x1C05  }
0xe9: {  	[timem:s3], [sflag:s2] =	dma.local @!p0 [hbm:s0], s1  }
0xea: {  	s0 =	simm.s32 @!p0 $0x5  }
0xeb: {  	_ =	swait.ge @!p0 [sflag:s0], s1  }
0xec: {  	s1 =	ssub.s32 @!p0 $0x0, s1;
	[sflag:s0] =	ssyncset.done @!p0 $0x0  }
0xed: {  	[sflag:s0] =	ssyncadd.s32 @!p0 s1  }
0xee: {  	[bflag:$0x3] =	sbarrier.arrive $0xFFFF  }
0xef: {  	_ =	shalt  }

// kernel: kernel.15.cloned.1.call-start
scs
__scs_entry_jumppad:
0x0: {  	(pc) =	sbr.rel $0x88, $3  }
0x1: {  	(tag) =	ssettag $0x0;
	lr =	simm.s32 $0x1  }
0x2: {  	[smem:$0x3F95] =	sst lr;
	_ =	strace $0xD0000000  }
0x3: {  	_ = 	snop  }
0x4: {  	_ = 	snop  }
0x5: {  	_ = 	snop  }
0x6: {  	_ = 	snop  }
0x7: {  	_ = 	snop  }
__scs_overlays_trampoline_lowered:
0x8: {  	[smem:$0x3FA4] =	sst s0  }
0x9: {  	[smem:$0x3FA5] =	sst s1  }
0xa: {  	[smem:$0x3FA6] =	sst s2  }
0xb: {  	[smem:$0x3FA7] =	sst s3  }
0xc: {  	[smem:$0x3FA8] =	sst s4  }
0xd: {  	[smem:$0x3FA9] =	sst s5  }
0xe: {  	[smem:$0x3FAA] =	sst s6  }
0xf: {  	[smem:$0x3FAB] =	sst s7  }
0x10: {  	[smem:$0x3FAC] =	sst s8  }
0x11: {  	[smem:$0x3FAD] =	sst s9;
	s0 =	simm.s32 @!p0 $0x0  }
0x12: {  	s1 =	sld [smem:$0x3F93];
	s0 =	simm.s32 @p0 $0x1  }
0x13: {  	[smem:$0x3FAE] =	sst s0;
	s0 =	simm.s32 @!p1 $0x0  }
0x14: {  	s2 =	sld [smem:$0x3F92];
	s0 =	simm.s32 @p1 $0x1  }
0x15: {  	[smem:$0x3FAF] =	sst s0;
	s0 =	simm.s32 @!p2 $0x0  }
0x16: {  	s3 =	sld [smem:$0x3FDB];
	s0 =	simm.s32 @p2 $0x1  }
0x17: {  	s4 =	simm.s32 $0x1BF5;
	[smem:$0x3FB1] =	sst s0  }
0x18: {  	s0 =	sld [smem:$0x3F94];
	_ =	swait.ge [sflag:s4], $0x0  }
0x19: {  	s7 =	sld [smem:$0x3F95]  }
0x1a: {  	s8 =	sadd.s32 $0xFFFFE003, lr  }
0x1b: {  	s9 =	sadd.s32 $0xFFFFFEF7, lr;
	s5 =	simm.s32 $0xFFFFFFFF;
	p2 =	slt.u32 s8, $0xFFFFF086  }
0x1c: {  	p1 =	slt.u32 s9, $0xF7A;
	s5 =	simm.s32 @!p2 $0x0  }
0x1d: {  	s5 =	simm.s32 @p1 $0x1;
	p0 =	seq.s32 s7, s2  }
0x1e: {  	s7 =	smul.u32 @!p0 $0xF7A, s2;
	p2 =	seq.s32 @!p0 s5, $0x0  }
0x1f: {  	s9 =	smul.u32 $0xF7A, s1;
	s8 =	simm.s32 @!p0 $0x1BF5;
	p2 =	por !p2, p0  }
0x20: {  	[sflag:s8] =	ssyncset.s32 @!p0 $0xFFFFF086;
	s6 =	sadd.s32 @!p0 s3, s7;
	s7 =	simm.s32 @!p0 $0x108  }
0x21: {  	s3 =	sadd.s32 s3, s9;
	s6 =	sadd.s32 @!p0 $0x88, s6;
	s7 =	simm.s32 @p2 $0x1082  }
0x22: {  	[simem:s7], [sflag:s8] =	dma.local @!p0 [hbm:s6], $0xF7A  }
0x23: {  	s9 =	sor.u32 $0xD0000000, s2;
	s6 =	simm.s32 $0x108;
	_ =	swait.ge @!p0 [sflag:s8], $0x0  }
0x24: {  	s3 =	sadd.s32 $0x88, s3;
	s6 =	simm.s32 @!p1 $0x1082;
	[sflag:s4] =	ssyncset.s32 $0xFFFFF086  }
0x25: {  	[simem:s6], [sflag:s4] =	dma.local [hbm:s3], $0xF7A  }
0x26: {  	[smem:$0x3F95] =	sst s1;
	(tag) =	ssettag s2;
	_ =	strace s9  }
0x27: {  	s1 =	sld [smem:$0x3FA5]  }
0x28: {  	s2 =	sld [smem:$0x3FA6]  }
0x29: {  	s4 =	sld [smem:$0x3FA8]  }
0x2a: {  	p0 =	seq.s32 s5, $0x0;
	s5 =	sld [smem:$0x3FA9]  }
0x2b: {  	s6 =	sld [smem:$0x3FAA]  }
0x2c: {  	s7 =	sld [smem:$0x3FAB]  }
0x2d: {  	s3 =	simm.s32 $0x108;
	s8 =	sld [smem:$0x3FAC]  }
0x2e: {  	s3 =	simm.s32 @!p0 $0x1082;
	s9 =	sld [smem:$0x3FAD]  }
0x2f: {  	lr =	sadd.s32 s0, s3;
	s0 =	sld [smem:$0x3FA4]  }
0x30: {  	s3 =	sld [smem:$0x3FA7]  }
0x31: {  	[smem:$0x3FB0] =	sst s10  }
0x32: {  	s10 =	sld [smem:$0x3FAE];
	_ =	sdelay $0x3  }
0x33: {  	p0 =	seq.s32 s10, $0x1;
	s10 =	sld [smem:$0x3FB0];
	_ =	sdelay $0x3  }
0x34: {  	[smem:$0x3FB0] =	sst s10  }
0x35: {  	s10 =	sld [smem:$0x3FAF];
	_ =	sdelay $0x3  }
0x36: {  	p1 =	seq.s32 s10, $0x1;
	s10 =	sld [smem:$0x3FB0];
	_ =	sdelay $0x3  }
0x37: {  	[smem:$0x3FB0] =	sst s10  }
0x38: {  	s10 =	sld [smem:$0x3FB1]  }
0x39: {  	_ = 	snop;
	(pc) =	sbr.ind lr, $3  }
0x3a: {  	_ = 	snop  }
0x3b: {  	_ = 	snop  }
0x3c: {  	p2 =	seq.s32 s10, $0x1;
	s10 =	sld [smem:$0x3FB0]  }
0x3d: {  	_ =	shalt  }
0x3e: {  	_ =	shalt  }
0x3f: {  	_ =	shalt  }
0x40: {  	_ =	shalt  }
0x41: {  	_ =	shalt  }
0x42: {  	_ =	shalt  }
0x43: {  	_ =	shalt  }
0x44: {  	_ =	shalt  }
0x45: {  	_ =	shalt  }
0x46: {  	_ =	shalt  }
0x47: {  	_ =	shalt  }
0x48: {  	_ =	shalt  }
0x49: {  	_ =	shalt  }
0x4a: {  	_ =	shalt  }
0x4b: {  	_ =	shalt  }
0x4c: {  	_ =	shalt  }
0x4d: {  	_ =	shalt  }
0x4e: {  	_ =	shalt  }
0x4f: {  	_ =	shalt  }
0x50: {  	_ =	shalt  }
0x51: {  	_ =	shalt  }
0x52: {  	_ =	shalt  }
0x53: {  	_ =	shalt  }
0x54: {  	_ =	shalt  }
0x55: {  	_ =	shalt  }
0x56: {  	_ =	shalt  }
0x57: {  	_ =	shalt  }
0x58: {  	_ =	shalt  }
0x59: {  	_ =	shalt  }
0x5a: {  	_ =	shalt  }
0x5b: {  	_ =	shalt  }
0x5c: {  	_ =	shalt  }
0x5d: {  	_ =	shalt  }
0x5e: {  	_ =	shalt  }
0x5f: {  	_ =	shalt  }
0x60: {  	_ =	shalt  }
0x61: {  	_ =	shalt  }
0x62: {  	_ =	shalt  }
0x63: {  	_ =	shalt  }
0x64: {  	_ =	shalt  }
0x65: {  	_ =	shalt  }
0x66: {  	_ =	shalt  }
0x67: {  	_ =	shalt  }
0x68: {  	_ =	shalt  }
0x69: {  	_ =	shalt  }
0x6a: {  	_ =	shalt  }
0x6b: {  	_ =	shalt  }
0x6c: {  	_ =	shalt  }
0x6d: {  	_ =	shalt  }
0x6e: {  	_ =	shalt  }
0x6f: {  	_ =	shalt  }
0x70: {  	_ =	shalt  }
0x71: {  	_ =	shalt  }
0x72: {  	_ =	shalt  }
0x73: {  	_ =	shalt  }
0x74: {  	_ =	shalt  }
0x75: {  	_ =	shalt  }
0x76: {  	_ =	shalt  }
0x77: {  	_ =	shalt  }
0x78: {  	_ =	shalt  }
0x79: {  	_ =	shalt  }
0x7a: {  	_ =	shalt  }
0x7b: {  	_ =	shalt  }
0x7c: {  	_ =	shalt  }
0x7d: {  	_ =	shalt  }
0x7e: {  	_ =	shalt  }
0x7f: {  	_ =	shalt  }
0x80: {  	_ =	shalt  }
0x81: {  	_ =	shalt  }
0x82: {  	_ =	shalt  }
0x83: {  	_ =	shalt  }
0x84: {  	_ =	shalt  }
0x85: {  	_ =	shalt  }
0x86: {  	_ =	shalt  }
0x87: {  	_ =	shalt  }
.Lfunc_end0:
.L_simem_size_0:
called_computation.2_lowered:
.L_overlay_start_0:
0x88: {  	s2 =	sld [smem:$0x3FD9]  }
0x89: {  	s3 =	sld [smem:$0x3FFE];
	_ =	sdelay $0x1  }
0x8a: {  	s1 =	srdreg.scid  }
0x8b: {  	s0 =	sand.u32 $0x1, s1  }
0x8c: {  	s16 =	sshll.u32 s0, $0xA;
	s2 =	sadd.s32 s3, s2  }
0x8d: {  	s2 =	sadd.s32 s2, s16  }
0x8e: {  	[smem:$0x3FBC] =	sst s2  }
0x8f: {  	_ = 	snop  }
0x90: {  	(tm) =	ssettm $0x1  }
0x91: {  	s17 =	sld [smem:$0x3FFB];
	_ =	sdelay $0x3  }
0x92: {  	_ =	strace s17  }
0x93: {  	s2 =	sld [smem:$0x3FFC];
	_ =	sdelay $0x3  }
0x94: {  	_ =	strace s2  }
0x95: {  	s2 =	sld [smem:$0x3FFD];
	_ =	sdelay $0x3  }
0x96: {  	_ =	strace s2  }
0x97: {  	_ =	strace $0x8FFFFFFF  }
0x98: {  	s18 =	sld [smem:$0x3FDB];
	_ =	sdelay $0x1  }
0x99: {  	s19 =	simm.s32 $_scs_section_size  }
0x9a: {  	s4 =	simm.s32 $_size__tile_overlayer_lowered;
	s5 =	simm.s32 $_tile_overlayer_lowered  }
0x9b: {  	s22 =	simm.s32 $0x1BFF;
	s21 =	sshll.u32 s5, $0x1;
	s2 =	sadd.s32 s19, s18  }
0x9c: {  	s6 =	simm.s32 $0x0;
	s20 =	sshll.u32 s4, $0x1;
	s4 =	sadd.s32 s21, s2  }
0x9d: {  	[timem:s6], [sflag:s22] =	dma.local [hbm:s4], s20  }
0x9e: {  	_ =	swait.ge [sflag:s22], s20  }
0x9f: {  	s3 =	ssub.s32 $0x0, s20;
	[sflag:s22] =	ssyncset.done $0x0  }
0xa0: {  	[sflag:s22] =	ssyncadd.s32 s3;
	_ =	sdelay $0x1  }
0xa1: {  	s23 =	simm.s32 $0x1B8B  }
0xa2: {  	_ =	swait.ge [sflag:s23], $0x1  }
0xa3: {  	[sflag:s23] =	ssyncset.done $0x0  }
0xa4: {  	s25 =	simm.s32 $0x1B8E;
	s24 =	sld [smem:$0x3FFE];
	[sflag:s23] =	ssyncadd.s32 $0xFFFFFFFF  }
0xa5: {  	s26 =	simm.s32 $execute0_lowered;
	[smem:$0x3FD2] =	sst s25  }
0xa6: {  	s4 =	sshll.u32 s26, $0x1;
	_ =	strace $0x8000004C;
	[dreg:$0x1] =	wrdreg $0xFFFFFFFF  }
0xa7: {  	s28 =	simm.s32 $_size_execute0_lowered;
	s2 =	sadd.s32 s2, s4;
	[dreg:$0x0] =	wrdreg $0x0  }
0xa8: {  	s4 =	sshll.u32 s28, $0x1;
	[dreg:$0x2] =	wrdreg s2  }
0xa9: {  	[dreg:$0x3] =	wrdreg s4  }
0xaa: {  	[dreg:$0x4] =	wrdreg $0xC0  }
0xab: {  	_ =	task [dreg:s6], $0x5FFFF  }
0xac: {  	[dreg:$0x1] =	wrdreg $0xFFFFFFFF  }
0xad: {  	[dreg:$0x0] =	wrdreg $0x60  }
0xae: {  	[dreg:$0x2] =	wrdreg s24  }
0xaf: {  	[dreg:$0x3] =	wrdreg $0xA8000  }
0xb0: {  	[dreg:$0x4] =	wrdreg $0x9  }
0xb1: {  	_ =	task.clear_ibuf [dreg:s6], $0x5FFFF;
	_ =	strace $0x9000004C  }
0xb2: {  	s29 =	simm.s32 $0x9;
	_ =	strace $0x8000004E  }
0xb3: {  	_ =	swait.ge [sflag:s29], $0x1  }
0xb4: {  	[sflag:s29] =	ssyncadd.s32 $0xFFFFFFFF  }
0xb5: {  	_ =	strace $0x9000004E  }
0xb6: {  	_ =	sfence  }
0xb7: {  	s30 =	sld [smem:$0x0];
	_ =	sdelay $0x2  }
0xb8: {  	s31 =	sshll.u32 s1, $0xD;
	s1 =	sshrl.u32 s1, $0x2  }
0xb9: {  	s3 =	sand.u32 $0x4000, s31;
	s1 =	sadd.s32 s1, s30  }
0xba: {  	s0 =	sor.u32 s3, s0;
	s1 =	sshll.u32 s1, $0x11  }
0xbb: {  	s0 =	sor.u32 s1, s0  }
0xbc: {  	s0 =	sadd.s32 $0x8F2B, s0  }
0xbd: {  	[sflag:s0] =	ssyncadd.remote.s32 $0x1  }
0xbe: {  	_ =	sfence.sel $0xFFFF  }
0xbf: {  	[dreg:$0x0] =	wrdreg $0xFFFFFFFF;
	(pc) =	sbr.abs _section_cstart, $3  }
0xc0: {  	[dreg:$0x1] =	wrdreg $0xFFFFFFFF  }
0xc1: {  	_ =	task.clear_ibuf [dreg:s6], $0x2FFFF;
	_ =	strace $0x9FFFFFFF  }
0xc2: {  	(tm) =	ssettm $0x7FFFFFFF  }
0xc3: {  	_ =	shalt  }
tec
execute0_lowered:
.L_overlay_start_1:
0x0: {  	(tag) =	ssettag $0x1  }
0x1: {  	s5 =	rddreg [dreg:$0x0];
	s2 =	srdreg.scid  }
0x2: {  	s1 =	rddreg [dreg:$0x1];
	s6 =	sand.u32 $0x1, s2  }
0x3: {  	s3 =	simm.s32 $0x0;
	s2 =	stileid.u32;
	s7 =	smul.u32 $0x13C000, s6  }
0x4: {  	s16 =	simm.s32 $0x80;
	s17 =	simm.s32 $0x2800;
	s8 =	smul.u32 $0x13C00, s2  }
0x5: {  	s18 =	simm.s32 $0x6800;
	s19 =	simm.s32 $0x1;
	s26 =	smul.u32 $0x2780, s6  }
0x6: {  	s28 =	simm.s32 $0x2780;
	s29 =	simm.s32 $0x0;
	s20 =	smul.u32 $0x4F000, s2  }
0x7: {  	[smem:$0x7FF] =	sst s3;
	s4 =	sadd.s32 $0x5BA00, s5;
	s11 =	smul.u32 $0x278, s2  }
0x8: {  	s9 =	sadd.s32 $0x2200, s5;
	s12 =	sadd.s32 $0x7200, s5;
	s23 =	smul.u32 $0x2800, s2  }
0x9: {  	_ =	strace $0x8000004D;
	s6 =	ssub.s32 $0x2, s6;
	s25 =	smul.u32 $0x500, s2  }
0xa: {  	s30 =	sshll.u32 s2, $0x6;
	s10 =	sshrl.u32 s6, $0x1;
	s7 =	sadd.s32 s8, s7  }
0xb: {  	s14 =	ssub.s32 s6, s10;
	s21 =	sshrl.u32 s20, $0x2;
	s22 =	sadd.s32 s11, s26  }
0xc: {  	s31 =	sshrl.u32 s23, $0x3;
	s6 =	sor.u32 $0x1C05, s30;
	s8 =	sadd.s32 s12, s25  }
0xd: {  	s20 =	simm.s32 $0x3;
	s23 =	simm.s32 $0x1480;
	v0 =	vmov s26;
	s26 =	simm.s32 $0x2700  }
0xe: {  	s7 =	sshrl.u32 s7, $0x3;
	s15 =	sadd.s32 s21, s1;
	s24 =	sshll.u32 s22, $0x4  }
0xf: {  	s10 =	sadd.s32 $0x280, s31;
	s21 =	simm.s32 $0x100;
	s22 =	simm.s32 $0x2  }
0x10: {  	s13 =	sadd.s32 s7, s5;
	s5 =	sadd.s32 s4, s24;
	s7 =	sadd.s32 s9, s25  }
0x11: {  	s9 =	sadd.s32 s9, s10;
	s10 =	sadd.s32 s12, s10;
	s12 =	smax.u32 s14, $0x1  }
0x12: {  	s14 =	simm.s32 $0x5;
	s24 =	simm.s32 $0x4;
	s25 =	simm.s32 $0x1380  }
0x13: {  	s11 =	sadd.s32 $0xAAA00, s13;
	s13 =	sshrl.u32 s15, $0x3;
	s15 =	simm.s32 $0x1400  }
.LBB2_1:
0x14: {  	[spmem:s13], [sflag:s6] =	dma.local [hbm:s5], $0x2780  }
0x15: {  	_ =	swait.ge [sflag:s14], $0x2780  }
0x16: {  	[sflag:s14] =	ssyncset.done $0x0  }
0x17: {  	[sflag:s14] =	ssyncadd.s32 $0xFFFFD880  }
0x18: {  	[bflag:$0x0] =	sbarrier.arrive $0xFFFF  }
0x19: {  	[tilespmem:s3], [sflag:$0x5] =	stream.linear.gather [hbm4b:s7+s3], $0x1400, $0x38;
	[tilespmem:$0x1E400] =	vst v63  }
0x1a: {  	_ =	swait.ge [sflag:s14], $0x1400  }
0x1b: {  	[sflag:s14] =	ssyncset.done $0x0  }
0x1c: {  	[sflag:s14] =	ssyncadd.s32 $0xFFFFEC00  }
0x1d: {  	[tilespmem:s15], [sflag:$0x5] =	stream.linear.gather [hbm4b:s8+s3], $0x1400, $0x38;
	[tilespmem:$0x1E400] =	vst v63  }
0x1e: {  	_ =	swait.ge [sflag:s14], $0x1400  }
0x1f: {  	[sflag:s14] =	ssyncset.done $0x0  }
0x20: {  	s30 =	simm.s32 $0x0;
	[sflag:s14] =	ssyncadd.s32 $0xFFFFEC00  }
0x21: {  	v3 =	vld [tilespmem:s30+$0x0]  }
0x22: {  	v5 =	vld [tilespmem:s30+$0x10]  }
0x23: {  	v4 =	vld [tilespmem:s30+$0x20]  }
0x24: {  	v2 =	vld [tilespmem:s30+$0x30]  }
0x25: {  	v1 =	vld [tilespmem:s30+$0x40]  }
0x26: {  	v6 =	vadd.s32 v0, v3;
	v3 =	vld [tilespmem:s30+$0x50]  }
0x27: {  	s31 =	simm.s32 $0x200;
	[tilespmem:s30+$0x0] =	vst v6;
	v6 =	vadd.s32 v0, v5;
	v5 =	vld [tilespmem:s30+$0x60]  }
.LBB2_2:
0x28: {  	s0 =	sshra.s32 s31, $0x2;
	p0 =	sne.s32 s31, $0x4E00;
	[tilespmem:s30+$0x10] =	vst v6;
	v4 =	vadd.s32 v0, v4;
	v6 =	vld [tilespmem:s30+$0x70]  }
0x29: {  	v7 =	vld [tilespmem:s0+$0x0];
	[tilespmem:s30+$0x20] =	vst v4;
	v2 =	vadd.s32 v0, v2  }
0x2a: {  	v8 =	vld [tilespmem:s0+$0x10];
	[tilespmem:s30+$0x30] =	vst v2;
	v1 =	vadd.s32 v0, v1  }
.Ltmp0:
0x2b: {  	v4 =	vld [tilespmem:s0+$0x20];
	[tilespmem:s30+$0x40] =	vst v1;
	v1 =	vadd.s32 v0, v3;
	(pc) =	sbr.rel @p0 .LBB2_2-.Ltmp0, $4  }
0x2c: {  	v2 =	vld [tilespmem:s0+$0x30];
	[tilespmem:s30+$0x50] =	vst v1;
	v3 =	vadd.s32 v0, v5  }
0x2d: {  	v1 =	vld [tilespmem:s0+$0x40];
	[tilespmem:s30+$0x60] =	vst v3;
	v5 =	vadd.s32 v0, v6  }
0x2e: {  	v6 =	vadd.s32 v0, v7;
	v3 =	vld [tilespmem:s0+$0x50];
	[tilespmem:s30+$0x70] =	vst v5;
	s30 =	smov.u32 s0  }
0x2f: {  	s31 =	sadd.s32 $0x200, s31;
	[tilespmem:s30+$0x0] =	vst v6;
	v6 =	vadd.s32 v0, v8;
	v5 =	vld [tilespmem:s30+$0x60]  }
0x30: {  	[tilespmem:s30+$0x10] =	vst v6;
	v4 =	vadd.s32 v0, v4;
	v63 =	vld [tilespmem:s30+$0x70]  }
0x31: {  	[tilespmem:s30+$0x20] =	vst v4;
	v2 =	vadd.s32 v0, v2  }
0x32: {  	[tilespmem:s30+$0x30] =	vst v2;
	v1 =	vadd.s32 v0, v1  }
0x33: {  	[tilespmem:s30+$0x40] =	vst v1;
	v1 =	vadd.s32 v0, v3  }
0x34: {  	[tilespmem:s30+$0x50] =	vst v1;
	v1 =	vadd.s32 v0, v5  }
0x35: {  	[tilespmem:s30+$0x60] =	vst v1;
	v1 =	vadd.s32 v0, v63  }
0x36: {  	[tilespmem:s30+$0x70] =	vst v1  }
0x37: {  	[tilespmem:s17], [sflag:$0x1] =	stream.indirect.gather [hbm4b:s4+s16], $0x80, s3, s16, $0xb8;
	[tilespmem:$0x1E400] =	vst v63  }
0x38: {  	_ = 	snop  }
0x39: {  	[tilespmem:s18], [sflag:$0x2] =	stream.indirect.gather [hbm4b:s4+s16], $0x80, s16, s16, $0xb8;
	[tilespmem:$0x1E400] =	vst v63  }
0x3a: {  	_ =	swait.ge [sflag:s19], $0x4000  }
0x3b: {  	[sflag:s19] =	ssyncset.done $0x0  }
0x3c: {  	[sflag:s19] =	ssyncadd.s32 $0xFFFFC000  }
0x3d: {  	[spmem:s1] =	stream.indirect.scatter.add.f32 [tilespmem:s17], [sflag:$0x3], $0x80, s15, s16, $0xb8;
	[tilespmem:$0x1E400] =	vst v63  }
0x3e: {  	_ =	swait.ge [sflag:s20], $0x4000  }
0x3f: {  	[sflag:s20] =	ssyncset.done $0x0  }
0x40: {  	[sflag:s20] =	ssyncadd.s32 $0xFFFFC000  }
0x41: {  	[tilespmem:s17], [sflag:$0x1] =	stream.indirect.gather [hbm4b:s4+s16], $0x80, s21, s16, $0xb8;
	[tilespmem:$0x1E400] =	vst v63  }
0x42: {  	_ =	swait.ge [sflag:s22], $0x4000  }
0x43: {  	[sflag:s22] =	ssyncset.done $0x0  }
0x44: {  	[sflag:s22] =	ssyncadd.s32 $0xFFFFC000  }
0x45: {  	[spmem:s1] =	stream.indirect.scatter.add.f32 [tilespmem:s18], [sflag:$0x4], $0x80, s23, s16, $0xb8;
	[tilespmem:$0x1E400] =	vst v63  }
0x46: {  	_ =	swait.ge [sflag:s24], $0x4000  }
0x47: {  	[sflag:s24] =	ssyncset.done $0x0  }
0x48: {  	s0 =	simm.s32 $0x180;
	[sflag:s24] =	ssyncadd.s32 $0xFFFFC000  }
0x49: {  	[tilespmem:s18], [sflag:$0x2] =	stream.indirect.gather [hbm4b:s4+s16], $0x80, s0, s16, $0xb8;
	[tilespmem:$0x1E400] =	vst v63  }
0x4a: {  	_ =	swait.ge [sflag:s19], $0x4000  }
0x4b: {  	[sflag:s19] =	ssyncset.done $0x0  }
0x4c: {  	s0 =	simm.s32 $0x1500;
	[sflag:s19] =	ssyncadd.s32 $0xFFFFC000  }
0x4d: {  	[spmem:s1] =	stream.indirect.scatter.add.f32 [tilespmem:s17], [sflag:$0x3], $0x80, s0, s16, $0xb8;
	[tilespmem:$0x1E400] =	vst v63  }
0x4e: {  	_ =	swait.ge [sflag:s20], $0x4000  }
0x4f: {  	[sflag:s20] =	ssyncset.done $0x0  }
0x50: {  	s0 =	simm.s32 $0x200;
	[sflag:s20] =	ssyncadd.s32 $0xFFFFC000  }
0x51: {  	[tilespmem:s17], [sflag:$0x1] =	stream.indirect.gather [hbm4b:s4+s16], $0x80, s0, s16, $0xb8;
	[tilespmem:$0x1E400] =	vst v63  }
0x52: {  	_ =	swait.ge [sflag:s22], $0x4000  }
0x53: {  	[sflag:s22] =	ssyncset.done $0x0  }
0x54: {  	s31 =	simm.s32 $0x1580;
	s30 =	simm.s32 $0xFFFFBC00;
	[sflag:s22] =	ssyncadd.s32 $0xFFFFC000  }
.LBB2_4:
0x55: {  	[spmem:s1] =	stream.indirect.scatter.add.f32 [tilespmem:s18], [sflag:$0x4], $0x80, s31, s16, $0xb8;
	[tilespmem:$0x1E400] =	vst v63  }
0x56: {  	s0 =	smov.u32 s30  }
0x57: {  	p0 =	sne.s32 s30, $0xFFFFFC00;
	s30 =	sadd.s32 $0x400, s30;
	_ =	swait.ge [sflag:s24], $0x4000  }
0x58: {  	s0 =	sshra.s32 s0, $0x2;
	[sflag:s24] =	ssyncset.done $0x0  }
0x59: {  	s31 =	sadd.s32 $0x1380, s0;
	[sflag:s24] =	ssyncadd.s32 $0xFFFFC000  }
0x5a: {  	[tilespmem:s18], [sflag:$0x2] =	stream.indirect.gather [hbm4b:s4+s16], $0x80, s31, s16, $0xb8;
	[tilespmem:$0x1E400] =	vst v63  }
0x5b: {  	_ =	swait.ge [sflag:s19], $0x4000  }
0x5c: {  	[sflag:s19] =	ssyncset.done $0x0  }
0x5d: {  	s31 =	sadd.s32 $0x2700, s0;
	[sflag:s19] =	ssyncadd.s32 $0xFFFFC000  }
0x5e: {  	[spmem:s1] =	stream.indirect.scatter.add.f32 [tilespmem:s17], [sflag:$0x3], $0x80, s31, s16, $0xb8;
	[tilespmem:$0x1E400] =	vst v63  }
0x5f: {  	_ =	swait.ge [sflag:s20], $0x4000  }
0x60: {  	[sflag:s20] =	ssyncset.done $0x0  }
.Ltmp1:
0x61: {  	s31 =	sadd.s32 $0x1400, s0;
	[sflag:s20] =	ssyncadd.s32 $0xFFFFC000;
	(pc) =	sbr.rel @p0 .LBB2_4-.Ltmp1, $4  }
0x62: {  	[tilespmem:s17], [sflag:$0x1] =	stream.indirect.gather [hbm4b:s4+s16], $0x80, s31, s16, $0xb8;
	[tilespmem:$0x1E400] =	vst v63  }
0x63: {  	_ =	swait.ge [sflag:s22], $0x4000  }
0x64: {  	[sflag:s22] =	ssyncset.done $0x0  }
0x65: {  	s31 =	sadd.s32 $0x2780, s0;
	[sflag:s22] =	ssyncadd.s32 $0xFFFFC000  }
0x66: {  	[spmem:s1] =	stream.indirect.scatter.add.f32 [tilespmem:s18], [sflag:$0x4], $0x80, s31, s16, $0xb8;
	[tilespmem:$0x1E400] =	vst v63  }
0x67: {  	_ =	swait.ge [sflag:s24], $0x4000  }
0x68: {  	[sflag:s24] =	ssyncset.done $0x0  }
0x69: {  	[sflag:s24] =	ssyncadd.s32 $0xFFFFC000  }
0x6a: {  	[tilespmem:s18], [sflag:$0x2] =	stream.indirect.gather [hbm4b:s4+s16], $0x80, s25, s16, $0xb8;
	[tilespmem:$0x1E400] =	vst v63  }
0x6b: {  	_ =	swait.ge [sflag:s19], $0x4000  }
0x6c: {  	[sflag:s19] =	ssyncset.done $0x0  }
0x6d: {  	[sflag:s19] =	ssyncadd.s32 $0xFFFFC000  }
0x6e: {  	[spmem:s1] =	stream.indirect.scatter.add.f32 [tilespmem:s17], [sflag:$0x3], $0x80, s26, s16, $0xb8;
	[tilespmem:$0x1E400] =	vst v63  }
0x6f: {  	_ =	swait.ge [sflag:s20], $0x4000  }
0x70: {  	[sflag:s20] =	ssyncset.done $0x0  }
0x71: {  	[sflag:s20] =	ssyncadd.s32 $0xFFFFC000  }
0x72: {  	_ =	swait.ge [sflag:s22], $0x4000  }
0x73: {  	[sflag:s22] =	ssyncset.done $0x0  }
0x74: {  	[sflag:s22] =	ssyncadd.s32 $0xFFFFC000  }
0x75: {  	[spmem:s1] =	stream.indirect.scatter.add.f32 [tilespmem:s18], [sflag:$0x4], $0x80, s28, s16, $0xb8;
	[tilespmem:$0x1E400] =	vst v63  }
0x76: {  	_ =	swait.ge [sflag:s24], $0x4000  }
0x77: {  	[sflag:s24] =	ssyncset.done $0x0  }
0x78: {  	s0 =	simm.s32 $0x0;
	[sflag:s24] =	ssyncadd.s32 $0xFFFFC000  }
0x79: {  	[tilespmem:s0], [sflag:$0x5] =	stream.linear.gather [hbm4b:s9+s0], $0x1400, $0x38;
	[tilespmem:$0x1E400] =	vst v63  }
0x7a: {  	_ =	swait.ge [sflag:s14], $0x1400  }
0x7b: {  	[sflag:s14] =	ssyncset.done $0x0  }
0x7c: {  	[sflag:s14] =	ssyncadd.s32 $0xFFFFEC00  }
0x7d: {  	[tilespmem:s15], [sflag:$0x5] =	stream.linear.gather [hbm4b:s10+s0], $0x1400, $0x38;
	[tilespmem:$0x1E400] =	vst v63  }
0x7e: {  	_ =	swait.ge [sflag:s14], $0x1400  }
0x7f: {  	[sflag:s14] =	ssyncset.done $0x0  }
0x80: {  	s30 =	simm.s32 $0x0;
	[sflag:s14] =	ssyncadd.s32 $0xFFFFEC00  }
0x81: {  	v3 =	vld [tilespmem:s30+$0x0]  }
0x82: {  	v5 =	vld [tilespmem:s30+$0x10]  }
0x83: {  	v4 =	vld [tilespmem:s30+$0x20]  }
0x84: {  	v2 =	vld [tilespmem:s30+$0x30]  }
0x85: {  	v1 =	vld [tilespmem:s30+$0x40]  }
0x86: {  	v6 =	vadd.s32 v0, v3;
	v3 =	vld [tilespmem:s30+$0x50]  }
0x87: {  	s31 =	simm.s32 $0x200;
	[tilespmem:s30+$0x0] =	vst v6;
	v6 =	vadd.s32 v0, v5;
	v5 =	vld [tilespmem:s30+$0x60]  }
.LBB2_6:
0x88: {  	s0 =	sshra.s32 s31, $0x2;
	p0 =	sne.s32 s31, $0x4E00;
	[tilespmem:s30+$0x10] =	vst v6;
	v4 =	vadd.s32 v0, v4;
	v6 =	vld [tilespmem:s30+$0x70]  }
0x89: {  	v7 =	vld [tilespmem:s0+$0x0];
	[tilespmem:s30+$0x20] =	vst v4;
	v2 =	vadd.s32 v0, v2  }
0x8a: {  	v8 =	vld [tilespmem:s0+$0x10];
	[tilespmem:s30+$0x30] =	vst v2;
	v1 =	vadd.s32 v0, v1  }
.Ltmp2:
0x8b: {  	v4 =	vld [tilespmem:s0+$0x20];
	[tilespmem:s30+$0x40] =	vst v1;
	v1 =	vadd.s32 v0, v3;
	(pc) =	sbr.rel @p0 .LBB2_6-.Ltmp2, $4  }
0x8c: {  	v2 =	vld [tilespmem:s0+$0x30];
	[tilespmem:s30+$0x50] =	vst v1;
	v3 =	vadd.s32 v0, v5  }
0x8d: {  	v1 =	vld [tilespmem:s0+$0x40];
	[tilespmem:s30+$0x60] =	vst v3;
	v5 =	vadd.s32 v0, v6  }
0x8e: {  	v6 =	vadd.s32 v0, v7;
	v3 =	vld [tilespmem:s0+$0x50];
	[tilespmem:s30+$0x70] =	vst v5;
	s30 =	smov.u32 s0  }
0x8f: {  	s31 =	sadd.s32 $0x200, s31;
	[tilespmem:s30+$0x0] =	vst v6;
	v6 =	vadd.s32 v0, v8;
	v5 =	vld [tilespmem:s30+$0x60]  }
0x90: {  	[tilespmem:s30+$0x10] =	vst v6;
	v4 =	vadd.s32 v0, v4;
	v63 =	vld [tilespmem:s30+$0x70]  }
0x91: {  	[tilespmem:s30+$0x20] =	vst v4;
	v2 =	vadd.s32 v0, v2  }
0x92: {  	[tilespmem:s30+$0x30] =	vst v2;
	v1 =	vadd.s32 v0, v1  }
0x93: {  	[tilespmem:s30+$0x40] =	vst v1;
	v1 =	vadd.s32 v0, v3  }
0x94: {  	[tilespmem:s30+$0x50] =	vst v1;
	v1 =	vadd.s32 v0, v5  }
0x95: {  	[tilespmem:s30+$0x60] =	vst v1;
	v1 =	vadd.s32 v0, v63  }
0x96: {  	[tilespmem:s30+$0x70] =	vst v1  }
0x97: {  	[tilespmem:s17], [sflag:$0x1] =	stream.indirect.gather [hbm4b:s4+s16], $0x80, s3, s16, $0xb8;
	[tilespmem:$0x1E400] =	vst v63  }
0x98: {  	_ = 	snop  }
0x99: {  	[tilespmem:s18], [sflag:$0x2] =	stream.indirect.gather [hbm4b:s4+s16], $0x80, s16, s16, $0xb8;
	[tilespmem:$0x1E400] =	vst v63  }
0x9a: {  	_ =	swait.ge [sflag:s19], $0x4000  }
0x9b: {  	[sflag:s19] =	ssyncset.done $0x0  }
0x9c: {  	[sflag:s19] =	ssyncadd.s32 $0xFFFFC000  }
0x9d: {  	[spmem:s1] =	stream.indirect.scatter.add.f32 [tilespmem:s17], [sflag:$0x3], $0x80, s15, s16, $0xb8;
	[tilespmem:$0x1E400] =	vst v63  }
0x9e: {  	_ =	swait.ge [sflag:s20], $0x4000  }
0x9f: {  	[sflag:s20] =	ssyncset.done $0x0  }
0xa0: {  	[sflag:s20] =	ssyncadd.s32 $0xFFFFC000  }
0xa1: {  	[tilespmem:s17], [sflag:$0x1] =	stream.indirect.gather [hbm4b:s4+s16], $0x80, s21, s16, $0xb8;
	[tilespmem:$0x1E400] =	vst v63  }
0xa2: {  	_ =	swait.ge [sflag:s22], $0x4000  }
0xa3: {  	[sflag:s22] =	ssyncset.done $0x0  }
0xa4: {  	[sflag:s22] =	ssyncadd.s32 $0xFFFFC000  }
0xa5: {  	[spmem:s1] =	stream.indirect.scatter.add.f32 [tilespmem:s18], [sflag:$0x4], $0x80, s23, s16, $0xb8;
	[tilespmem:$0x1E400] =	vst v63  }
0xa6: {  	_ =	swait.ge [sflag:s24], $0x4000  }
0xa7: {  	[sflag:s24] =	ssyncset.done $0x0  }
0xa8: {  	s0 =	simm.s32 $0x180;
	[sflag:s24] =	ssyncadd.s32 $0xFFFFC000  }
0xa9: {  	[tilespmem:s18], [sflag:$0x2] =	stream.indirect.gather [hbm4b:s4+s16], $0x80, s0, s16, $0xb8;
	[tilespmem:$0x1E400] =	vst v63  }
0xaa: {  	_ =	swait.ge [sflag:s19], $0x4000  }
0xab: {  	[sflag:s19] =	ssyncset.done $0x0  }
0xac: {  	s0 =	simm.s32 $0x1500;
	[sflag:s19] =	ssyncadd.s32 $0xFFFFC000  }
0xad: {  	[spmem:s1] =	stream.indirect.scatter.add.f32 [tilespmem:s17], [sflag:$0x3], $0x80, s0, s16, $0xb8;
	[tilespmem:$0x1E400] =	vst v63  }
0xae: {  	_ =	swait.ge [sflag:s20], $0x4000  }
0xaf: {  	[sflag:s20] =	ssyncset.done $0x0  }
0xb0: {  	s0 =	simm.s32 $0x200;
	[sflag:s20] =	ssyncadd.s32 $0xFFFFC000  }
0xb1: {  	[tilespmem:s17], [sflag:$0x1] =	stream.indirect.gather [hbm4b:s4+s16], $0x80, s0, s16, $0xb8;
	[tilespmem:$0x1E400] =	vst v63  }
0xb2: {  	_ =	swait.ge [sflag:s22], $0x4000  }
0xb3: {  	[sflag:s22] =	ssyncset.done $0x0  }
0xb4: {  	s31 =	simm.s32 $0x1580;
	s30 =	simm.s32 $0xFFFFBC00;
	[sflag:s22] =	ssyncadd.s32 $0xFFFFC000  }
.LBB2_8:
0xb5: {  	[spmem:s1] =	stream.indirect.scatter.add.f32 [tilespmem:s18], [sflag:$0x4], $0x80, s31, s16, $0xb8;
	[tilespmem:$0x1E400] =	vst v63  }
0xb6: {  	s0 =	smov.u32 s30  }
0xb7: {  	p0 =	sne.s32 s30, $0xFFFFFC00;
	s30 =	sadd.s32 $0x400, s30;
	_ =	swait.ge [sflag:s24], $0x4000  }
0xb8: {  	s0 =	sshra.s32 s0, $0x2;
	[sflag:s24] =	ssyncset.done $0x0  }
0xb9: {  	s31 =	sadd.s32 $0x1380, s0;
	[sflag:s24] =	ssyncadd.s32 $0xFFFFC000  }
0xba: {  	[tilespmem:s18], [sflag:$0x2] =	stream.indirect.gather [hbm4b:s4+s16], $0x80, s31, s16, $0xb8;
	[tilespmem:$0x1E400] =	vst v63  }
0xbb: {  	_ =	swait.ge [sflag:s19], $0x4000  }
0xbc: {  	[sflag:s19] =	ssyncset.done $0x0  }
0xbd: {  	s31 =	sadd.s32 $0x2700, s0;
	[sflag:s19] =	ssyncadd.s32 $0xFFFFC000  }
0xbe: {  	[spmem:s1] =	stream.indirect.scatter.add.f32 [tilespmem:s17], [sflag:$0x3], $0x80, s31, s16, $0xb8;
	[tilespmem:$0x1E400] =	vst v63  }
0xbf: {  	_ =	swait.ge [sflag:s20], $0x4000  }
0xc0: {  	[sflag:s20] =	ssyncset.done $0x0  }
.Ltmp3:
0xc1: {  	s31 =	sadd.s32 $0x1400, s0;
	[sflag:s20] =	ssyncadd.s32 $0xFFFFC000;
	(pc) =	sbr.rel @p0 .LBB2_8-.Ltmp3, $4  }
0xc2: {  	[tilespmem:s17], [sflag:$0x1] =	stream.indirect.gather [hbm4b:s4+s16], $0x80, s31, s16, $0xb8;
	[tilespmem:$0x1E400] =	vst v63  }
0xc3: {  	_ =	swait.ge [sflag:s22], $0x4000  }
0xc4: {  	[sflag:s22] =	ssyncset.done $0x0  }
0xc5: {  	s31 =	sadd.s32 $0x2780, s0;
	[sflag:s22] =	ssyncadd.s32 $0xFFFFC000  }
0xc6: {  	[spmem:s1] =	stream.indirect.scatter.add.f32 [tilespmem:s18], [sflag:$0x4], $0x80, s31, s16, $0xb8;
	[tilespmem:$0x1E400] =	vst v63  }
0xc7: {  	_ =	swait.ge [sflag:s24], $0x4000  }
0xc8: {  	[sflag:s24] =	ssyncset.done $0x0  }
0xc9: {  	[sflag:s24] =	ssyncadd.s32 $0xFFFFC000  }
0xca: {  	[tilespmem:s18], [sflag:$0x2] =	stream.indirect.gather [hbm4b:s4+s16], $0x80, s25, s16, $0xb8;
	[tilespmem:$0x1E400] =	vst v63  }
0xcb: {  	_ =	swait.ge [sflag:s19], $0x4000  }
0xcc: {  	[sflag:s19] =	ssyncset.done $0x0  }
0xcd: {  	[sflag:s19] =	ssyncadd.s32 $0xFFFFC000  }
0xce: {  	[spmem:s1] =	stream.indirect.scatter.add.f32 [tilespmem:s17], [sflag:$0x3], $0x80, s26, s16, $0xb8;
	[tilespmem:$0x1E400] =	vst v63  }
0xcf: {  	_ =	swait.ge [sflag:s20], $0x4000  }
0xd0: {  	[sflag:s20] =	ssyncset.done $0x0  }
0xd1: {  	[sflag:s20] =	ssyncadd.s32 $0xFFFFC000  }
0xd2: {  	_ =	swait.ge [sflag:s22], $0x4000  }
0xd3: {  	[sflag:s22] =	ssyncset.done $0x0  }
0xd4: {  	[sflag:s22] =	ssyncadd.s32 $0xFFFFC000  }
0xd5: {  	[spmem:s1] =	stream.indirect.scatter.add.f32 [tilespmem:s18], [sflag:$0x4], $0x80, s28, s16, $0xb8;
	[tilespmem:$0x1E400] =	vst v63  }
0xd6: {  	_ =	swait.ge [sflag:s24], $0x4000  }
0xd7: {  	s29 =	sadd.s32 $0x1, s29;
	[sflag:s24] =	ssyncset.done $0x0  }
0xd8: {  	p0 =	sne.s32 s29, s12;
	[sflag:s24] =	ssyncadd.s32 $0xFFFFC000  }
.Ltmp4:
0xd9: {  	[bflag:$0x0] =	sbarrier.arrive $0xFFFF;
	(pc) =	sbr.rel @p0 .LBB2_1-.Ltmp4, $4  }
0xda: {  	[hbm:s11], [sflag:s6] =	dma.local [spmem:s13], $0x2780  }
0xdb: {  	_ =	swait.ge [sflag:s14], $0x2780  }
0xdc: {  	[sflag:s14] =	ssyncset.done $0x0  }
0xdd: {  	[sflag:s14] =	ssyncadd.s32 $0xFFFFD880  }
0xde: {  	_ =	sfence.sel $0x180000  }
0xdf: {  	[bflag:$0x0] =	sbarrier.arrive $0xFFFF  }
0xe0: {  	_ =	strace $0x9000004D  }
0xe1: {  	[bflag:$0x2] =	sbarrier.arrive $0xFFFF  }
0xe2: {  	p0 =	sne.s32 s2, $0x0;
	s0 =	rddreg [dreg:$0x2]  }
0xe3: {  	s0 =	sadd.s32 @!p0 $0x100000, s0  }
0xe4: {  	[sflag:s0] =	ssyncadd.tile.s32 @!p0 $0x1;
	_ =	shalt  }
.Lfunc_end2:
_tile_overlayer_lowered:
.L_overlay_start_2:
0xe5: {  	(tag) =	ssettag $0x2  }
0xe6: {  	s0 =	rddreg [dreg:$0x0];
	s2 =	stileid.u32  }
0xe7: {  	s1 =	rddreg [dreg:$0x1];
	p0 =	sne.s32 s2, $0x0  }
0xe8: {  	s3 =	rddreg [dreg:$0x2];
	[bflag:$0x3] =	sbarrier.arrive $0xFFFF;
	s2 =	simm.s32 @!p0 $0x1C05  }
0xe9: {  	[timem:s3], [sflag:s2] =	dma.local @!p0 [hbm:s0], s1  }
0xea: {  	s0 =	simm.s32 @!p0 $0x5  }
0xeb: {  	_ =	swait.ge @!p0 [sflag:s0], s1  }
0xec: {  	s1 =	ssub.s32 @!p0 $0x0, s1;
	[sflag:s0] =	ssyncset.done @!p0 $0x0  }
0xed: {  	[sflag:s0] =	ssyncadd.s32 @!p0 s1  }
0xee: {  	[bflag:$0x3] =	sbarrier.arrive $0xFFFF  }
0xef: {  	_ =	shalt  }

// kernel: kernel.9.cloned.1.call-start
scs
__scs_entry_jumppad:
0x0: {  	(pc) =	sbr.rel $0x88, $3  }
0x1: {  	(tag) =	ssettag $0x0;
	lr =	simm.s32 $0x1  }
0x2: {  	[smem:$0x3F95] =	sst lr;
	_ =	strace $0xD0000000  }
0x3: {  	_ = 	snop  }
0x4: {  	_ = 	snop  }
0x5: {  	_ = 	snop  }
0x6: {  	_ = 	snop  }
0x7: {  	_ = 	snop  }
__scs_overlays_trampoline_lowered:
0x8: {  	[smem:$0x3FA4] =	sst s0  }
0x9: {  	[smem:$0x3FA5] =	sst s1  }
0xa: {  	[smem:$0x3FA6] =	sst s2  }
0xb: {  	[smem:$0x3FA7] =	sst s3  }
0xc: {  	[smem:$0x3FA8] =	sst s4  }
0xd: {  	[smem:$0x3FA9] =	sst s5  }
0xe: {  	[smem:$0x3FAA] =	sst s6  }
0xf: {  	[smem:$0x3FAB] =	sst s7  }
0x10: {  	[smem:$0x3FAC] =	sst s8  }
0x11: {  	[smem:$0x3FAD] =	sst s9;
	s0 =	simm.s32 @!p0 $0x0  }
0x12: {  	s1 =	sld [smem:$0x3F93];
	s0 =	simm.s32 @p0 $0x1  }
0x13: {  	[smem:$0x3FAE] =	sst s0;
	s0 =	simm.s32 @!p1 $0x0  }
0x14: {  	s2 =	sld [smem:$0x3F92];
	s0 =	simm.s32 @p1 $0x1  }
0x15: {  	[smem:$0x3FAF] =	sst s0;
	s0 =	simm.s32 @!p2 $0x0  }
0x16: {  	s3 =	sld [smem:$0x3FDB];
	s0 =	simm.s32 @p2 $0x1  }
0x17: {  	s4 =	simm.s32 $0x1BF5;
	[smem:$0x3FB1] =	sst s0  }
0x18: {  	s0 =	sld [smem:$0x3F94];
	_ =	swait.ge [sflag:s4], $0x0  }
0x19: {  	s7 =	sld [smem:$0x3F95]  }
0x1a: {  	s8 =	sadd.s32 $0xFFFFE003, lr  }
0x1b: {  	s9 =	sadd.s32 $0xFFFFFEF7, lr;
	s5 =	simm.s32 $0xFFFFFFFF;
	p2 =	slt.u32 s8, $0xFFFFF086  }
0x1c: {  	p1 =	slt.u32 s9, $0xF7A;
	s5 =	simm.s32 @!p2 $0x0  }
0x1d: {  	s5 =	simm.s32 @p1 $0x1;
	p0 =	seq.s32 s7, s2  }
0x1e: {  	s7 =	smul.u32 @!p0 $0xF7A, s2;
	p2 =	seq.s32 @!p0 s5, $0x0  }
0x1f: {  	s9 =	smul.u32 $0xF7A, s1;
	s8 =	simm.s32 @!p0 $0x1BF5;
	p2 =	por !p2, p0  }
0x20: {  	[sflag:s8] =	ssyncset.s32 @!p0 $0xFFFFF086;
	s6 =	sadd.s32 @!p0 s3, s7;
	s7 =	simm.s32 @!p0 $0x108  }
0x21: {  	s3 =	sadd.s32 s3, s9;
	s6 =	sadd.s32 @!p0 $0x88, s6;
	s7 =	simm.s32 @p2 $0x1082  }
0x22: {  	[simem:s7], [sflag:s8] =	dma.local @!p0 [hbm:s6], $0xF7A  }
0x23: {  	s9 =	sor.u32 $0xD0000000, s2;
	s6 =	simm.s32 $0x108;
	_ =	swait.ge @!p0 [sflag:s8], $0x0  }
0x24: {  	s3 =	sadd.s32 $0x88, s3;
	s6 =	simm.s32 @!p1 $0x1082;
	[sflag:s4] =	ssyncset.s32 $0xFFFFF086  }
0x25: {  	[simem:s6], [sflag:s4] =	dma.local [hbm:s3], $0xF7A  }
0x26: {  	[smem:$0x3F95] =	sst s1;
	(tag) =	ssettag s2;
	_ =	strace s9  }
0x27: {  	s1 =	sld [smem:$0x3FA5]  }
0x28: {  	s2 =	sld [smem:$0x3FA6]  }
0x29: {  	s4 =	sld [smem:$0x3FA8]  }
0x2a: {  	p0 =	seq.s32 s5, $0x0;
	s5 =	sld [smem:$0x3FA9]  }
0x2b: {  	s6 =	sld [smem:$0x3FAA]  }
0x2c: {  	s7 =	sld [smem:$0x3FAB]  }
0x2d: {  	s3 =	simm.s32 $0x108;
	s8 =	sld [smem:$0x3FAC]  }
0x2e: {  	s3 =	simm.s32 @!p0 $0x1082;
	s9 =	sld [smem:$0x3FAD]  }
0x2f: {  	lr =	sadd.s32 s0, s3;
	s0 =	sld [smem:$0x3FA4]  }
0x30: {  	s3 =	sld [smem:$0x3FA7]  }
0x31: {  	[smem:$0x3FB0] =	sst s10  }
0x32: {  	s10 =	sld [smem:$0x3FAE];
	_ =	sdelay $0x3  }
0x33: {  	p0 =	seq.s32 s10, $0x1;
	s10 =	sld [smem:$0x3FB0];
	_ =	sdelay $0x3  }
0x34: {  	[smem:$0x3FB0] =	sst s10  }
0x35: {  	s10 =	sld [smem:$0x3FAF];
	_ =	sdelay $0x3  }
0x36: {  	p1 =	seq.s32 s10, $0x1;
	s10 =	sld [smem:$0x3FB0];
	_ =	sdelay $0x3  }
0x37: {  	[smem:$0x3FB0] =	sst s10  }
0x38: {  	s10 =	sld [smem:$0x3FB1]  }
0x39: {  	_ = 	snop;
	(pc) =	sbr.ind lr, $3  }
0x3a: {  	_ = 	snop  }
0x3b: {  	_ = 	snop  }
0x3c: {  	p2 =	seq.s32 s10, $0x1;
	s10 =	sld [smem:$0x3FB0]  }
0x3d: {  	_ =	shalt  }
0x3e: {  	_ =	shalt  }
0x3f: {  	_ =	shalt  }
0x40: {  	_ =	shalt  }
0x41: {  	_ =	shalt  }
0x42: {  	_ =	shalt  }
0x43: {  	_ =	shalt  }
0x44: {  	_ =	shalt  }
0x45: {  	_ =	shalt  }
0x46: {  	_ =	shalt  }
0x47: {  	_ =	shalt  }
0x48: {  	_ =	shalt  }
0x49: {  	_ =	shalt  }
0x4a: {  	_ =	shalt  }
0x4b: {  	_ =	shalt  }
0x4c: {  	_ =	shalt  }
0x4d: {  	_ =	shalt  }
0x4e: {  	_ =	shalt  }
0x4f: {  	_ =	shalt  }
0x50: {  	_ =	shalt  }
0x51: {  	_ =	shalt  }
0x52: {  	_ =	shalt  }
0x53: {  	_ =	shalt  }
0x54: {  	_ =	shalt  }
0x55: {  	_ =	shalt  }
0x56: {  	_ =	shalt  }
0x57: {  	_ =	shalt  }
0x58: {  	_ =	shalt  }
0x59: {  	_ =	shalt  }
0x5a: {  	_ =	shalt  }
0x5b: {  	_ =	shalt  }
0x5c: {  	_ =	shalt  }
0x5d: {  	_ =	shalt  }
0x5e: {  	_ =	shalt  }
0x5f: {  	_ =	shalt  }
0x60: {  	_ =	shalt  }
0x61: {  	_ =	shalt  }
0x62: {  	_ =	shalt  }
0x63: {  	_ =	shalt  }
0x64: {  	_ =	shalt  }
0x65: {  	_ =	shalt  }
0x66: {  	_ =	shalt  }
0x67: {  	_ =	shalt  }
0x68: {  	_ =	shalt  }
0x69: {  	_ =	shalt  }
0x6a: {  	_ =	shalt  }
0x6b: {  	_ =	shalt  }
0x6c: {  	_ =	shalt  }
0x6d: {  	_ =	shalt  }
0x6e: {  	_ =	shalt  }
0x6f: {  	_ =	shalt  }
0x70: {  	_ =	shalt  }
0x71: {  	_ =	shalt  }
0x72: {  	_ =	shalt  }
0x73: {  	_ =	shalt  }
0x74: {  	_ =	shalt  }
0x75: {  	_ =	shalt  }
0x76: {  	_ =	shalt  }
0x77: {  	_ =	shalt  }
0x78: {  	_ =	shalt  }
0x79: {  	_ =	shalt  }
0x7a: {  	_ =	shalt  }
0x7b: {  	_ =	shalt  }
0x7c: {  	_ =	shalt  }
0x7d: {  	_ =	shalt  }
0x7e: {  	_ =	shalt  }
0x7f: {  	_ =	shalt  }
0x80: {  	_ =	shalt  }
0x81: {  	_ =	shalt  }
0x82: {  	_ =	shalt  }
0x83: {  	_ =	shalt  }
0x84: {  	_ =	shalt  }
0x85: {  	_ =	shalt  }
0x86: {  	_ =	shalt  }
0x87: {  	_ =	shalt  }
.Lfunc_end0:
.L_simem_size_0:
called_computation_lowered:
.L_overlay_start_0:
0x88: {  	s2 =	sld [smem:$0x3FD9]  }
0x89: {  	s3 =	sld [smem:$0x3FFE];
	_ =	sdelay $0x1  }
0x8a: {  	s1 =	srdreg.scid  }
0x8b: {  	s0 =	sand.u32 $0x1, s1  }
0x8c: {  	s17 =	sshll.u32 s0, $0xA;
	s2 =	sadd.s32 s3, s2  }
0x8d: {  	s2 =	sadd.s32 s2, s17  }
0x8e: {  	[smem:$0x3FBC] =	sst s2  }
0x8f: {  	_ = 	snop  }
0x90: {  	s2 =	sld [smem:$0x3FD0];
	(tm) =	ssettm $0x1  }
0x91: {  	s18 =	sld [smem:$0x3FFB];
	_ =	sdelay $0x3  }
0x92: {  	_ =	strace s18  }
0x93: {  	s3 =	sld [smem:$0x3FFC];
	_ =	sdelay $0x3  }
0x94: {  	_ =	strace s3  }
0x95: {  	s3 =	sld [smem:$0x3FFD];
	_ =	sdelay $0x3  }
0x96: {  	_ =	strace s3  }
0x97: {  	_ =	strace $0x8FFFFFFF  }
0x98: {  	s19 =	sld [smem:$0x3FDB];
	_ =	sdelay $0x1  }
0x99: {  	s4 =	simm.s32 $_scs_section_size  }
0x9a: {  	s5 =	simm.s32 $_size__tile_overlayer_lowered;
	s6 =	simm.s32 $_tile_overlayer_lowered  }
0x9b: {  	s22 =	simm.s32 $0x1BFF;
	s21 =	sshll.u32 s6, $0x1;
	s3 =	sadd.s32 s4, s19  }
0x9c: {  	s7 =	simm.s32 $0x0;
	s20 =	sshll.u32 s5, $0x1;
	s5 =	sadd.s32 s21, s3  }
0x9d: {  	[timem:s7], [sflag:s22] =	dma.local [hbm:s5], s20  }
0x9e: {  	_ =	swait.ge [sflag:s22], s20  }
0x9f: {  	s4 =	ssub.s32 $0x0, s20;
	[sflag:s22] =	ssyncset.done $0x0  }
0xa0: {  	[sflag:s22] =	ssyncadd.s32 s4;
	_ =	sdelay $0x1  }
0xa1: {  	s23 =	simm.s32 $0x1B8B  }
0xa2: {  	_ =	swait.ge [sflag:s23], $0x1  }
0xa3: {  	[sflag:s23] =	ssyncset.done $0x0  }
0xa4: {  	s25 =	simm.s32 $0x1B8E;
	s24 =	sld [smem:$0x3FFE];
	[sflag:s23] =	ssyncadd.s32 $0xFFFFFFFF  }
0xa5: {  	s26 =	simm.s32 $execute0_lowered;
	[smem:$0x3FD2] =	sst s25  }
0xa6: {  	s5 =	sshll.u32 s26, $0x1;
	_ =	strace $0x80000046;
	[dreg:$0x1] =	wrdreg $0xFFFFFFFF  }
0xa7: {  	s28 =	simm.s32 $_size_execute0_lowered;
	s3 =	sadd.s32 s3, s5;
	[dreg:$0x0] =	wrdreg $0x0  }
0xa8: {  	s5 =	sshll.u32 s28, $0x1;
	[dreg:$0x2] =	wrdreg s3  }
0xa9: {  	[dreg:$0x3] =	wrdreg s5  }
0xaa: {  	[dreg:$0x4] =	wrdreg $0xC0  }
0xab: {  	_ =	task [dreg:s7], $0x5FFFF  }
0xac: {  	[dreg:$0x1] =	wrdreg $0xFFFFFFFF  }
0xad: {  	[dreg:$0x0] =	wrdreg $0x60  }
0xae: {  	[dreg:$0x2] =	wrdreg s24  }
0xaf: {  	[dreg:$0x3] =	wrdreg s2  }
0xb0: {  	[dreg:$0x4] =	wrdreg $0x54000  }
0xb1: {  	[dreg:$0x5] =	wrdreg $0x9  }
0xb2: {  	_ =	task.clear_ibuf [dreg:s7], $0x6FFFF;
	_ =	strace $0x90000046  }
0xb3: {  	s29 =	simm.s32 $0x9;
	_ =	strace $0x80000048  }
0xb4: {  	_ =	swait.ge [sflag:s29], $0x1  }
0xb5: {  	[sflag:s29] =	ssyncadd.s32 $0xFFFFFFFF  }
0xb6: {  	_ =	strace $0x90000048  }
0xb7: {  	_ =	sfence  }
0xb8: {  	s30 =	sld [smem:$0x0];
	_ =	sdelay $0x2  }
0xb9: {  	s31 =	sshll.u32 s1, $0xD;
	s1 =	sshrl.u32 s1, $0x2  }
0xba: {  	s3 =	sand.u32 $0x4000, s31;
	s1 =	sadd.s32 s1, s30  }
0xbb: {  	s0 =	sor.u32 s3, s0;
	s1 =	sshll.u32 s1, $0x11  }
0xbc: {  	s0 =	sor.u32 s1, s0  }
0xbd: {  	s0 =	sadd.s32 $0x8F2B, s0  }
0xbe: {  	[sflag:s0] =	ssyncadd.remote.s32 $0x1  }
0xbf: {  	_ =	sfence.sel $0xFFFF  }
0xc0: {  	[dreg:$0x0] =	wrdreg $0xFFFFFFFF;
	(pc) =	sbr.abs _section_cstart, $3  }
0xc1: {  	[dreg:$0x1] =	wrdreg $0xFFFFFFFF  }
0xc2: {  	_ =	task.clear_ibuf [dreg:s7], $0x2FFFF;
	_ =	strace $0x9FFFFFFF  }
0xc3: {  	(tm) =	ssettm $0x7FFFFFFF  }
tec
execute0_lowered:
.L_overlay_start_1:
0x0: {  	(tag) =	ssettag $0x1  }
0x1: {  	s5 =	rddreg [dreg:$0x0]  }
0x2: {  	s6 =	rddreg [dreg:$0x1]  }
0x3: {  	s0 =	srdreg.scid;
	s2 =	rddreg [dreg:$0x2]  }
0x4: {  	s1 =	rddreg [dreg:$0x3];
	s4 =	sand.u32 $0x1, s0  }
0x5: {  	s3 =	simm.s32 $0x0;
	s0 =	stileid.u32;
	s7 =	smul.u32 $0x2800, s4  }
0x6: {  	s13 =	simm.s32 $0x80;
	s14 =	simm.s32 $0x1;
	s8 =	smul.u32 $0x280, s0  }
0x7: {  	s15 =	simm.s32 $0x0;
	[smem:$0x7FF] =	sst s3;
	s9 =	smul.u32 $0x13C00, s0  }
0x8: {  	s10 =	smul.u32 $0x13C000, s4;
	_ =	strace $0x80000047;
	s29 =	ssub.s32 $0x2, s4  }
0x9: {  	s12 =	smul.u32 $0x4F000, s0;
	s4 =	sadd.s32 $0xC200, s5;
	s31 =	sshll.u32 s0, $0x6  }
0xa: {  	s11 =	sshrl.u32 s29, $0x1;
	s7 =	sadd.s32 s8, s7;
	s28 =	sadd.s32 s9, s10  }
0xb: {  	s10 =	ssub.s32 s29, s11;
	s30 =	sshrl.u32 s12, $0x2;
	s9 =	sshrl.u32 s9, $0x3  }
0xc: {  	s11 =	simm.s32 $0x2;
	s7 =	sadd.s32 s7, s5;
	s8 =	sshrl.u32 s28, $0x3  }
0xd: {  	s12 =	sadd.s32 s30, s2;
	s8 =	sadd.s32 s8, s5;
	s5 =	sadd.s32 s6, s9  }
0xe: {  	s6 =	sor.u32 $0x1C02, s31;
	s7 =	sadd.s32 $0x7200, s7;
	s9 =	smax.u32 s10, $0x1  }
0xf: {  	s10 =	sshrl.u32 s12, $0x3;
	s12 =	simm.s32 $0x1400;
	s8 =	sadd.s32 $0xCA00, s8  }
.LBB2_1:
0x10: {  	[spmem:s10], [sflag:s6] =	dma.local [hbm:s5], $0x2780  }
0x11: {  	_ =	swait.ge [sflag:s11], $0x2780  }
0x12: {  	[sflag:s11] =	ssyncset.done $0x0  }
0x13: {  	[sflag:s11] =	ssyncadd.s32 $0xFFFFD880  }
0x14: {  	[tilespmem:s12], [sflag:$0x2] =	stream.linear.gather [hbm4b:s4+s3], $0x4000, $0x38;
	[tilespmem:$0x19000] =	vst v63  }
0x15: {  	_ =	swait.ge [sflag:s11], $0x4000  }
0x16: {  	[sflag:s11] =	ssyncset.done $0x0  }
0x17: {  	[sflag:s11] =	ssyncadd.s32 $0xFFFFC000  }
0x18: {  	[tilespmem:s3], [sflag:$0x2] =	stream.linear.gather [hbm4b:s7+s3], $0x1400, $0x38;
	[tilespmem:$0x19000] =	vst v63  }
0x19: {  	_ =	swait.ge [sflag:s11], $0x1400  }
0x1a: {  	[sflag:s11] =	ssyncset.done $0x0  }
0x1b: {  	[sflag:s11] =	ssyncadd.s32 $0xFFFFEC00  }
0x1c: {  	[bflag:$0x0] =	sbarrier.arrive $0xFFFF  }
0x1d: {  	[spmem:s2] =	stream.indirect.scatter.add.f32 [tilespmem:s12], [sflag:$0x1], $0x80, s3, s13, $0xb8;
	[tilespmem:$0x19000] =	vst v63  }
0x1e: {  	s16 =	simm.s32 $0x80  }
0x1f: {  	[spmem:s2] =	stream.indirect.scatter.add.f32 [tilespmem:s12], [sflag:$0x1], $0x80, s16, s13, $0xb8;
	[tilespmem:$0x19000] =	vst v63  }
0x20: {  	_ =	swait.ge [sflag:s14], $0x4000  }
0x21: {  	s16 =	simm.s32 $0x400;
	[sflag:s14] =	ssyncset.done $0x0  }
.LBB2_2:
0x22: {  	s17 =	sshra.s32 s16, $0x2;
	[sflag:s14] =	ssyncadd.s32 $0xFFFFC000;
	p0 =	sne.s32 s16, $0x4E00  }
0x23: {  	[spmem:s2] =	stream.indirect.scatter.add.f32 [tilespmem:s12], [sflag:$0x1], $0x80, s17, s13, $0xb8;
	[tilespmem:$0x19000] =	vst v63  }
.Ltmp0:
0x24: {  	_ = 	snop;
	(pc) =	sbr.rel @p0 .LBB2_2-.Ltmp0, $4  }
0x25: {  	_ = 	snop  }
0x26: {  	s16 =	sadd.s32 $0x200, s16  }
0x27: {  	_ =	swait.ge [sflag:s14], $0x4000  }
0x28: {  	[sflag:s14] =	ssyncset.done $0x0  }
0x29: {  	[sflag:s14] =	ssyncadd.s32 $0xFFFFC000  }
0x2a: {  	_ =	swait.ge [sflag:s14], $0x4000  }
0x2b: {  	s15 =	sadd.s32 $0x1, s15;
	[sflag:s14] =	ssyncset.done $0x0  }
0x2c: {  	p0 =	sne.s32 s15, s9;
	[sflag:s14] =	ssyncadd.s32 $0xFFFFC000  }
.Ltmp1:
0x2d: {  	[bflag:$0x0] =	sbarrier.arrive $0xFFFF;
	(pc) =	sbr.rel @p0 .LBB2_1-.Ltmp1, $4  }
0x2e: {  	[hbm:s8], [sflag:s6] =	dma.local [spmem:s10], $0x2780  }
0x2f: {  	_ =	swait.ge [sflag:s11], $0x2780  }
0x30: {  	[sflag:s11] =	ssyncset.done $0x0  }
0x31: {  	[sflag:s11] =	ssyncadd.s32 $0xFFFFD880  }
0x32: {  	_ =	sfence.sel $0x180000  }
0x33: {  	[bflag:$0x0] =	sbarrier.arrive $0xFFFF  }
0x34: {  	p0 =	sne.s32 s0, $0x0;
	_ =	strace $0x90000047  }
0x35: {  	s0 =	sadd.s32 @!p0 $0x100000, s1;
	[bflag:$0x2] =	sbarrier.arrive $0xFFFF  }
0x36: {  	[sflag:s0] =	ssyncadd.tile.s32 @!p0 $0x1;
	_ =	shalt  }
.Lfunc_end2:
_tile_overlayer_lowered:
.L_overlay_start_2:
0x37: {  	(tag) =	ssettag $0x2  }
0x38: {  	s0 =	rddreg [dreg:$0x0];
	s2 =	stileid.u32  }
0x39: {  	s1 =	rddreg [dreg:$0x1];
	p0 =	sne.s32 s2, $0x0  }
0x3a: {  	s3 =	rddreg [dreg:$0x2];
	[bflag:$0x3] =	sbarrier.arrive $0xFFFF;
	s2 =	simm.s32 @!p0 $0x1C02  }
0x3b: {  	[timem:s3], [sflag:s2] =	dma.local @!p0 [hbm:s0], s1  }
0x3c: {  	s0 =	simm.s32 @!p0 $0x2  }
0x3d: {  	_ =	swait.ge @!p0 [sflag:s0], s1  }
0x3e: {  	s1 =	ssub.s32 @!p0 $0x0, s1;
	[sflag:s0] =	ssyncset.done @!p0 $0x0  }
0x3f: {  	[sflag:s0] =	ssyncadd.s32 @!p0 s1  }
0x40: {  	[bflag:$0x3] =	sbarrier.arrive $0xFFFF  }
0x41: {  	_ =	shalt  }

</sc_bundles>
